<compile_context>
chip_gen: v7x
topology: tpu7x:2x2x1
jax: 0.10.2.dev20260603
libtpu: 0.0.44.dev20260713+nightly
codegen_flags: <defaults>
</compile_context>

<pallas_src>
import functools

import jax
import jax.numpy as jnp
from jax import lax
from jax.experimental import pallas as pl
from jax.experimental.pallas import tpu as pltpu
from jax.experimental.pallas import tpu_sc as plsc

N = 10000
D = 128
E = 320000
STEPS = 2

CW = 16

NS = 16
EPT = E // NS
CH = 80
NCHUNK = EPT // CH
NB = 50
NBLK = NCHUNK // NB
NPAIRB = NB // 2
R_BIG = 632
R_LAST = N - 15 * R_BIG

BR = 2000
GRID = N // BR


def _segsum_pipeline(sid, feat, ei, acc, src_blk, dst_blk,
                     rows_a, rows_b, sem_a, sem_b, cnt, ones_v):
    def block(j, carry):
        pltpu.sync_copy(ei.at[0, sid, j], src_blk)
        pltpu.sync_copy(ei.at[1, sid, j], dst_blk)
        pltpu.async_copy(feat.at[src_blk.at[0]], rows_a, sem_a)

        def body(k, c):
            g0 = 2 * k
            pltpu.async_copy(feat.at[src_blk.at[g0 + 1]], rows_b, sem_b)
            pltpu.make_async_copy(feat.at[src_blk.at[g0]], rows_a, sem_a).wait()
            pltpu.sync_copy(rows_a, acc.at[dst_blk.at[g0]], add=True)
            if cnt is not None:
                pltpu.sync_copy(ones_v, cnt.at[dst_blk.at[g0]], add=True)

            @pl.when(k + 1 < NPAIRB)
            def _():
                pltpu.async_copy(feat.at[src_blk.at[g0 + 2]], rows_a, sem_a)

            pltpu.make_async_copy(feat.at[src_blk.at[g0 + 1]], rows_b, sem_b).wait()
            pltpu.sync_copy(rows_b, acc.at[dst_blk.at[g0 + 1]], add=True)
            if cnt is not None:
                pltpu.sync_copy(ones_v, cnt.at[dst_blk.at[g0 + 1]], add=True)
            return c

        lax.fori_loop(0, NPAIRB, body, 0)
        return carry

    lax.fori_loop(0, NBLK, block, 0)


def _rowcopy(sid, src_ref, dst_ref):
    r0 = pl.multiple_of(sid * R_BIG, 8)

    @pl.when(sid < NS - 1)
    def _():
        pltpu.sync_copy(src_ref.at[pl.ds(r0, R_BIG)],
                        dst_ref.at[pl.ds(r0, R_BIG)])

    @pl.when(sid == NS - 1)
    def _():
        pltpu.sync_copy(src_ref.at[pl.ds(15 * R_BIG, R_LAST)],
                        dst_ref.at[pl.ds(15 * R_BIG, R_LAST)])


def _segsum_cnt_body(feat0, feat1, ei0, ei1, zinit, zinit_c,
                     ones16, out0, out1, cnt0, cnt1,
                     src_blk, dst_blk, rows_a, rows_b, ones_v,
                     acc, cacc, sem_a, sem_b):
    cid = lax.axis_index("c")
    sid = lax.axis_index("s")
    _rowcopy(sid, zinit, acc)
    _rowcopy(sid, zinit_c, cacc)
    pltpu.sync_copy(ones16, ones_v)
    plsc.subcore_barrier()

    @pl.when(cid == 0)
    def _():
        _segsum_pipeline(sid, feat0, ei0, acc, src_blk, dst_blk,
                         rows_a, rows_b, sem_a, sem_b, cacc, ones_v)
        plsc.subcore_barrier()
        _rowcopy(sid, acc, out0)
        _rowcopy(sid, cacc, cnt0)

    @pl.when(cid == 1)
    def _():
        _segsum_pipeline(sid, feat1, ei1, acc, src_blk, dst_blk,
                         rows_a, rows_b, sem_a, sem_b, cacc, ones_v)
        plsc.subcore_barrier()
        _rowcopy(sid, acc, out1)
        _rowcopy(sid, cacc, cnt1)


def _segsum_nc_body(feat0, feat1, ei0, ei1, zinit,
                    out0, out1,
                    src_blk, dst_blk, rows_a, rows_b,
                    acc, sem_a, sem_b):
    cid = lax.axis_index("c")
    sid = lax.axis_index("s")
    _rowcopy(sid, zinit, acc)
    plsc.subcore_barrier()

    @pl.when(cid == 0)
    def _():
        _segsum_pipeline(sid, feat0, ei0, acc, src_blk, dst_blk,
                         rows_a, rows_b, sem_a, sem_b, None, None)
        plsc.subcore_barrier()
        _rowcopy(sid, acc, out0)

    @pl.when(cid == 1)
    def _():
        _segsum_pipeline(sid, feat1, ei1, acc, src_blk, dst_blk,
                         rows_a, rows_b, sem_a, sem_b, None, None)
        plsc.subcore_barrier()
        _rowcopy(sid, acc, out1)


_SEG_MESH = plsc.VectorSubcoreMesh(core_axis_name="c", subcore_axis_name="s")

_segsum_cnt = functools.partial(
    pl.kernel,
    mesh=_SEG_MESH,
    compiler_params=pltpu.CompilerParams(use_tc_tiling_on_sc=False),
    out_type=[jax.ShapeDtypeStruct((N, D), jnp.float32)] * 2
    + [jax.ShapeDtypeStruct((N, CW), jnp.float32)] * 2,
    scratch_types=[
        pltpu.VMEM((NB, CH), jnp.int32),
        pltpu.VMEM((NB, CH), jnp.int32),
        pltpu.VMEM((CH, D), jnp.float32),
        pltpu.VMEM((CH, D), jnp.float32),
        pltpu.VMEM((CH, CW), jnp.float32),
        pltpu.VMEM_SHARED((N, D), jnp.float32),
        pltpu.VMEM_SHARED((N, CW), jnp.float32),
        pltpu.SemaphoreType.DMA,
        pltpu.SemaphoreType.DMA,
    ],
)(_segsum_cnt_body)

_segsum_nc = functools.partial(
    pl.kernel,
    mesh=_SEG_MESH,
    compiler_params=pltpu.CompilerParams(use_tc_tiling_on_sc=False),
    out_type=[jax.ShapeDtypeStruct((N, D), jnp.float32)] * 2,
    scratch_types=[
        pltpu.VMEM((NB, CH), jnp.int32),
        pltpu.VMEM((NB, CH), jnp.int32),
        pltpu.VMEM((CH, D), jnp.float32),
        pltpu.VMEM((CH, D), jnp.float32),
        pltpu.VMEM_SHARED((N, D), jnp.float32),
        pltpu.SemaphoreType.DMA,
        pltpu.SemaphoreType.DMA,
    ],
)(_segsum_nc_body)


def _feat_body(h_ref, w0_ref, b0_ref, w1_ref, b1_ref, o0_ref, o1_ref):
    h = h_ref[...]
    o0_ref[...] = jnp.dot(h, w0_ref[...],
                          preferred_element_type=jnp.float32) + b0_ref[...]
    o1_ref[...] = jnp.dot(h, w1_ref[...],
                          preferred_element_type=jnp.float32) + b1_ref[...]


_feat = pl.pallas_call(
    _feat_body,
    grid=(GRID,),
    in_specs=[
        pl.BlockSpec((BR, D), lambda i: (i, 0)),
        pl.BlockSpec((D, D), lambda i: (0, 0)),
        pl.BlockSpec((1, D), lambda i: (0, 0)),
        pl.BlockSpec((D, D), lambda i: (0, 0)),
        pl.BlockSpec((1, D), lambda i: (0, 0)),
    ],
    out_specs=[
        pl.BlockSpec((BR, D), lambda i: (i, 0)),
        pl.BlockSpec((BR, D), lambda i: (i, 0)),
    ],
    out_shape=[jax.ShapeDtypeStruct((N, D), jnp.float32)] * 2,
)


def _gru_core(a0_ref, a1_ref, c0_ref, c1_ref, h_ref,
              wih_ref, whh_ref, bih_ref, bhh_ref):
    c0 = jnp.max(c0_ref[...], axis=1, keepdims=True)
    c1 = jnp.max(c1_ref[...], axis=1, keepdims=True)
    m0 = a0_ref[...] / jnp.maximum(c0, 1.0)
    m1 = a1_ref[...] / jnp.maximum(c1, 1.0)
    agg = m0 + m1
    h = h_ref[...]
    gi = jnp.dot(agg, wih_ref[...],
                 preferred_element_type=jnp.float32) + bih_ref[...]
    gh = jnp.dot(h, whh_ref[...],
                 preferred_element_type=jnp.float32) + bhh_ref[...]
    r = jax.nn.sigmoid(gi[:, :D] + gh[:, :D])
    z = jax.nn.sigmoid(gi[:, D:2 * D] + gh[:, D:2 * D])
    n = jnp.tanh(gi[:, 2 * D:] + r * gh[:, 2 * D:])
    return (1.0 - z) * n + z * h


def _gru_body(a0_ref, a1_ref, c0_ref, c1_ref, h_ref,
              wih_ref, whh_ref, bih_ref, bhh_ref, o_ref):
    o_ref[...] = _gru_core(a0_ref, a1_ref, c0_ref, c1_ref, h_ref,
                           wih_ref, whh_ref, bih_ref, bhh_ref)


def _grufeat_body(a0_ref, a1_ref, c0_ref, c1_ref, h_ref,
                  wih_ref, whh_ref, bih_ref, bhh_ref,
                  w0_ref, b0_ref, w1_ref, b1_ref,
                  o_ref, o0_ref, o1_ref):
    hn = _gru_core(a0_ref, a1_ref, c0_ref, c1_ref, h_ref,
                   wih_ref, whh_ref, bih_ref, bhh_ref)
    o_ref[...] = hn
    o0_ref[...] = jnp.dot(hn, w0_ref[...],
                          preferred_element_type=jnp.float32) + b0_ref[...]
    o1_ref[...] = jnp.dot(hn, w1_ref[...],
                          preferred_element_type=jnp.float32) + b1_ref[...]


_GRU_IN_SPECS = [
    pl.BlockSpec((BR, D), lambda i: (i, 0)),
    pl.BlockSpec((BR, D), lambda i: (i, 0)),
    pl.BlockSpec((BR, CW), lambda i: (i, 0)),
    pl.BlockSpec((BR, CW), lambda i: (i, 0)),
    pl.BlockSpec((BR, D), lambda i: (i, 0)),
    pl.BlockSpec((D, 3 * D), lambda i: (0, 0)),
    pl.BlockSpec((D, 3 * D), lambda i: (0, 0)),
    pl.BlockSpec((1, 3 * D), lambda i: (0, 0)),
    pl.BlockSpec((1, 3 * D), lambda i: (0, 0)),
]

_gru = pl.pallas_call(
    _gru_body,
    grid=(GRID,),
    in_specs=_GRU_IN_SPECS,
    out_specs=pl.BlockSpec((BR, D), lambda i: (i, 0)),
    out_shape=jax.ShapeDtypeStruct((N, D), jnp.float32),
)

_grufeat = pl.pallas_call(
    _grufeat_body,
    grid=(GRID,),
    in_specs=_GRU_IN_SPECS + [
        pl.BlockSpec((D, D), lambda i: (0, 0)),
        pl.BlockSpec((1, D), lambda i: (0, 0)),
        pl.BlockSpec((D, D), lambda i: (0, 0)),
        pl.BlockSpec((1, D), lambda i: (0, 0)),
    ],
    out_specs=[
        pl.BlockSpec((BR, D), lambda i: (i, 0)),
        pl.BlockSpec((BR, D), lambda i: (i, 0)),
        pl.BlockSpec((BR, D), lambda i: (i, 0)),
    ],
    out_shape=[jax.ShapeDtypeStruct((N, D), jnp.float32)] * 3,
)


def kernel(x, edge_index_e0, edge_index_e1, W_e0, b_e0, W_e1, b_e1,
           W_ih, W_hh, b_ih, b_hh):
    ei0 = edge_index_e0.reshape(2, NS, NBLK, NB, CH)
    ei1 = edge_index_e1.reshape(2, NS, NBLK, NB, CH)
    w0t = W_e0.T
    w1t = W_e1.T
    wiht = W_ih.T
    whht = W_hh.T
    b0 = b_e0.reshape(1, D)
    b1 = b_e1.reshape(1, D)
    bih = b_ih.reshape(1, 3 * D)
    bhh = b_hh.reshape(1, 3 * D)
    zinit = jnp.zeros((N, D), jnp.float32)
    zinit_c = jnp.zeros((N, CW), jnp.float32)
    ones16 = jnp.ones((CH, CW), jnp.float32)

    f0, f1 = _feat(x, w0t, b0, w1t, b1)
    a0, a1, cnt0, cnt1 = _segsum_cnt(f0, f1, ei0, ei1, zinit, zinit_c, ones16)
    h, f0, f1 = _grufeat(a0, a1, cnt0, cnt1, x, wiht, whht, bih, bhh,
                         w0t, b0, w1t, b1)
    a0, a1 = _segsum_nc(f0, f1, ei0, ei1, zinit)
    return _gru(a0, a1, cnt0, cnt1, h, wiht, whht, bih, bhh)

# --- scband reference (transcript-rebuilt; emitter-appended) ---
"""Pipeline reference for scband-hetero-gated-gcnlayer-83296595739224 (READ-ONLY COPY).

The authoritative reference and input builder live on the scoring server;
editing this copy changes nothing except your own understanding.
"""

import jax, jax.numpy as jnp
import numpy as np

N = 10000
D = 128
E = 320000
STEPS = 2

def setup_inputs(seed: int = 0):
    key = jax.random.key(seed)
    ks = jax.random.split(key, 11)
    s = 1.0 / np.sqrt(D)
    return {
        "x": jax.random.normal(ks[0], (N, D), dtype=jnp.float32),
        "edge_index_e0": jax.random.randint(ks[1], (2, E), 0, N, dtype=jnp.int32),
        "edge_index_e1": jax.random.randint(ks[2], (2, E), 0, N, dtype=jnp.int32),
        "W_e0": jax.random.uniform(ks[3], (D, D), jnp.float32, -s, s),
        "b_e0": jax.random.uniform(ks[4], (D,), jnp.float32, -s, s),
        "W_e1": jax.random.uniform(ks[5], (D, D), jnp.float32, -s, s),
        "b_e1": jax.random.uniform(ks[6], (D,), jnp.float32, -s, s),
        "W_ih": jax.random.uniform(ks[7], (3 * D, D), jnp.float32, -s, s),
        "W_hh": jax.random.uniform(ks[8], (3 * D, D), jnp.float32, -s, s),
        "b_ih": jax.random.uniform(ks[9], (3 * D,), jnp.float32, -s, s),
        "b_hh": jax.random.uniform(ks[10], (3 * D,), jnp.float32, -s, s),
    }

def _mean_agg(feat, edge_index):
    # DGL copy_u + fn.mean: mean of src-transformed features over incoming edges per dst node
    src = edge_index[0]
    dst = edge_index[1]
    msgs = jnp.take(feat, src, axis=0)
    ssum = jax.ops.segment_sum(msgs, dst, num_segments=N)
    cnt = jax.ops.segment_sum(jnp.ones((edge_index.shape[1],), dtype=feat.dtype), dst, num_segments=N)
    return ssum / jnp.maximum(cnt, 1.0)[:, None]

def _gru_cell(x_in, h, W_ih, W_hh, b_ih, b_hh):
    # PyTorch nn.GRUCell gate order: r, z, n
    gi = x_in @ W_ih.T + b_ih
    gh = h @ W_hh.T + b_hh
    i_r, i_z, i_n = jnp.split(gi, 3, axis=1)
    h_r, h_z, h_n = jnp.split(gh, 3, axis=1)
    r = jax.nn.sigmoid(i_r + h_r)
    z = jax.nn.sigmoid(i_z + h_z)
    n = jnp.tanh(i_n + r * h_n)
    return (1.0 - z) * n + z * h

def reference(x, edge_index_e0, edge_index_e1, W_e0, b_e0, W_e1, b_e1, W_ih, W_hh, b_ih, b_hh):
    h = x
    for _ in range(STEPS):
        m0 = _mean_agg(h @ W_e0.T + b_e0, edge_index_e0)
        m1 = _mean_agg(h @ W_e1.T + b_e1, edge_index_e1)
        agg = m0 + m1  # multi_update_all cross-type reducer 'sum'
        h = _gru_cell(agg, h, W_ih, W_hh, b_ih, b_hh)
        # use_norm=False; dropout is identity in eval mode
    return h

if __name__ == "__main__":
    import jax
    _d = setup_inputs()
    print(jax.jit(kernel)(*tuple(_d.values())))

</pallas_src>

<mosaic_0001>
#map = affine_map<(d0, d1) -> (0, 0)>
#map1 = affine_map<(d0, d1) -> (0, 0, 0, 0, 0)>
module attributes {stable_mosaic.version = 14 : i64} {
  func.func @_segsum_cnt_body(%arg0: i32, %arg1: i32, %arg2: memref<10000x128xf32, #tpu.memory_space<hbm>>, %arg3: memref<10000x128xf32, #tpu.memory_space<hbm>>, %arg4: memref<2x16x5x50x80xi32, #tpu.memory_space<hbm>>, %arg5: memref<2x16x5x50x80xi32, #tpu.memory_space<hbm>>, %arg6: memref<10000x128xf32, #tpu.memory_space<hbm>>, %arg7: memref<10000x16xf32, #tpu.memory_space<hbm>>, %arg8: memref<80x16xf32, #tpu.memory_space<hbm>>, %arg9: memref<10000x128xf32, #tpu.memory_space<hbm>>, %arg10: memref<10000x128xf32, #tpu.memory_space<hbm>>, %arg11: memref<10000x16xf32, #tpu.memory_space<hbm>>, %arg12: memref<10000x16xf32, #tpu.memory_space<hbm>>, %arg13: memref<50x80xi32, #tpu.memory_space<vmem>>, %arg14: memref<50x80xi32, #tpu.memory_space<vmem>>, %arg15: memref<80x128xf32, #tpu.memory_space<vmem>>, %arg16: memref<80x128xf32, #tpu.memory_space<vmem>>, %arg17: memref<80x16xf32, #tpu.memory_space<vmem>>, %arg18: memref<10000x128xf32, #tpu.memory_space<vmem_shared>>, %arg19: memref<10000x16xf32, #tpu.memory_space<vmem_shared>>, %arg20: memref<!tpu.dma_semaphore, #tpu.memory_space<semaphore_mem>>, %arg21: memref<!tpu.dma_semaphore, #tpu.memory_space<semaphore_mem>>) attributes {dimension_semantics = [#tpu.dimension_semantics<core_parallel>, #tpu.dimension_semantics<subcore_parallel>], iteration_bounds = array<i64: 2, 16>, scalar_prefetch = 0 : i64, scratch_operands = 9 : i64, tpu.core_type = #tpu.core_type<sc_vector_subcore>, window_params = [{transform_indices = #map}, {transform_indices = #map}, {transform_indices = #map1}, {transform_indices = #map1}, {transform_indices = #map}, {transform_indices = #map}, {transform_indices = #map}, {transform_indices = #map}, {transform_indices = #map}, {transform_indices = #map}, {transform_indices = #map}]} {
    %mul3A = arith.constant 632 : i32
    %mul3A_0 = arith.muli %arg1, %mul3A : i32
    %multiple_of3A = tpu.assume_multiple %mul3A_0, 8 : i32
    %lt3A = arith.constant 15 : i32
    %lt3A_1 = arith.cmpi slt, %arg1, %lt3A : i32
    %convert_element_type3A = arith.extui %lt3A_1 : i1 to i32
    %cond3A = arith.constant 0 : i32
    %cond3A_2 = arith.cmpi ne, %convert_element_type3A, %cond3A : i32
    scf.if %cond3A_2 {
      "tpu.region"() ({
        %run_scoped3A = tpu.sem_alloc : memref<!tpu.dma_semaphore, #tpu.memory_space<semaphore_mem>>
        %dma_start3A = arith.constant 0 : i32
        %dma_start3A_30 = tpu.memref_slice %arg18[%multiple_of3A, %dma_start3A] : memref<10000x128xf32, #tpu.memory_space<vmem_shared>> -> memref<632x128xf32, #tpu.memory_space<vmem_shared>>
        %dma_start3A_31 = arith.constant 0 : i32
        %dma_start3A_32 = tpu.memref_slice %arg6[%multiple_of3A, %dma_start3A_31] : memref<10000x128xf32, #tpu.memory_space<hbm>> -> memref<632x128xf32, #tpu.memory_space<hbm>>
        tpu.enqueue_dma source(%dma_start3A_32 : memref<632x128xf32, #tpu.memory_space<hbm>>) target(%dma_start3A_30 : memref<632x128xf32, #tpu.memory_space<vmem_shared>>) target_semaphore(%run_scoped3A : memref<!tpu.dma_semaphore, #tpu.memory_space<semaphore_mem>>)
        %dma_wait3A = arith.constant 0 : i32
        %dma_wait3A_33 = tpu.memref_slice %arg18[%multiple_of3A, %dma_wait3A] : memref<10000x128xf32, #tpu.memory_space<vmem_shared>> -> memref<632x128xf32, #tpu.memory_space<vmem_shared>>
        %dma_wait3A_34 = arith.constant 0 : i32
        %dma_wait3A_35 = tpu.memref_slice %arg6[%multiple_of3A, %dma_wait3A_34] : memref<10000x128xf32, #tpu.memory_space<hbm>> -> memref<632x128xf32, #tpu.memory_space<hbm>>
        tpu.wait_dma2 semaphore(%run_scoped3A : memref<!tpu.dma_semaphore, #tpu.memory_space<semaphore_mem>>) src(%dma_wait3A_35 : memref<632x128xf32, #tpu.memory_space<hbm>>) dst(%dma_wait3A_33 : memref<632x128xf32, #tpu.memory_space<vmem_shared>>)
        tpu.yield
      }) : () -> ()
    } else {
    }
    %eq3A = arith.constant 15 : i32
    %eq3A_3 = arith.cmpi eq, %arg1, %eq3A : i32
    %convert_element_type3A_4 = arith.extui %eq3A_3 : i1 to i32
    %cond3A_5 = arith.constant 0 : i32
    %cond3A_6 = arith.cmpi ne, %convert_element_type3A_4, %cond3A_5 : i32
    scf.if %cond3A_6 {
      "tpu.region"() ({
        %run_scoped3A = tpu.sem_alloc : memref<!tpu.dma_semaphore, #tpu.memory_space<semaphore_mem>>
        %dma_start3A = arith.constant 9480 : i32
        %dma_start3A_30 = arith.constant 0 : i32
        %dma_start3A_31 = tpu.memref_slice %arg18[%dma_start3A, %dma_start3A_30] : memref<10000x128xf32, #tpu.memory_space<vmem_shared>> -> memref<520x128xf32, #tpu.memory_space<vmem_shared>>
        %dma_start3A_32 = arith.constant 9480 : i32
        %dma_start3A_33 = arith.constant 0 : i32
        %dma_start3A_34 = tpu.memref_slice %arg6[%dma_start3A_32, %dma_start3A_33] : memref<10000x128xf32, #tpu.memory_space<hbm>> -> memref<520x128xf32, #tpu.memory_space<hbm>>
        tpu.enqueue_dma source(%dma_start3A_34 : memref<520x128xf32, #tpu.memory_space<hbm>>) target(%dma_start3A_31 : memref<520x128xf32, #tpu.memory_space<vmem_shared>>) target_semaphore(%run_scoped3A : memref<!tpu.dma_semaphore, #tpu.memory_space<semaphore_mem>>)
        %dma_wait3A = arith.constant 9480 : i32
        %dma_wait3A_35 = arith.constant 0 : i32
        %dma_wait3A_36 = tpu.memref_slice %arg18[%dma_wait3A, %dma_wait3A_35] : memref<10000x128xf32, #tpu.memory_space<vmem_shared>> -> memref<520x128xf32, #tpu.memory_space<vmem_shared>>
        %dma_wait3A_37 = arith.constant 9480 : i32
        %dma_wait3A_38 = arith.constant 0 : i32
        %dma_wait3A_39 = tpu.memref_slice %arg6[%dma_wait3A_37, %dma_wait3A_38] : memref<10000x128xf32, #tpu.memory_space<hbm>> -> memref<520x128xf32, #tpu.memory_space<hbm>>
        tpu.wait_dma2 semaphore(%run_scoped3A : memref<!tpu.dma_semaphore, #tpu.memory_space<semaphore_mem>>) src(%dma_wait3A_39 : memref<520x128xf32, #tpu.memory_space<hbm>>) dst(%dma_wait3A_36 : memref<520x128xf32, #tpu.memory_space<vmem_shared>>)
        tpu.yield
      }) : () -> ()
    } else {
    }
    %mul3A_7 = arith.constant 632 : i32
    %mul3A_8 = arith.muli %arg1, %mul3A_7 : i32
    %multiple_of3A_9 = tpu.assume_multiple %mul3A_8, 8 : i32
    %lt3A_10 = arith.constant 15 : i32
    %lt3A_11 = arith.cmpi slt, %arg1, %lt3A_10 : i32
    %convert_element_type3A_12 = arith.extui %lt3A_11 : i1 to i32
    %cond3A_13 = arith.constant 0 : i32
    %cond3A_14 = arith.cmpi ne, %convert_element_type3A_12, %cond3A_13 : i32
    scf.if %cond3A_14 {
      "tpu.region"() ({
        %run_scoped3A = tpu.sem_alloc : memref<!tpu.dma_semaphore, #tpu.memory_space<semaphore_mem>>
        %dma_start3A = arith.constant 0 : i32
        %dma_start3A_30 = tpu.memref_slice %arg19[%multiple_of3A_9, %dma_start3A] : memref<10000x16xf32, #tpu.memory_space<vmem_shared>> -> memref<632x16xf32, #tpu.memory_space<vmem_shared>>
        %dma_start3A_31 = arith.constant 0 : i32
        %dma_start3A_32 = tpu.memref_slice %arg7[%multiple_of3A_9, %dma_start3A_31] : memref<10000x16xf32, #tpu.memory_space<hbm>> -> memref<632x16xf32, #tpu.memory_space<hbm>>
        tpu.enqueue_dma source(%dma_start3A_32 : memref<632x16xf32, #tpu.memory_space<hbm>>) target(%dma_start3A_30 : memref<632x16xf32, #tpu.memory_space<vmem_shared>>) target_semaphore(%run_scoped3A : memref<!tpu.dma_semaphore, #tpu.memory_space<semaphore_mem>>)
        %dma_wait3A = arith.constant 0 : i32
        %dma_wait3A_33 = tpu.memref_slice %arg19[%multiple_of3A_9, %dma_wait3A] : memref<10000x16xf32, #tpu.memory_space<vmem_shared>> -> memref<632x16xf32, #tpu.memory_space<vmem_shared>>
        %dma_wait3A_34 = arith.constant 0 : i32
        %dma_wait3A_35 = tpu.memref_slice %arg7[%multiple_of3A_9, %dma_wait3A_34] : memref<10000x16xf32, #tpu.memory_space<hbm>> -> memref<632x16xf32, #tpu.memory_space<hbm>>
        tpu.wait_dma2 semaphore(%run_scoped3A : memref<!tpu.dma_semaphore, #tpu.memory_space<semaphore_mem>>) src(%dma_wait3A_35 : memref<632x16xf32, #tpu.memory_space<hbm>>) dst(%dma_wait3A_33 : memref<632x16xf32, #tpu.memory_space<vmem_shared>>)
        tpu.yield
      }) : () -> ()
    } else {
    }
    %eq3A_15 = arith.constant 15 : i32
    %eq3A_16 = arith.cmpi eq, %arg1, %eq3A_15 : i32
    %convert_element_type3A_17 = arith.extui %eq3A_16 : i1 to i32
    %cond3A_18 = arith.constant 0 : i32
    %cond3A_19 = arith.cmpi ne, %convert_element_type3A_17, %cond3A_18 : i32
    scf.if %cond3A_19 {
      "tpu.region"() ({
        %run_scoped3A = tpu.sem_alloc : memref<!tpu.dma_semaphore, #tpu.memory_space<semaphore_mem>>
        %dma_start3A = arith.constant 9480 : i32
        %dma_start3A_30 = arith.constant 0 : i32
        %dma_start3A_31 = tpu.memref_slice %arg19[%dma_start3A, %dma_start3A_30] : memref<10000x16xf32, #tpu.memory_space<vmem_shared>> -> memref<520x16xf32, #tpu.memory_space<vmem_shared>>
        %dma_start3A_32 = arith.constant 9480 : i32
        %dma_start3A_33 = arith.constant 0 : i32
        %dma_start3A_34 = tpu.memref_slice %arg7[%dma_start3A_32, %dma_start3A_33] : memref<10000x16xf32, #tpu.memory_space<hbm>> -> memref<520x16xf32, #tpu.memory_space<hbm>>
        tpu.enqueue_dma source(%dma_start3A_34 : memref<520x16xf32, #tpu.memory_space<hbm>>) target(%dma_start3A_31 : memref<520x16xf32, #tpu.memory_space<vmem_shared>>) target_semaphore(%run_scoped3A : memref<!tpu.dma_semaphore, #tpu.memory_space<semaphore_mem>>)
        %dma_wait3A = arith.constant 9480 : i32
        %dma_wait3A_35 = arith.constant 0 : i32
        %dma_wait3A_36 = tpu.memref_slice %arg19[%dma_wait3A, %dma_wait3A_35] : memref<10000x16xf32, #tpu.memory_space<vmem_shared>> -> memref<520x16xf32, #tpu.memory_space<vmem_shared>>
        %dma_wait3A_37 = arith.constant 9480 : i32
        %dma_wait3A_38 = arith.constant 0 : i32
        %dma_wait3A_39 = tpu.memref_slice %arg7[%dma_wait3A_37, %dma_wait3A_38] : memref<10000x16xf32, #tpu.memory_space<hbm>> -> memref<520x16xf32, #tpu.memory_space<hbm>>
        tpu.wait_dma2 semaphore(%run_scoped3A : memref<!tpu.dma_semaphore, #tpu.memory_space<semaphore_mem>>) src(%dma_wait3A_39 : memref<520x16xf32, #tpu.memory_space<hbm>>) dst(%dma_wait3A_36 : memref<520x16xf32, #tpu.memory_space<vmem_shared>>)
        tpu.yield
      }) : () -> ()
    } else {
    }
    "tpu.region"() ({
      %run_scoped3A = tpu.sem_alloc : memref<!tpu.dma_semaphore, #tpu.memory_space<semaphore_mem>>
      tpu.enqueue_dma source(%arg8 : memref<80x16xf32, #tpu.memory_space<hbm>>) target(%arg17 : memref<80x16xf32, #tpu.memory_space<vmem>>) target_semaphore(%run_scoped3A : memref<!tpu.dma_semaphore, #tpu.memory_space<semaphore_mem>>)
      tpu.wait_dma2 semaphore(%run_scoped3A : memref<!tpu.dma_semaphore, #tpu.memory_space<semaphore_mem>>) src(%arg8 : memref<80x16xf32, #tpu.memory_space<hbm>>) dst(%arg17 : memref<80x16xf32, #tpu.memory_space<vmem>>)
      tpu.yield
    }) : () -> ()
    %barrier3A = arith.constant 0 : index
    tpu.barrier barrier_id(%barrier3A)
    %eq3A_20 = arith.constant 0 : i32
    %eq3A_21 = arith.cmpi eq, %arg0, %eq3A_20 : i32
    %convert_element_type3A_22 = arith.extui %eq3A_21 : i1 to i32
    %cond3A_23 = arith.constant 0 : i32
    %cond3A_24 = arith.cmpi ne, %convert_element_type3A_22, %cond3A_23 : i32
    scf.if %cond3A_24 {
      %scan3A = arith.constant 0 : i32
      %scan3A_30 = arith.constant 0 : i32
      %scan3A_31 = arith.constant 5 : i32
      %scan3A_32 = arith.addi %scan3A_30, %scan3A_31 : i32
      %scan3A_33 = arith.constant 1 : i32
      scf.for %scan3A_62 = %scan3A_30 to %scan3A_32 step %scan3A_33  : i32 {
        %run_scoped3A = arith.constant 0 : i32
        "tpu.region"() ({
          %run_scoped3A_76 = tpu.sem_alloc : memref<!tpu.dma_semaphore, #tpu.memory_space<semaphore_mem>>
          %dma_start3A_77 = arith.constant 0 : i32
          %dma_start3A_78 = arith.constant 0 : i32
          %dma_start3A_79 = tpu.memref_slice %arg4[%run_scoped3A, %arg1, %scan3A_62, %dma_start3A_77, %dma_start3A_78] : memref<2x16x5x50x80xi32, #tpu.memory_space<hbm>> -> memref<1x1x1x50x80xi32, #tpu.memory_space<hbm>>
          %dma_start3A_80 = tpu.memref_squeeze %dma_start3A_79 : memref<1x1x1x50x80xi32, #tpu.memory_space<hbm>> -> memref<50x80xi32, #tpu.memory_space<hbm>>
          %dma_start3A_81 = arith.constant 0 : i32
          %dma_start3A_82 = arith.constant 0 : i32
          %dma_start3A_83 = tpu.memref_slice %arg4[%run_scoped3A, %arg1, %scan3A_62, %dma_start3A_81, %dma_start3A_82] : memref<2x16x5x50x80xi32, #tpu.memory_space<hbm>> -> memref<1x1x1x50x80xi32, #tpu.memory_space<hbm>>
          %dma_start3A_84 = tpu.memref_squeeze %dma_start3A_83 : memref<1x1x1x50x80xi32, #tpu.memory_space<hbm>> -> memref<50x80xi32, #tpu.memory_space<hbm>>
          tpu.enqueue_dma source(%dma_start3A_84 : memref<50x80xi32, #tpu.memory_space<hbm>>) target(%arg13 : memref<50x80xi32, #tpu.memory_space<vmem>>) target_semaphore(%run_scoped3A_76 : memref<!tpu.dma_semaphore, #tpu.memory_space<semaphore_mem>>)
          %dma_wait3A = arith.constant 0 : i32
          %dma_wait3A_85 = arith.constant 0 : i32
          %dma_wait3A_86 = tpu.memref_slice %arg4[%run_scoped3A, %arg1, %scan3A_62, %dma_wait3A, %dma_wait3A_85] : memref<2x16x5x50x80xi32, #tpu.memory_space<hbm>> -> memref<1x1x1x50x80xi32, #tpu.memory_space<hbm>>
          %dma_wait3A_87 = tpu.memref_squeeze %dma_wait3A_86 : memref<1x1x1x50x80xi32, #tpu.memory_space<hbm>> -> memref<50x80xi32, #tpu.memory_space<hbm>>
          %dma_wait3A_88 = arith.constant 0 : i32
          %dma_wait3A_89 = arith.constant 0 : i32
          %dma_wait3A_90 = tpu.memref_slice %arg4[%run_scoped3A, %arg1, %scan3A_62, %dma_wait3A_88, %dma_wait3A_89] : memref<2x16x5x50x80xi32, #tpu.memory_space<hbm>> -> memref<1x1x1x50x80xi32, #tpu.memory_space<hbm>>
          %dma_wait3A_91 = tpu.memref_squeeze %dma_wait3A_90 : memref<1x1x1x50x80xi32, #tpu.memory_space<hbm>> -> memref<50x80xi32, #tpu.memory_space<hbm>>
          tpu.wait_dma2 semaphore(%run_scoped3A_76 : memref<!tpu.dma_semaphore, #tpu.memory_space<semaphore_mem>>) src(%dma_wait3A_91 : memref<50x80xi32, #tpu.memory_space<hbm>>) dst(%arg13 : memref<50x80xi32, #tpu.memory_space<vmem>>)
          tpu.yield
        }) : () -> ()
        %run_scoped3A_63 = arith.constant 1 : i32
        "tpu.region"() ({
          %run_scoped3A_76 = tpu.sem_alloc : memref<!tpu.dma_semaphore, #tpu.memory_space<semaphore_mem>>
          %dma_start3A_77 = arith.constant 0 : i32
          %dma_start3A_78 = arith.constant 0 : i32
          %dma_start3A_79 = tpu.memref_slice %arg4[%run_scoped3A_63, %arg1, %scan3A_62, %dma_start3A_77, %dma_start3A_78] : memref<2x16x5x50x80xi32, #tpu.memory_space<hbm>> -> memref<1x1x1x50x80xi32, #tpu.memory_space<hbm>>
          %dma_start3A_80 = tpu.memref_squeeze %dma_start3A_79 : memref<1x1x1x50x80xi32, #tpu.memory_space<hbm>> -> memref<50x80xi32, #tpu.memory_space<hbm>>
          %dma_start3A_81 = arith.constant 0 : i32
          %dma_start3A_82 = arith.constant 0 : i32
          %dma_start3A_83 = tpu.memref_slice %arg4[%run_scoped3A_63, %arg1, %scan3A_62, %dma_start3A_81, %dma_start3A_82] : memref<2x16x5x50x80xi32, #tpu.memory_space<hbm>> -> memref<1x1x1x50x80xi32, #tpu.memory_space<hbm>>
          %dma_start3A_84 = tpu.memref_squeeze %dma_start3A_83 : memref<1x1x1x50x80xi32, #tpu.memory_space<hbm>> -> memref<50x80xi32, #tpu.memory_space<hbm>>
          tpu.enqueue_dma source(%dma_start3A_84 : memref<50x80xi32, #tpu.memory_space<hbm>>) target(%arg14 : memref<50x80xi32, #tpu.memory_space<vmem>>) target_semaphore(%run_scoped3A_76 : memref<!tpu.dma_semaphore, #tpu.memory_space<semaphore_mem>>)
          %dma_wait3A = arith.constant 0 : i32
          %dma_wait3A_85 = arith.constant 0 : i32
          %dma_wait3A_86 = tpu.memref_slice %arg4[%run_scoped3A_63, %arg1, %scan3A_62, %dma_wait3A, %dma_wait3A_85] : memref<2x16x5x50x80xi32, #tpu.memory_space<hbm>> -> memref<1x1x1x50x80xi32, #tpu.memory_space<hbm>>
          %dma_wait3A_87 = tpu.memref_squeeze %dma_wait3A_86 : memref<1x1x1x50x80xi32, #tpu.memory_space<hbm>> -> memref<50x80xi32, #tpu.memory_space<hbm>>
          %dma_wait3A_88 = arith.constant 0 : i32
          %dma_wait3A_89 = arith.constant 0 : i32
          %dma_wait3A_90 = tpu.memref_slice %arg4[%run_scoped3A_63, %arg1, %scan3A_62, %dma_wait3A_88, %dma_wait3A_89] : memref<2x16x5x50x80xi32, #tpu.memory_space<hbm>> -> memref<1x1x1x50x80xi32, #tpu.memory_space<hbm>>
          %dma_wait3A_91 = tpu.memref_squeeze %dma_wait3A_90 : memref<1x1x1x50x80xi32, #tpu.memory_space<hbm>> -> memref<50x80xi32, #tpu.memory_space<hbm>>
          tpu.wait_dma2 semaphore(%run_scoped3A_76 : memref<!tpu.dma_semaphore, #tpu.memory_space<semaphore_mem>>) src(%dma_wait3A_91 : memref<50x80xi32, #tpu.memory_space<hbm>>) dst(%arg14 : memref<50x80xi32, #tpu.memory_space<vmem>>)
          tpu.yield
        }) : () -> ()
        %dma_start3A = arith.constant 0 : i32
        %dma_start3A_64 = arith.constant 0 : i32
        %dma_start3A_65 = tpu.memref_slice %arg13[%dma_start3A, %dma_start3A_64] : memref<50x80xi32, #tpu.memory_space<vmem>> -> memref<1x80xi32, #tpu.memory_space<vmem>>
        %dma_start3A_66 = tpu.memref_squeeze %dma_start3A_65 : memref<1x80xi32, #tpu.memory_space<vmem>> -> memref<80xi32, #tpu.memory_space<vmem>>
        %dma_start3A_67 = arith.constant 0 : i32
        %dma_start3A_68 = arith.constant 0 : i32
        %dma_start3A_69 = tpu.memref_slice %arg2[%dma_start3A_67, %dma_start3A_68] : memref<10000x128xf32, #tpu.memory_space<hbm>> -> memref<10000x128xf32, #tpu.memory_space<hbm>>
        tpu.enqueue_indirect_dma source(%dma_start3A_69 : memref<10000x128xf32, #tpu.memory_space<hbm>>) target(%arg15 : memref<80x128xf32, #tpu.memory_space<vmem>>) offsets(%dma_start3A_66 : memref<80xi32, #tpu.memory_space<vmem>>) semaphore(%arg20 : memref<!tpu.dma_semaphore, #tpu.memory_space<semaphore_mem>>)
        %scan3A_70 = arith.constant 0 : i32
        %scan3A_71 = arith.constant 0 : i32
        %scan3A_72 = arith.constant 25 : i32
        %scan3A_73 = arith.addi %scan3A_71, %scan3A_72 : i32
        %scan3A_74 = arith.constant 1 : i32
        scf.for %scan3A_76 = %scan3A_71 to %scan3A_73 step %scan3A_74  : i32 {
          %mul3A_77 = arith.constant 2 : i32
          %mul3A_78 = arith.muli %mul3A_77, %scan3A_76 : i32
          %add3A = arith.constant 1 : i32
          %add3A_79 = arith.addi %mul3A_78, %add3A : i32
          %dma_start3A_80 = arith.constant 0 : i32
          %dma_start3A_81 = tpu.memref_slice %arg13[%add3A_79, %dma_start3A_80] : memref<50x80xi32, #tpu.memory_space<vmem>> -> memref<1x80xi32, #tpu.memory_space<vmem>>
          %dma_start3A_82 = tpu.memref_squeeze %dma_start3A_81 : memref<1x80xi32, #tpu.memory_space<vmem>> -> memref<80xi32, #tpu.memory_space<vmem>>
          %dma_start3A_83 = arith.constant 0 : i32
          %dma_start3A_84 = arith.constant 0 : i32
          %dma_start3A_85 = tpu.memref_slice %arg2[%dma_start3A_83, %dma_start3A_84] : memref<10000x128xf32, #tpu.memory_space<hbm>> -> memref<10000x128xf32, #tpu.memory_space<hbm>>
          tpu.enqueue_indirect_dma source(%dma_start3A_85 : memref<10000x128xf32, #tpu.memory_space<hbm>>) target(%arg16 : memref<80x128xf32, #tpu.memory_space<vmem>>) offsets(%dma_start3A_82 : memref<80xi32, #tpu.memory_space<vmem>>) semaphore(%arg21 : memref<!tpu.dma_semaphore, #tpu.memory_space<semaphore_mem>>)
          %dma_wait3A = arith.constant 0 : i32
          %dma_wait3A_86 = tpu.memref_slice %arg13[%mul3A_78, %dma_wait3A] : memref<50x80xi32, #tpu.memory_space<vmem>> -> memref<1x80xi32, #tpu.memory_space<vmem>>
          %dma_wait3A_87 = tpu.memref_squeeze %dma_wait3A_86 : memref<1x80xi32, #tpu.memory_space<vmem>> -> memref<80xi32, #tpu.memory_space<vmem>>
          %dma_wait3A_88 = arith.constant 0 : i32
          %dma_wait3A_89 = arith.constant 0 : i32
          %dma_wait3A_90 = tpu.memref_slice %arg2[%dma_wait3A_88, %dma_wait3A_89] : memref<10000x128xf32, #tpu.memory_space<hbm>> -> memref<10000x128xf32, #tpu.memory_space<hbm>>
          tpu.wait_indirect_dma semaphore(%arg20 : memref<!tpu.dma_semaphore, #tpu.memory_space<semaphore_mem>>) src(%dma_wait3A_90 : memref<10000x128xf32, #tpu.memory_space<hbm>>) dst(%arg15 : memref<80x128xf32, #tpu.memory_space<vmem>>)
          "tpu.region"() ({
            %run_scoped3A_110 = tpu.sem_alloc : memref<!tpu.dma_semaphore, #tpu.memory_space<semaphore_mem>>
            %dma_start3A_111 = arith.constant 0 : i32
            %dma_start3A_112 = tpu.memref_slice %arg14[%mul3A_78, %dma_start3A_111] : memref<50x80xi32, #tpu.memory_space<vmem>> -> memref<1x80xi32, #tpu.memory_space<vmem>>
            %dma_start3A_113 = tpu.memref_squeeze %dma_start3A_112 : memref<1x80xi32, #tpu.memory_space<vmem>> -> memref<80xi32, #tpu.memory_space<vmem>>
            %dma_start3A_114 = arith.constant 0 : i32
            %dma_start3A_115 = arith.constant 0 : i32
            %dma_start3A_116 = tpu.memref_slice %arg18[%dma_start3A_114, %dma_start3A_115] : memref<10000x128xf32, #tpu.memory_space<vmem_shared>> -> memref<10000x128xf32, #tpu.memory_space<vmem_shared>>
            tpu.enqueue_indirect_dma source(%arg15 : memref<80x128xf32, #tpu.memory_space<vmem>>) target(%dma_start3A_116 : memref<10000x128xf32, #tpu.memory_space<vmem_shared>>) offsets(%dma_start3A_113 : memref<80xi32, #tpu.memory_space<vmem>>) semaphore(%run_scoped3A_110 : memref<!tpu.dma_semaphore, #tpu.memory_space<semaphore_mem>>) {add = true}
            %dma_wait3A_117 = arith.constant 0 : i32
            %dma_wait3A_118 = tpu.memref_slice %arg14[%mul3A_78, %dma_wait3A_117] : memref<50x80xi32, #tpu.memory_space<vmem>> -> memref<1x80xi32, #tpu.memory_space<vmem>>
            %dma_wait3A_119 = tpu.memref_squeeze %dma_wait3A_118 : memref<1x80xi32, #tpu.memory_space<vmem>> -> memref<80xi32, #tpu.memory_space<vmem>>
            %dma_wait3A_120 = arith.constant 0 : i32
            %dma_wait3A_121 = arith.constant 0 : i32
            %dma_wait3A_122 = tpu.memref_slice %arg18[%dma_wait3A_120, %dma_wait3A_121] : memref<10000x128xf32, #tpu.memory_space<vmem_shared>> -> memref<10000x128xf32, #tpu.memory_space<vmem_shared>>
            tpu.wait_indirect_dma semaphore(%run_scoped3A_110 : memref<!tpu.dma_semaphore, #tpu.memory_space<semaphore_mem>>) src(%arg15 : memref<80x128xf32, #tpu.memory_space<vmem>>) dst(%dma_wait3A_122 : memref<10000x128xf32, #tpu.memory_space<vmem_shared>>)
            tpu.yield
          }) : () -> ()
          "tpu.region"() ({
            %run_scoped3A_110 = tpu.sem_alloc : memref<!tpu.dma_semaphore, #tpu.memory_space<semaphore_mem>>
            %dma_start3A_111 = arith.constant 0 : i32
            %dma_start3A_112 = tpu.memref_slice %arg14[%mul3A_78, %dma_start3A_111] : memref<50x80xi32, #tpu.memory_space<vmem>> -> memref<1x80xi32, #tpu.memory_space<vmem>>
            %dma_start3A_113 = tpu.memref_squeeze %dma_start3A_112 : memref<1x80xi32, #tpu.memory_space<vmem>> -> memref<80xi32, #tpu.memory_space<vmem>>
            %dma_start3A_114 = arith.constant 0 : i32
            %dma_start3A_115 = arith.constant 0 : i32
            %dma_start3A_116 = tpu.memref_slice %arg19[%dma_start3A_114, %dma_start3A_115] : memref<10000x16xf32, #tpu.memory_space<vmem_shared>> -> memref<10000x16xf32, #tpu.memory_space<vmem_shared>>
            tpu.enqueue_indirect_dma source(%arg17 : memref<80x16xf32, #tpu.memory_space<vmem>>) target(%dma_start3A_116 : memref<10000x16xf32, #tpu.memory_space<vmem_shared>>) offsets(%dma_start3A_113 : memref<80xi32, #tpu.memory_space<vmem>>) semaphore(%run_scoped3A_110 : memref<!tpu.dma_semaphore, #tpu.memory_space<semaphore_mem>>) {add = true}
            %dma_wait3A_117 = arith.constant 0 : i32
            %dma_wait3A_118 = tpu.memref_slice %arg14[%mul3A_78, %dma_wait3A_117] : memref<50x80xi32, #tpu.memory_space<vmem>> -> memref<1x80xi32, #tpu.memory_space<vmem>>
            %dma_wait3A_119 = tpu.memref_squeeze %dma_wait3A_118 : memref<1x80xi32, #tpu.memory_space<vmem>> -> memref<80xi32, #tpu.memory_space<vmem>>
            %dma_wait3A_120 = arith.constant 0 : i32
            %dma_wait3A_121 = arith.constant 0 : i32
            %dma_wait3A_122 = tpu.memref_slice %arg19[%dma_wait3A_120, %dma_wait3A_121] : memref<10000x16xf32, #tpu.memory_space<vmem_shared>> -> memref<10000x16xf32, #tpu.memory_space<vmem_shared>>
            tpu.wait_indirect_dma semaphore(%run_scoped3A_110 : memref<!tpu.dma_semaphore, #tpu.memory_space<semaphore_mem>>) src(%arg17 : memref<80x16xf32, #tpu.memory_space<vmem>>) dst(%dma_wait3A_122 : memref<10000x16xf32, #tpu.memory_space<vmem_shared>>)
            tpu.yield
          }) : () -> ()
          %add3A_91 = arith.constant 1 : i32
          %add3A_92 = arith.addi %scan3A_76, %add3A_91 : i32
          %lt3A_93 = arith.constant 25 : i32
          %lt3A_94 = arith.cmpi slt, %add3A_92, %lt3A_93 : i32
          %convert_element_type3A_95 = arith.extui %lt3A_94 : i1 to i32
          %cond3A_96 = arith.constant 0 : i32
          %cond3A_97 = arith.cmpi ne, %convert_element_type3A_95, %cond3A_96 : i32
          scf.if %cond3A_97 {
            %add3A_110 = arith.constant 2 : i32
            %add3A_111 = arith.addi %mul3A_78, %add3A_110 : i32
            %dma_start3A_112 = arith.constant 0 : i32
            %dma_start3A_113 = tpu.memref_slice %arg13[%add3A_111, %dma_start3A_112] : memref<50x80xi32, #tpu.memory_space<vmem>> -> memref<1x80xi32, #tpu.memory_space<vmem>>
            %dma_start3A_114 = tpu.memref_squeeze %dma_start3A_113 : memref<1x80xi32, #tpu.memory_space<vmem>> -> memref<80xi32, #tpu.memory_space<vmem>>
            %dma_start3A_115 = arith.constant 0 : i32
            %dma_start3A_116 = arith.constant 0 : i32
            %dma_start3A_117 = tpu.memref_slice %arg2[%dma_start3A_115, %dma_start3A_116] : memref<10000x128xf32, #tpu.memory_space<hbm>> -> memref<10000x128xf32, #tpu.memory_space<hbm>>
            tpu.enqueue_indirect_dma source(%dma_start3A_117 : memref<10000x128xf32, #tpu.memory_space<hbm>>) target(%arg15 : memref<80x128xf32, #tpu.memory_space<vmem>>) offsets(%dma_start3A_114 : memref<80xi32, #tpu.memory_space<vmem>>) semaphore(%arg20 : memref<!tpu.dma_semaphore, #tpu.memory_space<semaphore_mem>>)
          } else {
          }
          %add3A_98 = arith.constant 1 : i32
          %add3A_99 = arith.addi %mul3A_78, %add3A_98 : i32
          %dma_wait3A_100 = arith.constant 0 : i32
          %dma_wait3A_101 = tpu.memref_slice %arg13[%add3A_99, %dma_wait3A_100] : memref<50x80xi32, #tpu.memory_space<vmem>> -> memref<1x80xi32, #tpu.memory_space<vmem>>
          %dma_wait3A_102 = tpu.memref_squeeze %dma_wait3A_101 : memref<1x80xi32, #tpu.memory_space<vmem>> -> memref<80xi32, #tpu.memory_space<vmem>>
          %dma_wait3A_103 = arith.constant 0 : i32
          %dma_wait3A_104 = arith.constant 0 : i32
          %dma_wait3A_105 = tpu.memref_slice %arg2[%dma_wait3A_103, %dma_wait3A_104] : memref<10000x128xf32, #tpu.memory_space<hbm>> -> memref<10000x128xf32, #tpu.memory_space<hbm>>
          tpu.wait_indirect_dma semaphore(%arg21 : memref<!tpu.dma_semaphore, #tpu.memory_space<semaphore_mem>>) src(%dma_wait3A_105 : memref<10000x128xf32, #tpu.memory_space<hbm>>) dst(%arg16 : memref<80x128xf32, #tpu.memory_space<vmem>>)
          %add3A_106 = arith.constant 1 : i32
          %add3A_107 = arith.addi %mul3A_78, %add3A_106 : i32
          "tpu.region"() ({
            %run_scoped3A_110 = tpu.sem_alloc : memref<!tpu.dma_semaphore, #tpu.memory_space<semaphore_mem>>
            %dma_start3A_111 = arith.constant 0 : i32
            %dma_start3A_112 = tpu.memref_slice %arg14[%add3A_107, %dma_start3A_111] : memref<50x80xi32, #tpu.memory_space<vmem>> -> memref<1x80xi32, #tpu.memory_space<vmem>>
            %dma_start3A_113 = tpu.memref_squeeze %dma_start3A_112 : memref<1x80xi32, #tpu.memory_space<vmem>> -> memref<80xi32, #tpu.memory_space<vmem>>
            %dma_start3A_114 = arith.constant 0 : i32
            %dma_start3A_115 = arith.constant 0 : i32
            %dma_start3A_116 = tpu.memref_slice %arg18[%dma_start3A_114, %dma_start3A_115] : memref<10000x128xf32, #tpu.memory_space<vmem_shared>> -> memref<10000x128xf32, #tpu.memory_space<vmem_shared>>
            tpu.enqueue_indirect_dma source(%arg16 : memref<80x128xf32, #tpu.memory_space<vmem>>) target(%dma_start3A_116 : memref<10000x128xf32, #tpu.memory_space<vmem_shared>>) offsets(%dma_start3A_113 : memref<80xi32, #tpu.memory_space<vmem>>) semaphore(%run_scoped3A_110 : memref<!tpu.dma_semaphore, #tpu.memory_space<semaphore_mem>>) {add = true}
            %dma_wait3A_117 = arith.constant 0 : i32
            %dma_wait3A_118 = tpu.memref_slice %arg14[%add3A_107, %dma_wait3A_117] : memref<50x80xi32, #tpu.memory_space<vmem>> -> memref<1x80xi32, #tpu.memory_space<vmem>>
            %dma_wait3A_119 = tpu.memref_squeeze %dma_wait3A_118 : memref<1x80xi32, #tpu.memory_space<vmem>> -> memref<80xi32, #tpu.memory_space<vmem>>
            %dma_wait3A_120 = arith.constant 0 : i32
            %dma_wait3A_121 = arith.constant 0 : i32
            %dma_wait3A_122 = tpu.memref_slice %arg18[%dma_wait3A_120, %dma_wait3A_121] : memref<10000x128xf32, #tpu.memory_space<vmem_shared>> -> memref<10000x128xf32, #tpu.memory_space<vmem_shared>>
            tpu.wait_indirect_dma semaphore(%run_scoped3A_110 : memref<!tpu.dma_semaphore, #tpu.memory_space<semaphore_mem>>) src(%arg16 : memref<80x128xf32, #tpu.memory_space<vmem>>) dst(%dma_wait3A_122 : memref<10000x128xf32, #tpu.memory_space<vmem_shared>>)
            tpu.yield
          }) : () -> ()
          %add3A_108 = arith.constant 1 : i32
          %add3A_109 = arith.addi %mul3A_78, %add3A_108 : i32
          "tpu.region"() ({
            %run_scoped3A_110 = tpu.sem_alloc : memref<!tpu.dma_semaphore, #tpu.memory_space<semaphore_mem>>
            %dma_start3A_111 = arith.constant 0 : i32
            %dma_start3A_112 = tpu.memref_slice %arg14[%add3A_109, %dma_start3A_111] : memref<50x80xi32, #tpu.memory_space<vmem>> -> memref<1x80xi32, #tpu.memory_space<vmem>>
            %dma_start3A_113 = tpu.memref_squeeze %dma_start3A_112 : memref<1x80xi32, #tpu.memory_space<vmem>> -> memref<80xi32, #tpu.memory_space<vmem>>
            %dma_start3A_114 = arith.constant 0 : i32
            %dma_start3A_115 = arith.constant 0 : i32
            %dma_start3A_116 = tpu.memref_slice %arg19[%dma_start3A_114, %dma_start3A_115] : memref<10000x16xf32, #tpu.memory_space<vmem_shared>> -> memref<10000x16xf32, #tpu.memory_space<vmem_shared>>
            tpu.enqueue_indirect_dma source(%arg17 : memref<80x16xf32, #tpu.memory_space<vmem>>) target(%dma_start3A_116 : memref<10000x16xf32, #tpu.memory_space<vmem_shared>>) offsets(%dma_start3A_113 : memref<80xi32, #tpu.memory_space<vmem>>) semaphore(%run_scoped3A_110 : memref<!tpu.dma_semaphore, #tpu.memory_space<semaphore_mem>>) {add = true}
            %dma_wait3A_117 = arith.constant 0 : i32
            %dma_wait3A_118 = tpu.memref_slice %arg14[%add3A_109, %dma_wait3A_117] : memref<50x80xi32, #tpu.memory_space<vmem>> -> memref<1x80xi32, #tpu.memory_space<vmem>>
            %dma_wait3A_119 = tpu.memref_squeeze %dma_wait3A_118 : memref<1x80xi32, #tpu.memory_space<vmem>> -> memref<80xi32, #tpu.memory_space<vmem>>
            %dma_wait3A_120 = arith.constant 0 : i32
            %dma_wait3A_121 = arith.constant 0 : i32
            %dma_wait3A_122 = tpu.memref_slice %arg19[%dma_wait3A_120, %dma_wait3A_121] : memref<10000x16xf32, #tpu.memory_space<vmem_shared>> -> memref<10000x16xf32, #tpu.memory_space<vmem_shared>>
            tpu.wait_indirect_dma semaphore(%run_scoped3A_110 : memref<!tpu.dma_semaphore, #tpu.memory_space<semaphore_mem>>) src(%arg17 : memref<80x16xf32, #tpu.memory_space<vmem>>) dst(%dma_wait3A_122 : memref<10000x16xf32, #tpu.memory_space<vmem_shared>>)
            tpu.yield
          }) : () -> ()
        }
        %scan3A_75 = arith.constant 25 : i32
      }
      %scan3A_34 = arith.constant 5 : i32
      %barrier3A_35 = arith.constant 0 : index
      tpu.barrier barrier_id(%barrier3A_35)
      %mul3A_36 = arith.constant 632 : i32
      %mul3A_37 = arith.muli %arg1, %mul3A_36 : i32
      %multiple_of3A_38 = tpu.assume_multiple %mul3A_37, 8 : i32
      %lt3A_39 = arith.constant 15 : i32
      %lt3A_40 = arith.cmpi slt, %arg1, %lt3A_39 : i32
      %convert_element_type3A_41 = arith.extui %lt3A_40 : i1 to i32
      %cond3A_42 = arith.constant 0 : i32
      %cond3A_43 = arith.cmpi ne, %convert_element_type3A_41, %cond3A_42 : i32
      scf.if %cond3A_43 {
        "tpu.region"() ({
          %run_scoped3A = tpu.sem_alloc : memref<!tpu.dma_semaphore, #tpu.memory_space<semaphore_mem>>
          %dma_start3A = arith.constant 0 : i32
          %dma_start3A_62 = tpu.memref_slice %arg9[%multiple_of3A_38, %dma_start3A] : memref<10000x128xf32, #tpu.memory_space<hbm>> -> memref<632x128xf32, #tpu.memory_space<hbm>>
          %dma_start3A_63 = arith.constant 0 : i32
          %dma_start3A_64 = tpu.memref_slice %arg18[%multiple_of3A_38, %dma_start3A_63] : memref<10000x128xf32, #tpu.memory_space<vmem_shared>> -> memref<632x128xf32, #tpu.memory_space<vmem_shared>>
          tpu.enqueue_dma source(%dma_start3A_64 : memref<632x128xf32, #tpu.memory_space<vmem_shared>>) target(%dma_start3A_62 : memref<632x128xf32, #tpu.memory_space<hbm>>) target_semaphore(%run_scoped3A : memref<!tpu.dma_semaphore, #tpu.memory_space<semaphore_mem>>)
          %dma_wait3A = arith.constant 0 : i32
          %dma_wait3A_65 = tpu.memref_slice %arg9[%multiple_of3A_38, %dma_wait3A] : memref<10000x128xf32, #tpu.memory_space<hbm>> -> memref<632x128xf32, #tpu.memory_space<hbm>>
          %dma_wait3A_66 = arith.constant 0 : i32
          %dma_wait3A_67 = tpu.memref_slice %arg18[%multiple_of3A_38, %dma_wait3A_66] : memref<10000x128xf32, #tpu.memory_space<vmem_shared>> -> memref<632x128xf32, #tpu.memory_space<vmem_shared>>
          tpu.wait_dma2 semaphore(%run_scoped3A : memref<!tpu.dma_semaphore, #tpu.memory_space<semaphore_mem>>) src(%dma_wait3A_67 : memref<632x128xf32, #tpu.memory_space<vmem_shared>>) dst(%dma_wait3A_65 : memref<632x128xf32, #tpu.memory_space<hbm>>)
          tpu.yield
        }) : () -> ()
      } else {
      }
      %eq3A_44 = arith.constant 15 : i32
      %eq3A_45 = arith.cmpi eq, %arg1, %eq3A_44 : i32
      %convert_element_type3A_46 = arith.extui %eq3A_45 : i1 to i32
      %cond3A_47 = arith.constant 0 : i32
      %cond3A_48 = arith.cmpi ne, %convert_element_type3A_46, %cond3A_47 : i32
      scf.if %cond3A_48 {
        "tpu.region"() ({
          %run_scoped3A = tpu.sem_alloc : memref<!tpu.dma_semaphore, #tpu.memory_space<semaphore_mem>>
          %dma_start3A = arith.constant 9480 : i32
          %dma_start3A_62 = arith.constant 0 : i32
          %dma_start3A_63 = tpu.memref_slice %arg9[%dma_start3A, %dma_start3A_62] : memref<10000x128xf32, #tpu.memory_space<hbm>> -> memref<520x128xf32, #tpu.memory_space<hbm>>
          %dma_start3A_64 = arith.constant 9480 : i32
          %dma_start3A_65 = arith.constant 0 : i32
          %dma_start3A_66 = tpu.memref_slice %arg18[%dma_start3A_64, %dma_start3A_65] : memref<10000x128xf32, #tpu.memory_space<vmem_shared>> -> memref<520x128xf32, #tpu.memory_space<vmem_shared>>
          tpu.enqueue_dma source(%dma_start3A_66 : memref<520x128xf32, #tpu.memory_space<vmem_shared>>) target(%dma_start3A_63 : memref<520x128xf32, #tpu.memory_space<hbm>>) target_semaphore(%run_scoped3A : memref<!tpu.dma_semaphore, #tpu.memory_space<semaphore_mem>>)
          %dma_wait3A = arith.constant 9480 : i32
          %dma_wait3A_67 = arith.constant 0 : i32
          %dma_wait3A_68 = tpu.memref_slice %arg9[%dma_wait3A, %dma_wait3A_67] : memref<10000x128xf32, #tpu.memory_space<hbm>> -> memref<520x128xf32, #tpu.memory_space<hbm>>
          %dma_wait3A_69 = arith.constant 9480 : i32
          %dma_wait3A_70 = arith.constant 0 : i32
          %dma_wait3A_71 = tpu.memref_slice %arg18[%dma_wait3A_69, %dma_wait3A_70] : memref<10000x128xf32, #tpu.memory_space<vmem_shared>> -> memref<520x128xf32, #tpu.memory_space<vmem_shared>>
          tpu.wait_dma2 semaphore(%run_scoped3A : memref<!tpu.dma_semaphore, #tpu.memory_space<semaphore_mem>>) src(%dma_wait3A_71 : memref<520x128xf32, #tpu.memory_space<vmem_shared>>) dst(%dma_wait3A_68 : memref<520x128xf32, #tpu.memory_space<hbm>>)
          tpu.yield
        }) : () -> ()
      } else {
      }
      %mul3A_49 = arith.constant 632 : i32
      %mul3A_50 = arith.muli %arg1, %mul3A_49 : i32
      %multiple_of3A_51 = tpu.assume_multiple %mul3A_50, 8 : i32
      %lt3A_52 = arith.constant 15 : i32
      %lt3A_53 = arith.cmpi slt, %arg1, %lt3A_52 : i32
      %convert_element_type3A_54 = arith.extui %lt3A_53 : i1 to i32
      %cond3A_55 = arith.constant 0 : i32
      %cond3A_56 = arith.cmpi ne, %convert_element_type3A_54, %cond3A_55 : i32
      scf.if %cond3A_56 {
        "tpu.region"() ({
          %run_scoped3A = tpu.sem_alloc : memref<!tpu.dma_semaphore, #tpu.memory_space<semaphore_mem>>
          %dma_start3A = arith.constant 0 : i32
          %dma_start3A_62 = tpu.memref_slice %arg11[%multiple_of3A_51, %dma_start3A] : memref<10000x16xf32, #tpu.memory_space<hbm>> -> memref<632x16xf32, #tpu.memory_space<hbm>>
          %dma_start3A_63 = arith.constant 0 : i32
          %dma_start3A_64 = tpu.memref_slice %arg19[%multiple_of3A_51, %dma_start3A_63] : memref<10000x16xf32, #tpu.memory_space<vmem_shared>> -> memref<632x16xf32, #tpu.memory_space<vmem_shared>>
          tpu.enqueue_dma source(%dma_start3A_64 : memref<632x16xf32, #tpu.memory_space<vmem_shared>>) target(%dma_start3A_62 : memref<632x16xf32, #tpu.memory_space<hbm>>) target_semaphore(%run_scoped3A : memref<!tpu.dma_semaphore, #tpu.memory_space<semaphore_mem>>)
          %dma_wait3A = arith.constant 0 : i32
          %dma_wait3A_65 = tpu.memref_slice %arg11[%multiple_of3A_51, %dma_wait3A] : memref<10000x16xf32, #tpu.memory_space<hbm>> -> memref<632x16xf32, #tpu.memory_space<hbm>>
          %dma_wait3A_66 = arith.constant 0 : i32
          %dma_wait3A_67 = tpu.memref_slice %arg19[%multiple_of3A_51, %dma_wait3A_66] : memref<10000x16xf32, #tpu.memory_space<vmem_shared>> -> memref<632x16xf32, #tpu.memory_space<vmem_shared>>
          tpu.wait_dma2 semaphore(%run_scoped3A : memref<!tpu.dma_semaphore, #tpu.memory_space<semaphore_mem>>) src(%dma_wait3A_67 : memref<632x16xf32, #tpu.memory_space<vmem_shared>>) dst(%dma_wait3A_65 : memref<632x16xf32, #tpu.memory_space<hbm>>)
          tpu.yield
        }) : () -> ()
      } else {
      }
      %eq3A_57 = arith.constant 15 : i32
      %eq3A_58 = arith.cmpi eq, %arg1, %eq3A_57 : i32
      %convert_element_type3A_59 = arith.extui %eq3A_58 : i1 to i32
      %cond3A_60 = arith.constant 0 : i32
      %cond3A_61 = arith.cmpi ne, %convert_element_type3A_59, %cond3A_60 : i32
      scf.if %cond3A_61 {
        "tpu.region"() ({
          %run_scoped3A = tpu.sem_alloc : memref<!tpu.dma_semaphore, #tpu.memory_space<semaphore_mem>>
          %dma_start3A = arith.constant 9480 : i32
          %dma_start3A_62 = arith.constant 0 : i32
          %dma_start3A_63 = tpu.memref_slice %arg11[%dma_start3A, %dma_start3A_62] : memref<10000x16xf32, #tpu.memory_space<hbm>> -> memref<520x16xf32, #tpu.memory_space<hbm>>
          %dma_start3A_64 = arith.constant 9480 : i32
          %dma_start3A_65 = arith.constant 0 : i32
          %dma_start3A_66 = tpu.memref_slice %arg19[%dma_start3A_64, %dma_start3A_65] : memref<10000x16xf32, #tpu.memory_space<vmem_shared>> -> memref<520x16xf32, #tpu.memory_space<vmem_shared>>
          tpu.enqueue_dma source(%dma_start3A_66 : memref<520x16xf32, #tpu.memory_space<vmem_shared>>) target(%dma_start3A_63 : memref<520x16xf32, #tpu.memory_space<hbm>>) target_semaphore(%run_scoped3A : memref<!tpu.dma_semaphore, #tpu.memory_space<semaphore_mem>>)
          %dma_wait3A = arith.constant 9480 : i32
          %dma_wait3A_67 = arith.constant 0 : i32
          %dma_wait3A_68 = tpu.memref_slice %arg11[%dma_wait3A, %dma_wait3A_67] : memref<10000x16xf32, #tpu.memory_space<hbm>> -> memref<520x16xf32, #tpu.memory_space<hbm>>
          %dma_wait3A_69 = arith.constant 9480 : i32
          %dma_wait3A_70 = arith.constant 0 : i32
          %dma_wait3A_71 = tpu.memref_slice %arg19[%dma_wait3A_69, %dma_wait3A_70] : memref<10000x16xf32, #tpu.memory_space<vmem_shared>> -> memref<520x16xf32, #tpu.memory_space<vmem_shared>>
          tpu.wait_dma2 semaphore(%run_scoped3A : memref<!tpu.dma_semaphore, #tpu.memory_space<semaphore_mem>>) src(%dma_wait3A_71 : memref<520x16xf32, #tpu.memory_space<vmem_shared>>) dst(%dma_wait3A_68 : memref<520x16xf32, #tpu.memory_space<hbm>>)
          tpu.yield
        }) : () -> ()
      } else {
      }
    } else {
    }
    %eq3A_25 = arith.constant 1 : i32
    %eq3A_26 = arith.cmpi eq, %arg0, %eq3A_25 : i32
    %convert_element_type3A_27 = arith.extui %eq3A_26 : i1 to i32
    %cond3A_28 = arith.constant 0 : i32
    %cond3A_29 = arith.cmpi ne, %convert_element_type3A_27, %cond3A_28 : i32
    scf.if %cond3A_29 {
      %scan3A = arith.constant 0 : i32
      %scan3A_30 = arith.constant 0 : i32
      %scan3A_31 = arith.constant 5 : i32
      %scan3A_32 = arith.addi %scan3A_30, %scan3A_31 : i32
      %scan3A_33 = arith.constant 1 : i32
      scf.for %scan3A_62 = %scan3A_30 to %scan3A_32 step %scan3A_33  : i32 {
        %run_scoped3A = arith.constant 0 : i32
        "tpu.region"() ({
          %run_scoped3A_76 = tpu.sem_alloc : memref<!tpu.dma_semaphore, #tpu.memory_space<semaphore_mem>>
          %dma_start3A_77 = arith.constant 0 : i32
          %dma_start3A_78 = arith.constant 0 : i32
          %dma_start3A_79 = tpu.memref_slice %arg5[%run_scoped3A, %arg1, %scan3A_62, %dma_start3A_77, %dma_start3A_78] : memref<2x16x5x50x80xi32, #tpu.memory_space<hbm>> -> memref<1x1x1x50x80xi32, #tpu.memory_space<hbm>>
          %dma_start3A_80 = tpu.memref_squeeze %dma_start3A_79 : memref<1x1x1x50x80xi32, #tpu.memory_space<hbm>> -> memref<50x80xi32, #tpu.memory_space<hbm>>
          %dma_start3A_81 = arith.constant 0 : i32
          %dma_start3A_82 = arith.constant 0 : i32
          %dma_start3A_83 = tpu.memref_slice %arg5[%run_scoped3A, %arg1, %scan3A_62, %dma_start3A_81, %dma_start3A_82] : memref<2x16x5x50x80xi32, #tpu.memory_space<hbm>> -> memref<1x1x1x50x80xi32, #tpu.memory_space<hbm>>
          %dma_start3A_84 = tpu.memref_squeeze %dma_start3A_83 : memref<1x1x1x50x80xi32, #tpu.memory_space<hbm>> -> memref<50x80xi32, #tpu.memory_space<hbm>>
          tpu.enqueue_dma source(%dma_start3A_84 : memref<50x80xi32, #tpu.memory_space<hbm>>) target(%arg13 : memref<50x80xi32, #tpu.memory_space<vmem>>) target_semaphore(%run_scoped3A_76 : memref<!tpu.dma_semaphore, #tpu.memory_space<semaphore_mem>>)
          %dma_wait3A = arith.constant 0 : i32
          %dma_wait3A_85 = arith.constant 0 : i32
          %dma_wait3A_86 = tpu.memref_slice %arg5[%run_scoped3A, %arg1, %scan3A_62, %dma_wait3A, %dma_wait3A_85] : memref<2x16x5x50x80xi32, #tpu.memory_space<hbm>> -> memref<1x1x1x50x80xi32, #tpu.memory_space<hbm>>
          %dma_wait3A_87 = tpu.memref_squeeze %dma_wait3A_86 : memref<1x1x1x50x80xi32, #tpu.memory_space<hbm>> -> memref<50x80xi32, #tpu.memory_space<hbm>>
          %dma_wait3A_88 = arith.constant 0 : i32
          %dma_wait3A_89 = arith.constant 0 : i32
          %dma_wait3A_90 = tpu.memref_slice %arg5[%run_scoped3A, %arg1, %scan3A_62, %dma_wait3A_88, %dma_wait3A_89] : memref<2x16x5x50x80xi32, #tpu.memory_space<hbm>> -> memref<1x1x1x50x80xi32, #tpu.memory_space<hbm>>
          %dma_wait3A_91 = tpu.memref_squeeze %dma_wait3A_90 : memref<1x1x1x50x80xi32, #tpu.memory_space<hbm>> -> memref<50x80xi32, #tpu.memory_space<hbm>>
          tpu.wait_dma2 semaphore(%run_scoped3A_76 : memref<!tpu.dma_semaphore, #tpu.memory_space<semaphore_mem>>) src(%dma_wait3A_91 : memref<50x80xi32, #tpu.memory_space<hbm>>) dst(%arg13 : memref<50x80xi32, #tpu.memory_space<vmem>>)
          tpu.yield
        }) : () -> ()
        %run_scoped3A_63 = arith.constant 1 : i32
        "tpu.region"() ({
          %run_scoped3A_76 = tpu.sem_alloc : memref<!tpu.dma_semaphore, #tpu.memory_space<semaphore_mem>>
          %dma_start3A_77 = arith.constant 0 : i32
          %dma_start3A_78 = arith.constant 0 : i32
          %dma_start3A_79 = tpu.memref_slice %arg5[%run_scoped3A_63, %arg1, %scan3A_62, %dma_start3A_77, %dma_start3A_78] : memref<2x16x5x50x80xi32, #tpu.memory_space<hbm>> -> memref<1x1x1x50x80xi32, #tpu.memory_space<hbm>>
          %dma_start3A_80 = tpu.memref_squeeze %dma_start3A_79 : memref<1x1x1x50x80xi32, #tpu.memory_space<hbm>> -> memref<50x80xi32, #tpu.memory_space<hbm>>
          %dma_start3A_81 = arith.constant 0 : i32
          %dma_start3A_82 = arith.constant 0 : i32
          %dma_start3A_83 = tpu.memref_slice %arg5[%run_scoped3A_63, %arg1, %scan3A_62, %dma_start3A_81, %dma_start3A_82] : memref<2x16x5x50x80xi32, #tpu.memory_space<hbm>> -> memref<1x1x1x50x80xi32, #tpu.memory_space<hbm>>
          %dma_start3A_84 = tpu.memref_squeeze %dma_start3A_83 : memref<1x1x1x50x80xi32, #tpu.memory_space<hbm>> -> memref<50x80xi32, #tpu.memory_space<hbm>>
          tpu.enqueue_dma source(%dma_start3A_84 : memref<50x80xi32, #tpu.memory_space<hbm>>) target(%arg14 : memref<50x80xi32, #tpu.memory_space<vmem>>) target_semaphore(%run_scoped3A_76 : memref<!tpu.dma_semaphore, #tpu.memory_space<semaphore_mem>>)
          %dma_wait3A = arith.constant 0 : i32
          %dma_wait3A_85 = arith.constant 0 : i32
          %dma_wait3A_86 = tpu.memref_slice %arg5[%run_scoped3A_63, %arg1, %scan3A_62, %dma_wait3A, %dma_wait3A_85] : memref<2x16x5x50x80xi32, #tpu.memory_space<hbm>> -> memref<1x1x1x50x80xi32, #tpu.memory_space<hbm>>
          %dma_wait3A_87 = tpu.memref_squeeze %dma_wait3A_86 : memref<1x1x1x50x80xi32, #tpu.memory_space<hbm>> -> memref<50x80xi32, #tpu.memory_space<hbm>>
          %dma_wait3A_88 = arith.constant 0 : i32
          %dma_wait3A_89 = arith.constant 0 : i32
          %dma_wait3A_90 = tpu.memref_slice %arg5[%run_scoped3A_63, %arg1, %scan3A_62, %dma_wait3A_88, %dma_wait3A_89] : memref<2x16x5x50x80xi32, #tpu.memory_space<hbm>> -> memref<1x1x1x50x80xi32, #tpu.memory_space<hbm>>
          %dma_wait3A_91 = tpu.memref_squeeze %dma_wait3A_90 : memref<1x1x1x50x80xi32, #tpu.memory_space<hbm>> -> memref<50x80xi32, #tpu.memory_space<hbm>>
          tpu.wait_dma2 semaphore(%run_scoped3A_76 : memref<!tpu.dma_semaphore, #tpu.memory_space<semaphore_mem>>) src(%dma_wait3A_91 : memref<50x80xi32, #tpu.memory_space<hbm>>) dst(%arg14 : memref<50x80xi32, #tpu.memory_space<vmem>>)
          tpu.yield
        }) : () -> ()
        %dma_start3A = arith.constant 0 : i32
        %dma_start3A_64 = arith.constant 0 : i32
        %dma_start3A_65 = tpu.memref_slice %arg13[%dma_start3A, %dma_start3A_64] : memref<50x80xi32, #tpu.memory_space<vmem>> -> memref<1x80xi32, #tpu.memory_space<vmem>>
        %dma_start3A_66 = tpu.memref_squeeze %dma_start3A_65 : memref<1x80xi32, #tpu.memory_space<vmem>> -> memref<80xi32, #tpu.memory_space<vmem>>
        %dma_start3A_67 = arith.constant 0 : i32
        %dma_start3A_68 = arith.constant 0 : i32
        %dma_start3A_69 = tpu.memref_slice %arg3[%dma_start3A_67, %dma_start3A_68] : memref<10000x128xf32, #tpu.memory_space<hbm>> -> memref<10000x128xf32, #tpu.memory_space<hbm>>
        tpu.enqueue_indirect_dma source(%dma_start3A_69 : memref<10000x128xf32, #tpu.memory_space<hbm>>) target(%arg15 : memref<80x128xf32, #tpu.memory_space<vmem>>) offsets(%dma_start3A_66 : memref<80xi32, #tpu.memory_space<vmem>>) semaphore(%arg20 : memref<!tpu.dma_semaphore, #tpu.memory_space<semaphore_mem>>)
        %scan3A_70 = arith.constant 0 : i32
        %scan3A_71 = arith.constant 0 : i32
        %scan3A_72 = arith.constant 25 : i32
        %scan3A_73 = arith.addi %scan3A_71, %scan3A_72 : i32
        %scan3A_74 = arith.constant 1 : i32
        scf.for %scan3A_76 = %scan3A_71 to %scan3A_73 step %scan3A_74  : i32 {
          %mul3A_77 = arith.constant 2 : i32
          %mul3A_78 = arith.muli %mul3A_77, %scan3A_76 : i32
          %add3A = arith.constant 1 : i32
          %add3A_79 = arith.addi %mul3A_78, %add3A : i32
          %dma_start3A_80 = arith.constant 0 : i32
          %dma_start3A_81 = tpu.memref_slice %arg13[%add3A_79, %dma_start3A_80] : memref<50x80xi32, #tpu.memory_space<vmem>> -> memref<1x80xi32, #tpu.memory_space<vmem>>
          %dma_start3A_82 = tpu.memref_squeeze %dma_start3A_81 : memref<1x80xi32, #tpu.memory_space<vmem>> -> memref<80xi32, #tpu.memory_space<vmem>>
          %dma_start3A_83 = arith.constant 0 : i32
          %dma_start3A_84 = arith.constant 0 : i32
          %dma_start3A_85 = tpu.memref_slice %arg3[%dma_start3A_83, %dma_start3A_84] : memref<10000x128xf32, #tpu.memory_space<hbm>> -> memref<10000x128xf32, #tpu.memory_space<hbm>>
          tpu.enqueue_indirect_dma source(%dma_start3A_85 : memref<10000x128xf32, #tpu.memory_space<hbm>>) target(%arg16 : memref<80x128xf32, #tpu.memory_space<vmem>>) offsets(%dma_start3A_82 : memref<80xi32, #tpu.memory_space<vmem>>) semaphore(%arg21 : memref<!tpu.dma_semaphore, #tpu.memory_space<semaphore_mem>>)
          %dma_wait3A = arith.constant 0 : i32
          %dma_wait3A_86 = tpu.memref_slice %arg13[%mul3A_78, %dma_wait3A] : memref<50x80xi32, #tpu.memory_space<vmem>> -> memref<1x80xi32, #tpu.memory_space<vmem>>
          %dma_wait3A_87 = tpu.memref_squeeze %dma_wait3A_86 : memref<1x80xi32, #tpu.memory_space<vmem>> -> memref<80xi32, #tpu.memory_space<vmem>>
          %dma_wait3A_88 = arith.constant 0 : i32
          %dma_wait3A_89 = arith.constant 0 : i32
          %dma_wait3A_90 = tpu.memref_slice %arg3[%dma_wait3A_88, %dma_wait3A_89] : memref<10000x128xf32, #tpu.memory_space<hbm>> -> memref<10000x128xf32, #tpu.memory_space<hbm>>
          tpu.wait_indirect_dma semaphore(%arg20 : memref<!tpu.dma_semaphore, #tpu.memory_space<semaphore_mem>>) src(%dma_wait3A_90 : memref<10000x128xf32, #tpu.memory_space<hbm>>) dst(%arg15 : memref<80x128xf32, #tpu.memory_space<vmem>>)
          "tpu.region"() ({
            %run_scoped3A_110 = tpu.sem_alloc : memref<!tpu.dma_semaphore, #tpu.memory_space<semaphore_mem>>
            %dma_start3A_111 = arith.constant 0 : i32
            %dma_start3A_112 = tpu.memref_slice %arg14[%mul3A_78, %dma_start3A_111] : memref<50x80xi32, #tpu.memory_space<vmem>> -> memref<1x80xi32, #tpu.memory_space<vmem>>
            %dma_start3A_113 = tpu.memref_squeeze %dma_start3A_112 : memref<1x80xi32, #tpu.memory_space<vmem>> -> memref<80xi32, #tpu.memory_space<vmem>>
            %dma_start3A_114 = arith.constant 0 : i32
            %dma_start3A_115 = arith.constant 0 : i32
            %dma_start3A_116 = tpu.memref_slice %arg18[%dma_start3A_114, %dma_start3A_115] : memref<10000x128xf32, #tpu.memory_space<vmem_shared>> -> memref<10000x128xf32, #tpu.memory_space<vmem_shared>>
            tpu.enqueue_indirect_dma source(%arg15 : memref<80x128xf32, #tpu.memory_space<vmem>>) target(%dma_start3A_116 : memref<10000x128xf32, #tpu.memory_space<vmem_shared>>) offsets(%dma_start3A_113 : memref<80xi32, #tpu.memory_space<vmem>>) semaphore(%run_scoped3A_110 : memref<!tpu.dma_semaphore, #tpu.memory_space<semaphore_mem>>) {add = true}
            %dma_wait3A_117 = arith.constant 0 : i32
            %dma_wait3A_118 = tpu.memref_slice %arg14[%mul3A_78, %dma_wait3A_117] : memref<50x80xi32, #tpu.memory_space<vmem>> -> memref<1x80xi32, #tpu.memory_space<vmem>>
            %dma_wait3A_119 = tpu.memref_squeeze %dma_wait3A_118 : memref<1x80xi32, #tpu.memory_space<vmem>> -> memref<80xi32, #tpu.memory_space<vmem>>
            %dma_wait3A_120 = arith.constant 0 : i32
            %dma_wait3A_121 = arith.constant 0 : i32
            %dma_wait3A_122 = tpu.memref_slice %arg18[%dma_wait3A_120, %dma_wait3A_121] : memref<10000x128xf32, #tpu.memory_space<vmem_shared>> -> memref<10000x128xf32, #tpu.memory_space<vmem_shared>>
            tpu.wait_indirect_dma semaphore(%run_scoped3A_110 : memref<!tpu.dma_semaphore, #tpu.memory_space<semaphore_mem>>) src(%arg15 : memref<80x128xf32, #tpu.memory_space<vmem>>) dst(%dma_wait3A_122 : memref<10000x128xf32, #tpu.memory_space<vmem_shared>>)
            tpu.yield
          }) : () -> ()
          "tpu.region"() ({
            %run_scoped3A_110 = tpu.sem_alloc : memref<!tpu.dma_semaphore, #tpu.memory_space<semaphore_mem>>
            %dma_start3A_111 = arith.constant 0 : i32
            %dma_start3A_112 = tpu.memref_slice %arg14[%mul3A_78, %dma_start3A_111] : memref<50x80xi32, #tpu.memory_space<vmem>> -> memref<1x80xi32, #tpu.memory_space<vmem>>
            %dma_start3A_113 = tpu.memref_squeeze %dma_start3A_112 : memref<1x80xi32, #tpu.memory_space<vmem>> -> memref<80xi32, #tpu.memory_space<vmem>>
            %dma_start3A_114 = arith.constant 0 : i32
            %dma_start3A_115 = arith.constant 0 : i32
            %dma_start3A_116 = tpu.memref_slice %arg19[%dma_start3A_114, %dma_start3A_115] : memref<10000x16xf32, #tpu.memory_space<vmem_shared>> -> memref<10000x16xf32, #tpu.memory_space<vmem_shared>>
            tpu.enqueue_indirect_dma source(%arg17 : memref<80x16xf32, #tpu.memory_space<vmem>>) target(%dma_start3A_116 : memref<10000x16xf32, #tpu.memory_space<vmem_shared>>) offsets(%dma_start3A_113 : memref<80xi32, #tpu.memory_space<vmem>>) semaphore(%run_scoped3A_110 : memref<!tpu.dma_semaphore, #tpu.memory_space<semaphore_mem>>) {add = true}
            %dma_wait3A_117 = arith.constant 0 : i32
            %dma_wait3A_118 = tpu.memref_slice %arg14[%mul3A_78, %dma_wait3A_117] : memref<50x80xi32, #tpu.memory_space<vmem>> -> memref<1x80xi32, #tpu.memory_space<vmem>>
            %dma_wait3A_119 = tpu.memref_squeeze %dma_wait3A_118 : memref<1x80xi32, #tpu.memory_space<vmem>> -> memref<80xi32, #tpu.memory_space<vmem>>
            %dma_wait3A_120 = arith.constant 0 : i32
            %dma_wait3A_121 = arith.constant 0 : i32
            %dma_wait3A_122 = tpu.memref_slice %arg19[%dma_wait3A_120, %dma_wait3A_121] : memref<10000x16xf32, #tpu.memory_space<vmem_shared>> -> memref<10000x16xf32, #tpu.memory_space<vmem_shared>>
            tpu.wait_indirect_dma semaphore(%run_scoped3A_110 : memref<!tpu.dma_semaphore, #tpu.memory_space<semaphore_mem>>) src(%arg17 : memref<80x16xf32, #tpu.memory_space<vmem>>) dst(%dma_wait3A_122 : memref<10000x16xf32, #tpu.memory_space<vmem_shared>>)
            tpu.yield
          }) : () -> ()
          %add3A_91 = arith.constant 1 : i32
          %add3A_92 = arith.addi %scan3A_76, %add3A_91 : i32
          %lt3A_93 = arith.constant 25 : i32
          %lt3A_94 = arith.cmpi slt, %add3A_92, %lt3A_93 : i32
          %convert_element_type3A_95 = arith.extui %lt3A_94 : i1 to i32
          %cond3A_96 = arith.constant 0 : i32
          %cond3A_97 = arith.cmpi ne, %convert_element_type3A_95, %cond3A_96 : i32
          scf.if %cond3A_97 {
            %add3A_110 = arith.constant 2 : i32
            %add3A_111 = arith.addi %mul3A_78, %add3A_110 : i32
            %dma_start3A_112 = arith.constant 0 : i32
            %dma_start3A_113 = tpu.memref_slice %arg13[%add3A_111, %dma_start3A_112] : memref<50x80xi32, #tpu.memory_space<vmem>> -> memref<1x80xi32, #tpu.memory_space<vmem>>
            %dma_start3A_114 = tpu.memref_squeeze %dma_start3A_113 : memref<1x80xi32, #tpu.memory_space<vmem>> -> memref<80xi32, #tpu.memory_space<vmem>>
            %dma_start3A_115 = arith.constant 0 : i32
            %dma_start3A_116 = arith.constant 0 : i32
            %dma_start3A_117 = tpu.memref_slice %arg3[%dma_start3A_115, %dma_start3A_116] : memref<10000x128xf32, #tpu.memory_space<hbm>> -> memref<10000x128xf32, #tpu.memory_space<hbm>>
            tpu.enqueue_indirect_dma source(%dma_start3A_117 : memref<10000x128xf32, #tpu.memory_space<hbm>>) target(%arg15 : memref<80x128xf32, #tpu.memory_space<vmem>>) offsets(%dma_start3A_114 : memref<80xi32, #tpu.memory_space<vmem>>) semaphore(%arg20 : memref<!tpu.dma_semaphore, #tpu.memory_space<semaphore_mem>>)
          } else {
          }
          %add3A_98 = arith.constant 1 : i32
          %add3A_99 = arith.addi %mul3A_78, %add3A_98 : i32
          %dma_wait3A_100 = arith.constant 0 : i32
          %dma_wait3A_101 = tpu.memref_slice %arg13[%add3A_99, %dma_wait3A_100] : memref<50x80xi32, #tpu.memory_space<vmem>> -> memref<1x80xi32, #tpu.memory_space<vmem>>
          %dma_wait3A_102 = tpu.memref_squeeze %dma_wait3A_101 : memref<1x80xi32, #tpu.memory_space<vmem>> -> memref<80xi32, #tpu.memory_space<vmem>>
          %dma_wait3A_103 = arith.constant 0 : i32
          %dma_wait3A_104 = arith.constant 0 : i32
          %dma_wait3A_105 = tpu.memref_slice %arg3[%dma_wait3A_103, %dma_wait3A_104] : memref<10000x128xf32, #tpu.memory_space<hbm>> -> memref<10000x128xf32, #tpu.memory_space<hbm>>
          tpu.wait_indirect_dma semaphore(%arg21 : memref<!tpu.dma_semaphore, #tpu.memory_space<semaphore_mem>>) src(%dma_wait3A_105 : memref<10000x128xf32, #tpu.memory_space<hbm>>) dst(%arg16 : memref<80x128xf32, #tpu.memory_space<vmem>>)
          %add3A_106 = arith.constant 1 : i32
          %add3A_107 = arith.addi %mul3A_78, %add3A_106 : i32
          "tpu.region"() ({
            %run_scoped3A_110 = tpu.sem_alloc : memref<!tpu.dma_semaphore, #tpu.memory_space<semaphore_mem>>
            %dma_start3A_111 = arith.constant 0 : i32
            %dma_start3A_112 = tpu.memref_slice %arg14[%add3A_107, %dma_start3A_111] : memref<50x80xi32, #tpu.memory_space<vmem>> -> memref<1x80xi32, #tpu.memory_space<vmem>>
            %dma_start3A_113 = tpu.memref_squeeze %dma_start3A_112 : memref<1x80xi32, #tpu.memory_space<vmem>> -> memref<80xi32, #tpu.memory_space<vmem>>
            %dma_start3A_114 = arith.constant 0 : i32
            %dma_start3A_115 = arith.constant 0 : i32
            %dma_start3A_116 = tpu.memref_slice %arg18[%dma_start3A_114, %dma_start3A_115] : memref<10000x128xf32, #tpu.memory_space<vmem_shared>> -> memref<10000x128xf32, #tpu.memory_space<vmem_shared>>
            tpu.enqueue_indirect_dma source(%arg16 : memref<80x128xf32, #tpu.memory_space<vmem>>) target(%dma_start3A_116 : memref<10000x128xf32, #tpu.memory_space<vmem_shared>>) offsets(%dma_start3A_113 : memref<80xi32, #tpu.memory_space<vmem>>) semaphore(%run_scoped3A_110 : memref<!tpu.dma_semaphore, #tpu.memory_space<semaphore_mem>>) {add = true}
            %dma_wait3A_117 = arith.constant 0 : i32
            %dma_wait3A_118 = tpu.memref_slice %arg14[%add3A_107, %dma_wait3A_117] : memref<50x80xi32, #tpu.memory_space<vmem>> -> memref<1x80xi32, #tpu.memory_space<vmem>>
            %dma_wait3A_119 = tpu.memref_squeeze %dma_wait3A_118 : memref<1x80xi32, #tpu.memory_space<vmem>> -> memref<80xi32, #tpu.memory_space<vmem>>
            %dma_wait3A_120 = arith.constant 0 : i32
            %dma_wait3A_121 = arith.constant 0 : i32
            %dma_wait3A_122 = tpu.memref_slice %arg18[%dma_wait3A_120, %dma_wait3A_121] : memref<10000x128xf32, #tpu.memory_space<vmem_shared>> -> memref<10000x128xf32, #tpu.memory_space<vmem_shared>>
            tpu.wait_indirect_dma semaphore(%run_scoped3A_110 : memref<!tpu.dma_semaphore, #tpu.memory_space<semaphore_mem>>) src(%arg16 : memref<80x128xf32, #tpu.memory_space<vmem>>) dst(%dma_wait3A_122 : memref<10000x128xf32, #tpu.memory_space<vmem_shared>>)
            tpu.yield
          }) : () -> ()
          %add3A_108 = arith.constant 1 : i32
          %add3A_109 = arith.addi %mul3A_78, %add3A_108 : i32
          "tpu.region"() ({
            %run_scoped3A_110 = tpu.sem_alloc : memref<!tpu.dma_semaphore, #tpu.memory_space<semaphore_mem>>
            %dma_start3A_111 = arith.constant 0 : i32
            %dma_start3A_112 = tpu.memref_slice %arg14[%add3A_109, %dma_start3A_111] : memref<50x80xi32, #tpu.memory_space<vmem>> -> memref<1x80xi32, #tpu.memory_space<vmem>>
            %dma_start3A_113 = tpu.memref_squeeze %dma_start3A_112 : memref<1x80xi32, #tpu.memory_space<vmem>> -> memref<80xi32, #tpu.memory_space<vmem>>
            %dma_start3A_114 = arith.constant 0 : i32
            %dma_start3A_115 = arith.constant 0 : i32
            %dma_start3A_116 = tpu.memref_slice %arg19[%dma_start3A_114, %dma_start3A_115] : memref<10000x16xf32, #tpu.memory_space<vmem_shared>> -> memref<10000x16xf32, #tpu.memory_space<vmem_shared>>
            tpu.enqueue_indirect_dma source(%arg17 : memref<80x16xf32, #tpu.memory_space<vmem>>) target(%dma_start3A_116 : memref<10000x16xf32, #tpu.memory_space<vmem_shared>>) offsets(%dma_start3A_113 : memref<80xi32, #tpu.memory_space<vmem>>) semaphore(%run_scoped3A_110 : memref<!tpu.dma_semaphore, #tpu.memory_space<semaphore_mem>>) {add = true}
            %dma_wait3A_117 = arith.constant 0 : i32
            %dma_wait3A_118 = tpu.memref_slice %arg14[%add3A_109, %dma_wait3A_117] : memref<50x80xi32, #tpu.memory_space<vmem>> -> memref<1x80xi32, #tpu.memory_space<vmem>>
            %dma_wait3A_119 = tpu.memref_squeeze %dma_wait3A_118 : memref<1x80xi32, #tpu.memory_space<vmem>> -> memref<80xi32, #tpu.memory_space<vmem>>
            %dma_wait3A_120 = arith.constant 0 : i32
            %dma_wait3A_121 = arith.constant 0 : i32
            %dma_wait3A_122 = tpu.memref_slice %arg19[%dma_wait3A_120, %dma_wait3A_121] : memref<10000x16xf32, #tpu.memory_space<vmem_shared>> -> memref<10000x16xf32, #tpu.memory_space<vmem_shared>>
            tpu.wait_indirect_dma semaphore(%run_scoped3A_110 : memref<!tpu.dma_semaphore, #tpu.memory_space<semaphore_mem>>) src(%arg17 : memref<80x16xf32, #tpu.memory_space<vmem>>) dst(%dma_wait3A_122 : memref<10000x16xf32, #tpu.memory_space<vmem_shared>>)
            tpu.yield
          }) : () -> ()
        }
        %scan3A_75 = arith.constant 25 : i32
      }
      %scan3A_34 = arith.constant 5 : i32
      %barrier3A_35 = arith.constant 0 : index
      tpu.barrier barrier_id(%barrier3A_35)
      %mul3A_36 = arith.constant 632 : i32
      %mul3A_37 = arith.muli %arg1, %mul3A_36 : i32
      %multiple_of3A_38 = tpu.assume_multiple %mul3A_37, 8 : i32
      %lt3A_39 = arith.constant 15 : i32
      %lt3A_40 = arith.cmpi slt, %arg1, %lt3A_39 : i32
      %convert_element_type3A_41 = arith.extui %lt3A_40 : i1 to i32
      %cond3A_42 = arith.constant 0 : i32
      %cond3A_43 = arith.cmpi ne, %convert_element_type3A_41, %cond3A_42 : i32
      scf.if %cond3A_43 {
        "tpu.region"() ({
          %run_scoped3A = tpu.sem_alloc : memref<!tpu.dma_semaphore, #tpu.memory_space<semaphore_mem>>
          %dma_start3A = arith.constant 0 : i32
          %dma_start3A_62 = tpu.memref_slice %arg10[%multiple_of3A_38, %dma_start3A] : memref<10000x128xf32, #tpu.memory_space<hbm>> -> memref<632x128xf32, #tpu.memory_space<hbm>>
          %dma_start3A_63 = arith.constant 0 : i32
          %dma_start3A_64 = tpu.memref_slice %arg18[%multiple_of3A_38, %dma_start3A_63] : memref<10000x128xf32, #tpu.memory_space<vmem_shared>> -> memref<632x128xf32, #tpu.memory_space<vmem_shared>>
          tpu.enqueue_dma source(%dma_start3A_64 : memref<632x128xf32, #tpu.memory_space<vmem_shared>>) target(%dma_start3A_62 : memref<632x128xf32, #tpu.memory_space<hbm>>) target_semaphore(%run_scoped3A : memref<!tpu.dma_semaphore, #tpu.memory_space<semaphore_mem>>)
          %dma_wait3A = arith.constant 0 : i32
          %dma_wait3A_65 = tpu.memref_slice %arg10[%multiple_of3A_38, %dma_wait3A] : memref<10000x128xf32, #tpu.memory_space<hbm>> -> memref<632x128xf32, #tpu.memory_space<hbm>>
          %dma_wait3A_66 = arith.constant 0 : i32
          %dma_wait3A_67 = tpu.memref_slice %arg18[%multiple_of3A_38, %dma_wait3A_66] : memref<10000x128xf32, #tpu.memory_space<vmem_shared>> -> memref<632x128xf32, #tpu.memory_space<vmem_shared>>
          tpu.wait_dma2 semaphore(%run_scoped3A : memref<!tpu.dma_semaphore, #tpu.memory_space<semaphore_mem>>) src(%dma_wait3A_67 : memref<632x128xf32, #tpu.memory_space<vmem_shared>>) dst(%dma_wait3A_65 : memref<632x128xf32, #tpu.memory_space<hbm>>)
          tpu.yield
        }) : () -> ()
      } else {
      }
      %eq3A_44 = arith.constant 15 : i32
      %eq3A_45 = arith.cmpi eq, %arg1, %eq3A_44 : i32
      %convert_element_type3A_46 = arith.extui %eq3A_45 : i1 to i32
      %cond3A_47 = arith.constant 0 : i32
      %cond3A_48 = arith.cmpi ne, %convert_element_type3A_46, %cond3A_47 : i32
      scf.if %cond3A_48 {
        "tpu.region"() ({
          %run_scoped3A = tpu.sem_alloc : memref<!tpu.dma_semaphore, #tpu.memory_space<semaphore_mem>>
          %dma_start3A = arith.constant 9480 : i32
          %dma_start3A_62 = arith.constant 0 : i32
          %dma_start3A_63 = tpu.memref_slice %arg10[%dma_start3A, %dma_start3A_62] : memref<10000x128xf32, #tpu.memory_space<hbm>> -> memref<520x128xf32, #tpu.memory_space<hbm>>
          %dma_start3A_64 = arith.constant 9480 : i32
          %dma_start3A_65 = arith.constant 0 : i32
          %dma_start3A_66 = tpu.memref_slice %arg18[%dma_start3A_64, %dma_start3A_65] : memref<10000x128xf32, #tpu.memory_space<vmem_shared>> -> memref<520x128xf32, #tpu.memory_space<vmem_shared>>
          tpu.enqueue_dma source(%dma_start3A_66 : memref<520x128xf32, #tpu.memory_space<vmem_shared>>) target(%dma_start3A_63 : memref<520x128xf32, #tpu.memory_space<hbm>>) target_semaphore(%run_scoped3A : memref<!tpu.dma_semaphore, #tpu.memory_space<semaphore_mem>>)
          %dma_wait3A = arith.constant 9480 : i32
          %dma_wait3A_67 = arith.constant 0 : i32
          %dma_wait3A_68 = tpu.memref_slice %arg10[%dma_wait3A, %dma_wait3A_67] : memref<10000x128xf32, #tpu.memory_space<hbm>> -> memref<520x128xf32, #tpu.memory_space<hbm>>
          %dma_wait3A_69 = arith.constant 9480 : i32
          %dma_wait3A_70 = arith.constant 0 : i32
          %dma_wait3A_71 = tpu.memref_slice %arg18[%dma_wait3A_69, %dma_wait3A_70] : memref<10000x128xf32, #tpu.memory_space<vmem_shared>> -> memref<520x128xf32, #tpu.memory_space<vmem_shared>>
          tpu.wait_dma2 semaphore(%run_scoped3A : memref<!tpu.dma_semaphore, #tpu.memory_space<semaphore_mem>>) src(%dma_wait3A_71 : memref<520x128xf32, #tpu.memory_space<vmem_shared>>) dst(%dma_wait3A_68 : memref<520x128xf32, #tpu.memory_space<hbm>>)
          tpu.yield
        }) : () -> ()
      } else {
      }
      %mul3A_49 = arith.constant 632 : i32
      %mul3A_50 = arith.muli %arg1, %mul3A_49 : i32
      %multiple_of3A_51 = tpu.assume_multiple %mul3A_50, 8 : i32
      %lt3A_52 = arith.constant 15 : i32
      %lt3A_53 = arith.cmpi slt, %arg1, %lt3A_52 : i32
      %convert_element_type3A_54 = arith.extui %lt3A_53 : i1 to i32
      %cond3A_55 = arith.constant 0 : i32
      %cond3A_56 = arith.cmpi ne, %convert_element_type3A_54, %cond3A_55 : i32
      scf.if %cond3A_56 {
        "tpu.region"() ({
          %run_scoped3A = tpu.sem_alloc : memref<!tpu.dma_semaphore, #tpu.memory_space<semaphore_mem>>
          %dma_start3A = arith.constant 0 : i32
          %dma_start3A_62 = tpu.memref_slice %arg12[%multiple_of3A_51, %dma_start3A] : memref<10000x16xf32, #tpu.memory_space<hbm>> -> memref<632x16xf32, #tpu.memory_space<hbm>>
          %dma_start3A_63 = arith.constant 0 : i32
          %dma_start3A_64 = tpu.memref_slice %arg19[%multiple_of3A_51, %dma_start3A_63] : memref<10000x16xf32, #tpu.memory_space<vmem_shared>> -> memref<632x16xf32, #tpu.memory_space<vmem_shared>>
          tpu.enqueue_dma source(%dma_start3A_64 : memref<632x16xf32, #tpu.memory_space<vmem_shared>>) target(%dma_start3A_62 : memref<632x16xf32, #tpu.memory_space<hbm>>) target_semaphore(%run_scoped3A : memref<!tpu.dma_semaphore, #tpu.memory_space<semaphore_mem>>)
          %dma_wait3A = arith.constant 0 : i32
          %dma_wait3A_65 = tpu.memref_slice %arg12[%multiple_of3A_51, %dma_wait3A] : memref<10000x16xf32, #tpu.memory_space<hbm>> -> memref<632x16xf32, #tpu.memory_space<hbm>>
          %dma_wait3A_66 = arith.constant 0 : i32
          %dma_wait3A_67 = tpu.memref_slice %arg19[%multiple_of3A_51, %dma_wait3A_66] : memref<10000x16xf32, #tpu.memory_space<vmem_shared>> -> memref<632x16xf32, #tpu.memory_space<vmem_shared>>
          tpu.wait_dma2 semaphore(%run_scoped3A : memref<!tpu.dma_semaphore, #tpu.memory_space<semaphore_mem>>) src(%dma_wait3A_67 : memref<632x16xf32, #tpu.memory_space<vmem_shared>>) dst(%dma_wait3A_65 : memref<632x16xf32, #tpu.memory_space<hbm>>)
          tpu.yield
        }) : () -> ()
      } else {
      }
      %eq3A_57 = arith.constant 15 : i32
      %eq3A_58 = arith.cmpi eq, %arg1, %eq3A_57 : i32
      %convert_element_type3A_59 = arith.extui %eq3A_58 : i1 to i32
      %cond3A_60 = arith.constant 0 : i32
      %cond3A_61 = arith.cmpi ne, %convert_element_type3A_59, %cond3A_60 : i32
      scf.if %cond3A_61 {
        "tpu.region"() ({
          %run_scoped3A = tpu.sem_alloc : memref<!tpu.dma_semaphore, #tpu.memory_space<semaphore_mem>>
          %dma_start3A = arith.constant 9480 : i32
          %dma_start3A_62 = arith.constant 0 : i32
          %dma_start3A_63 = tpu.memref_slice %arg12[%dma_start3A, %dma_start3A_62] : memref<10000x16xf32, #tpu.memory_space<hbm>> -> memref<520x16xf32, #tpu.memory_space<hbm>>
          %dma_start3A_64 = arith.constant 9480 : i32
          %dma_start3A_65 = arith.constant 0 : i32
          %dma_start3A_66 = tpu.memref_slice %arg19[%dma_start3A_64, %dma_start3A_65] : memref<10000x16xf32, #tpu.memory_space<vmem_shared>> -> memref<520x16xf32, #tpu.memory_space<vmem_shared>>
          tpu.enqueue_dma source(%dma_start3A_66 : memref<520x16xf32, #tpu.memory_space<vmem_shared>>) target(%dma_start3A_63 : memref<520x16xf32, #tpu.memory_space<hbm>>) target_semaphore(%run_scoped3A : memref<!tpu.dma_semaphore, #tpu.memory_space<semaphore_mem>>)
          %dma_wait3A = arith.constant 9480 : i32
          %dma_wait3A_67 = arith.constant 0 : i32
          %dma_wait3A_68 = tpu.memref_slice %arg12[%dma_wait3A, %dma_wait3A_67] : memref<10000x16xf32, #tpu.memory_space<hbm>> -> memref<520x16xf32, #tpu.memory_space<hbm>>
          %dma_wait3A_69 = arith.constant 9480 : i32
          %dma_wait3A_70 = arith.constant 0 : i32
          %dma_wait3A_71 = tpu.memref_slice %arg19[%dma_wait3A_69, %dma_wait3A_70] : memref<10000x16xf32, #tpu.memory_space<vmem_shared>> -> memref<520x16xf32, #tpu.memory_space<vmem_shared>>
          tpu.wait_dma2 semaphore(%run_scoped3A : memref<!tpu.dma_semaphore, #tpu.memory_space<semaphore_mem>>) src(%dma_wait3A_71 : memref<520x16xf32, #tpu.memory_space<vmem_shared>>) dst(%dma_wait3A_68 : memref<520x16xf32, #tpu.memory_space<hbm>>)
          tpu.yield
        }) : () -> ()
      } else {
      }
    } else {
    }
    return
  }
}

#map = affine_map<(d0, d1) -> (0, 0)>
#map1 = affine_map<(d0, d1) -> (0, 0, 0, 0, 0)>
module attributes {stable_mosaic.version = 14 : i64} {
  func.func @_segsum_nc_body(%arg0: i32, %arg1: i32, %arg2: memref<10000x128xf32, #tpu.memory_space<hbm>>, %arg3: memref<10000x128xf32, #tpu.memory_space<hbm>>, %arg4: memref<2x16x5x50x80xi32, #tpu.memory_space<hbm>>, %arg5: memref<2x16x5x50x80xi32, #tpu.memory_space<hbm>>, %arg6: memref<10000x128xf32, #tpu.memory_space<hbm>>, %arg7: memref<10000x128xf32, #tpu.memory_space<hbm>>, %arg8: memref<10000x128xf32, #tpu.memory_space<hbm>>, %arg9: memref<50x80xi32, #tpu.memory_space<vmem>>, %arg10: memref<50x80xi32, #tpu.memory_space<vmem>>, %arg11: memref<80x128xf32, #tpu.memory_space<vmem>>, %arg12: memref<80x128xf32, #tpu.memory_space<vmem>>, %arg13: memref<10000x128xf32, #tpu.memory_space<vmem_shared>>, %arg14: memref<!tpu.dma_semaphore, #tpu.memory_space<semaphore_mem>>, %arg15: memref<!tpu.dma_semaphore, #tpu.memory_space<semaphore_mem>>) attributes {dimension_semantics = [#tpu.dimension_semantics<core_parallel>, #tpu.dimension_semantics<subcore_parallel>], iteration_bounds = array<i64: 2, 16>, scalar_prefetch = 0 : i64, scratch_operands = 7 : i64, tpu.core_type = #tpu.core_type<sc_vector_subcore>, window_params = [{transform_indices = #map}, {transform_indices = #map}, {transform_indices = #map1}, {transform_indices = #map1}, {transform_indices = #map}, {transform_indices = #map}, {transform_indices = #map}]} {
    %mul3A = arith.constant 632 : i32
    %mul3A_0 = arith.muli %arg1, %mul3A : i32
    %multiple_of3A = tpu.assume_multiple %mul3A_0, 8 : i32
    %lt3A = arith.constant 15 : i32
    %lt3A_1 = arith.cmpi slt, %arg1, %lt3A : i32
    %convert_element_type3A = arith.extui %lt3A_1 : i1 to i32
    %cond3A = arith.constant 0 : i32
    %cond3A_2 = arith.cmpi ne, %convert_element_type3A, %cond3A : i32
    scf.if %cond3A_2 {
      "tpu.region"() ({
        %run_scoped3A = tpu.sem_alloc : memref<!tpu.dma_semaphore, #tpu.memory_space<semaphore_mem>>
        %dma_start3A = arith.constant 0 : i32
        %dma_start3A_17 = tpu.memref_slice %arg13[%multiple_of3A, %dma_start3A] : memref<10000x128xf32, #tpu.memory_space<vmem_shared>> -> memref<632x128xf32, #tpu.memory_space<vmem_shared>>
        %dma_start3A_18 = arith.constant 0 : i32
        %dma_start3A_19 = tpu.memref_slice %arg6[%multiple_of3A, %dma_start3A_18] : memref<10000x128xf32, #tpu.memory_space<hbm>> -> memref<632x128xf32, #tpu.memory_space<hbm>>
        tpu.enqueue_dma source(%dma_start3A_19 : memref<632x128xf32, #tpu.memory_space<hbm>>) target(%dma_start3A_17 : memref<632x128xf32, #tpu.memory_space<vmem_shared>>) target_semaphore(%run_scoped3A : memref<!tpu.dma_semaphore, #tpu.memory_space<semaphore_mem>>)
        %dma_wait3A = arith.constant 0 : i32
        %dma_wait3A_20 = tpu.memref_slice %arg13[%multiple_of3A, %dma_wait3A] : memref<10000x128xf32, #tpu.memory_space<vmem_shared>> -> memref<632x128xf32, #tpu.memory_space<vmem_shared>>
        %dma_wait3A_21 = arith.constant 0 : i32
        %dma_wait3A_22 = tpu.memref_slice %arg6[%multiple_of3A, %dma_wait3A_21] : memref<10000x128xf32, #tpu.memory_space<hbm>> -> memref<632x128xf32, #tpu.memory_space<hbm>>
        tpu.wait_dma2 semaphore(%run_scoped3A : memref<!tpu.dma_semaphore, #tpu.memory_space<semaphore_mem>>) src(%dma_wait3A_22 : memref<632x128xf32, #tpu.memory_space<hbm>>) dst(%dma_wait3A_20 : memref<632x128xf32, #tpu.memory_space<vmem_shared>>)
        tpu.yield
      }) : () -> ()
    } else {
    }
    %eq3A = arith.constant 15 : i32
    %eq3A_3 = arith.cmpi eq, %arg1, %eq3A : i32
    %convert_element_type3A_4 = arith.extui %eq3A_3 : i1 to i32
    %cond3A_5 = arith.constant 0 : i32
    %cond3A_6 = arith.cmpi ne, %convert_element_type3A_4, %cond3A_5 : i32
    scf.if %cond3A_6 {
      "tpu.region"() ({
        %run_scoped3A = tpu.sem_alloc : memref<!tpu.dma_semaphore, #tpu.memory_space<semaphore_mem>>
        %dma_start3A = arith.constant 9480 : i32
        %dma_start3A_17 = arith.constant 0 : i32
        %dma_start3A_18 = tpu.memref_slice %arg13[%dma_start3A, %dma_start3A_17] : memref<10000x128xf32, #tpu.memory_space<vmem_shared>> -> memref<520x128xf32, #tpu.memory_space<vmem_shared>>
        %dma_start3A_19 = arith.constant 9480 : i32
        %dma_start3A_20 = arith.constant 0 : i32
        %dma_start3A_21 = tpu.memref_slice %arg6[%dma_start3A_19, %dma_start3A_20] : memref<10000x128xf32, #tpu.memory_space<hbm>> -> memref<520x128xf32, #tpu.memory_space<hbm>>
        tpu.enqueue_dma source(%dma_start3A_21 : memref<520x128xf32, #tpu.memory_space<hbm>>) target(%dma_start3A_18 : memref<520x128xf32, #tpu.memory_space<vmem_shared>>) target_semaphore(%run_scoped3A : memref<!tpu.dma_semaphore, #tpu.memory_space<semaphore_mem>>)
        %dma_wait3A = arith.constant 9480 : i32
        %dma_wait3A_22 = arith.constant 0 : i32
        %dma_wait3A_23 = tpu.memref_slice %arg13[%dma_wait3A, %dma_wait3A_22] : memref<10000x128xf32, #tpu.memory_space<vmem_shared>> -> memref<520x128xf32, #tpu.memory_space<vmem_shared>>
        %dma_wait3A_24 = arith.constant 9480 : i32
        %dma_wait3A_25 = arith.constant 0 : i32
        %dma_wait3A_26 = tpu.memref_slice %arg6[%dma_wait3A_24, %dma_wait3A_25] : memref<10000x128xf32, #tpu.memory_space<hbm>> -> memref<520x128xf32, #tpu.memory_space<hbm>>
        tpu.wait_dma2 semaphore(%run_scoped3A : memref<!tpu.dma_semaphore, #tpu.memory_space<semaphore_mem>>) src(%dma_wait3A_26 : memref<520x128xf32, #tpu.memory_space<hbm>>) dst(%dma_wait3A_23 : memref<520x128xf32, #tpu.memory_space<vmem_shared>>)
        tpu.yield
      }) : () -> ()
    } else {
    }
    %barrier3A = arith.constant 0 : index
    tpu.barrier barrier_id(%barrier3A)
    %eq3A_7 = arith.constant 0 : i32
    %eq3A_8 = arith.cmpi eq, %arg0, %eq3A_7 : i32
    %convert_element_type3A_9 = arith.extui %eq3A_8 : i1 to i32
    %cond3A_10 = arith.constant 0 : i32
    %cond3A_11 = arith.cmpi ne, %convert_element_type3A_9, %cond3A_10 : i32
    scf.if %cond3A_11 {
      %scan3A = arith.constant 0 : i32
      %scan3A_17 = arith.constant 0 : i32
      %scan3A_18 = arith.constant 5 : i32
      %scan3A_19 = arith.addi %scan3A_17, %scan3A_18 : i32
      %scan3A_20 = arith.constant 1 : i32
      scf.for %scan3A_36 = %scan3A_17 to %scan3A_19 step %scan3A_20  : i32 {
        %run_scoped3A = arith.constant 0 : i32
        "tpu.region"() ({
          %run_scoped3A_50 = tpu.sem_alloc : memref<!tpu.dma_semaphore, #tpu.memory_space<semaphore_mem>>
          %dma_start3A_51 = arith.constant 0 : i32
          %dma_start3A_52 = arith.constant 0 : i32
          %dma_start3A_53 = tpu.memref_slice %arg4[%run_scoped3A, %arg1, %scan3A_36, %dma_start3A_51, %dma_start3A_52] : memref<2x16x5x50x80xi32, #tpu.memory_space<hbm>> -> memref<1x1x1x50x80xi32, #tpu.memory_space<hbm>>
          %dma_start3A_54 = tpu.memref_squeeze %dma_start3A_53 : memref<1x1x1x50x80xi32, #tpu.memory_space<hbm>> -> memref<50x80xi32, #tpu.memory_space<hbm>>
          %dma_start3A_55 = arith.constant 0 : i32
          %dma_start3A_56 = arith.constant 0 : i32
          %dma_start3A_57 = tpu.memref_slice %arg4[%run_scoped3A, %arg1, %scan3A_36, %dma_start3A_55, %dma_start3A_56] : memref<2x16x5x50x80xi32, #tpu.memory_space<hbm>> -> memref<1x1x1x50x80xi32, #tpu.memory_space<hbm>>
          %dma_start3A_58 = tpu.memref_squeeze %dma_start3A_57 : memref<1x1x1x50x80xi32, #tpu.memory_space<hbm>> -> memref<50x80xi32, #tpu.memory_space<hbm>>
          tpu.enqueue_dma source(%dma_start3A_58 : memref<50x80xi32, #tpu.memory_space<hbm>>) target(%arg9 : memref<50x80xi32, #tpu.memory_space<vmem>>) target_semaphore(%run_scoped3A_50 : memref<!tpu.dma_semaphore, #tpu.memory_space<semaphore_mem>>)
          %dma_wait3A = arith.constant 0 : i32
          %dma_wait3A_59 = arith.constant 0 : i32
          %dma_wait3A_60 = tpu.memref_slice %arg4[%run_scoped3A, %arg1, %scan3A_36, %dma_wait3A, %dma_wait3A_59] : memref<2x16x5x50x80xi32, #tpu.memory_space<hbm>> -> memref<1x1x1x50x80xi32, #tpu.memory_space<hbm>>
          %dma_wait3A_61 = tpu.memref_squeeze %dma_wait3A_60 : memref<1x1x1x50x80xi32, #tpu.memory_space<hbm>> -> memref<50x80xi32, #tpu.memory_space<hbm>>
          %dma_wait3A_62 = arith.constant 0 : i32
          %dma_wait3A_63 = arith.constant 0 : i32
          %dma_wait3A_64 = tpu.memref_slice %arg4[%run_scoped3A, %arg1, %scan3A_36, %dma_wait3A_62, %dma_wait3A_63] : memref<2x16x5x50x80xi32, #tpu.memory_space<hbm>> -> memref<1x1x1x50x80xi32, #tpu.memory_space<hbm>>
          %dma_wait3A_65 = tpu.memref_squeeze %dma_wait3A_64 : memref<1x1x1x50x80xi32, #tpu.memory_space<hbm>> -> memref<50x80xi32, #tpu.memory_space<hbm>>
          tpu.wait_dma2 semaphore(%run_scoped3A_50 : memref<!tpu.dma_semaphore, #tpu.memory_space<semaphore_mem>>) src(%dma_wait3A_65 : memref<50x80xi32, #tpu.memory_space<hbm>>) dst(%arg9 : memref<50x80xi32, #tpu.memory_space<vmem>>)
          tpu.yield
        }) : () -> ()
        %run_scoped3A_37 = arith.constant 1 : i32
        "tpu.region"() ({
          %run_scoped3A_50 = tpu.sem_alloc : memref<!tpu.dma_semaphore, #tpu.memory_space<semaphore_mem>>
          %dma_start3A_51 = arith.constant 0 : i32
          %dma_start3A_52 = arith.constant 0 : i32
          %dma_start3A_53 = tpu.memref_slice %arg4[%run_scoped3A_37, %arg1, %scan3A_36, %dma_start3A_51, %dma_start3A_52] : memref<2x16x5x50x80xi32, #tpu.memory_space<hbm>> -> memref<1x1x1x50x80xi32, #tpu.memory_space<hbm>>
          %dma_start3A_54 = tpu.memref_squeeze %dma_start3A_53 : memref<1x1x1x50x80xi32, #tpu.memory_space<hbm>> -> memref<50x80xi32, #tpu.memory_space<hbm>>
          %dma_start3A_55 = arith.constant 0 : i32
          %dma_start3A_56 = arith.constant 0 : i32
          %dma_start3A_57 = tpu.memref_slice %arg4[%run_scoped3A_37, %arg1, %scan3A_36, %dma_start3A_55, %dma_start3A_56] : memref<2x16x5x50x80xi32, #tpu.memory_space<hbm>> -> memref<1x1x1x50x80xi32, #tpu.memory_space<hbm>>
          %dma_start3A_58 = tpu.memref_squeeze %dma_start3A_57 : memref<1x1x1x50x80xi32, #tpu.memory_space<hbm>> -> memref<50x80xi32, #tpu.memory_space<hbm>>
          tpu.enqueue_dma source(%dma_start3A_58 : memref<50x80xi32, #tpu.memory_space<hbm>>) target(%arg10 : memref<50x80xi32, #tpu.memory_space<vmem>>) target_semaphore(%run_scoped3A_50 : memref<!tpu.dma_semaphore, #tpu.memory_space<semaphore_mem>>)
          %dma_wait3A = arith.constant 0 : i32
          %dma_wait3A_59 = arith.constant 0 : i32
          %dma_wait3A_60 = tpu.memref_slice %arg4[%run_scoped3A_37, %arg1, %scan3A_36, %dma_wait3A, %dma_wait3A_59] : memref<2x16x5x50x80xi32, #tpu.memory_space<hbm>> -> memref<1x1x1x50x80xi32, #tpu.memory_space<hbm>>
          %dma_wait3A_61 = tpu.memref_squeeze %dma_wait3A_60 : memref<1x1x1x50x80xi32, #tpu.memory_space<hbm>> -> memref<50x80xi32, #tpu.memory_space<hbm>>
          %dma_wait3A_62 = arith.constant 0 : i32
          %dma_wait3A_63 = arith.constant 0 : i32
          %dma_wait3A_64 = tpu.memref_slice %arg4[%run_scoped3A_37, %arg1, %scan3A_36, %dma_wait3A_62, %dma_wait3A_63] : memref<2x16x5x50x80xi32, #tpu.memory_space<hbm>> -> memref<1x1x1x50x80xi32, #tpu.memory_space<hbm>>
          %dma_wait3A_65 = tpu.memref_squeeze %dma_wait3A_64 : memref<1x1x1x50x80xi32, #tpu.memory_space<hbm>> -> memref<50x80xi32, #tpu.memory_space<hbm>>
          tpu.wait_dma2 semaphore(%run_scoped3A_50 : memref<!tpu.dma_semaphore, #tpu.memory_space<semaphore_mem>>) src(%dma_wait3A_65 : memref<50x80xi32, #tpu.memory_space<hbm>>) dst(%arg10 : memref<50x80xi32, #tpu.memory_space<vmem>>)
          tpu.yield
        }) : () -> ()
        %dma_start3A = arith.constant 0 : i32
        %dma_start3A_38 = arith.constant 0 : i32
        %dma_start3A_39 = tpu.memref_slice %arg9[%dma_start3A, %dma_start3A_38] : memref<50x80xi32, #tpu.memory_space<vmem>> -> memref<1x80xi32, #tpu.memory_space<vmem>>
        %dma_start3A_40 = tpu.memref_squeeze %dma_start3A_39 : memref<1x80xi32, #tpu.memory_space<vmem>> -> memref<80xi32, #tpu.memory_space<vmem>>
        %dma_start3A_41 = arith.constant 0 : i32
        %dma_start3A_42 = arith.constant 0 : i32
        %dma_start3A_43 = tpu.memref_slice %arg2[%dma_start3A_41, %dma_start3A_42] : memref<10000x128xf32, #tpu.memory_space<hbm>> -> memref<10000x128xf32, #tpu.memory_space<hbm>>
        tpu.enqueue_indirect_dma source(%dma_start3A_43 : memref<10000x128xf32, #tpu.memory_space<hbm>>) target(%arg11 : memref<80x128xf32, #tpu.memory_space<vmem>>) offsets(%dma_start3A_40 : memref<80xi32, #tpu.memory_space<vmem>>) semaphore(%arg14 : memref<!tpu.dma_semaphore, #tpu.memory_space<semaphore_mem>>)
        %scan3A_44 = arith.constant 0 : i32
        %scan3A_45 = arith.constant 0 : i32
        %scan3A_46 = arith.constant 25 : i32
        %scan3A_47 = arith.addi %scan3A_45, %scan3A_46 : i32
        %scan3A_48 = arith.constant 1 : i32
        scf.for %scan3A_50 = %scan3A_45 to %scan3A_47 step %scan3A_48  : i32 {
          %mul3A_51 = arith.constant 2 : i32
          %mul3A_52 = arith.muli %mul3A_51, %scan3A_50 : i32
          %add3A = arith.constant 1 : i32
          %add3A_53 = arith.addi %mul3A_52, %add3A : i32
          %dma_start3A_54 = arith.constant 0 : i32
          %dma_start3A_55 = tpu.memref_slice %arg9[%add3A_53, %dma_start3A_54] : memref<50x80xi32, #tpu.memory_space<vmem>> -> memref<1x80xi32, #tpu.memory_space<vmem>>
          %dma_start3A_56 = tpu.memref_squeeze %dma_start3A_55 : memref<1x80xi32, #tpu.memory_space<vmem>> -> memref<80xi32, #tpu.memory_space<vmem>>
          %dma_start3A_57 = arith.constant 0 : i32
          %dma_start3A_58 = arith.constant 0 : i32
          %dma_start3A_59 = tpu.memref_slice %arg2[%dma_start3A_57, %dma_start3A_58] : memref<10000x128xf32, #tpu.memory_space<hbm>> -> memref<10000x128xf32, #tpu.memory_space<hbm>>
          tpu.enqueue_indirect_dma source(%dma_start3A_59 : memref<10000x128xf32, #tpu.memory_space<hbm>>) target(%arg12 : memref<80x128xf32, #tpu.memory_space<vmem>>) offsets(%dma_start3A_56 : memref<80xi32, #tpu.memory_space<vmem>>) semaphore(%arg15 : memref<!tpu.dma_semaphore, #tpu.memory_space<semaphore_mem>>)
          %dma_wait3A = arith.constant 0 : i32
          %dma_wait3A_60 = tpu.memref_slice %arg9[%mul3A_52, %dma_wait3A] : memref<50x80xi32, #tpu.memory_space<vmem>> -> memref<1x80xi32, #tpu.memory_space<vmem>>
          %dma_wait3A_61 = tpu.memref_squeeze %dma_wait3A_60 : memref<1x80xi32, #tpu.memory_space<vmem>> -> memref<80xi32, #tpu.memory_space<vmem>>
          %dma_wait3A_62 = arith.constant 0 : i32
          %dma_wait3A_63 = arith.constant 0 : i32
          %dma_wait3A_64 = tpu.memref_slice %arg2[%dma_wait3A_62, %dma_wait3A_63] : memref<10000x128xf32, #tpu.memory_space<hbm>> -> memref<10000x128xf32, #tpu.memory_space<hbm>>
          tpu.wait_indirect_dma semaphore(%arg14 : memref<!tpu.dma_semaphore, #tpu.memory_space<semaphore_mem>>) src(%dma_wait3A_64 : memref<10000x128xf32, #tpu.memory_space<hbm>>) dst(%arg11 : memref<80x128xf32, #tpu.memory_space<vmem>>)
          "tpu.region"() ({
            %run_scoped3A_82 = tpu.sem_alloc : memref<!tpu.dma_semaphore, #tpu.memory_space<semaphore_mem>>
            %dma_start3A_83 = arith.constant 0 : i32
            %dma_start3A_84 = tpu.memref_slice %arg10[%mul3A_52, %dma_start3A_83] : memref<50x80xi32, #tpu.memory_space<vmem>> -> memref<1x80xi32, #tpu.memory_space<vmem>>
            %dma_start3A_85 = tpu.memref_squeeze %dma_start3A_84 : memref<1x80xi32, #tpu.memory_space<vmem>> -> memref<80xi32, #tpu.memory_space<vmem>>
            %dma_start3A_86 = arith.constant 0 : i32
            %dma_start3A_87 = arith.constant 0 : i32
            %dma_start3A_88 = tpu.memref_slice %arg13[%dma_start3A_86, %dma_start3A_87] : memref<10000x128xf32, #tpu.memory_space<vmem_shared>> -> memref<10000x128xf32, #tpu.memory_space<vmem_shared>>
            tpu.enqueue_indirect_dma source(%arg11 : memref<80x128xf32, #tpu.memory_space<vmem>>) target(%dma_start3A_88 : memref<10000x128xf32, #tpu.memory_space<vmem_shared>>) offsets(%dma_start3A_85 : memref<80xi32, #tpu.memory_space<vmem>>) semaphore(%run_scoped3A_82 : memref<!tpu.dma_semaphore, #tpu.memory_space<semaphore_mem>>) {add = true}
            %dma_wait3A_89 = arith.constant 0 : i32
            %dma_wait3A_90 = tpu.memref_slice %arg10[%mul3A_52, %dma_wait3A_89] : memref<50x80xi32, #tpu.memory_space<vmem>> -> memref<1x80xi32, #tpu.memory_space<vmem>>
            %dma_wait3A_91 = tpu.memref_squeeze %dma_wait3A_90 : memref<1x80xi32, #tpu.memory_space<vmem>> -> memref<80xi32, #tpu.memory_space<vmem>>
            %dma_wait3A_92 = arith.constant 0 : i32
            %dma_wait3A_93 = arith.constant 0 : i32
            %dma_wait3A_94 = tpu.memref_slice %arg13[%dma_wait3A_92, %dma_wait3A_93] : memref<10000x128xf32, #tpu.memory_space<vmem_shared>> -> memref<10000x128xf32, #tpu.memory_space<vmem_shared>>
            tpu.wait_indirect_dma semaphore(%run_scoped3A_82 : memref<!tpu.dma_semaphore, #tpu.memory_space<semaphore_mem>>) src(%arg11 : memref<80x128xf32, #tpu.memory_space<vmem>>) dst(%dma_wait3A_94 : memref<10000x128xf32, #tpu.memory_space<vmem_shared>>)
            tpu.yield
          }) : () -> ()
          %add3A_65 = arith.constant 1 : i32
          %add3A_66 = arith.addi %scan3A_50, %add3A_65 : i32
          %lt3A_67 = arith.constant 25 : i32
          %lt3A_68 = arith.cmpi slt, %add3A_66, %lt3A_67 : i32
          %convert_element_type3A_69 = arith.extui %lt3A_68 : i1 to i32
          %cond3A_70 = arith.constant 0 : i32
          %cond3A_71 = arith.cmpi ne, %convert_element_type3A_69, %cond3A_70 : i32
          scf.if %cond3A_71 {
            %add3A_82 = arith.constant 2 : i32
            %add3A_83 = arith.addi %mul3A_52, %add3A_82 : i32
            %dma_start3A_84 = arith.constant 0 : i32
            %dma_start3A_85 = tpu.memref_slice %arg9[%add3A_83, %dma_start3A_84] : memref<50x80xi32, #tpu.memory_space<vmem>> -> memref<1x80xi32, #tpu.memory_space<vmem>>
            %dma_start3A_86 = tpu.memref_squeeze %dma_start3A_85 : memref<1x80xi32, #tpu.memory_space<vmem>> -> memref<80xi32, #tpu.memory_space<vmem>>
            %dma_start3A_87 = arith.constant 0 : i32
            %dma_start3A_88 = arith.constant 0 : i32
            %dma_start3A_89 = tpu.memref_slice %arg2[%dma_start3A_87, %dma_start3A_88] : memref<10000x128xf32, #tpu.memory_space<hbm>> -> memref<10000x128xf32, #tpu.memory_space<hbm>>
            tpu.enqueue_indirect_dma source(%dma_start3A_89 : memref<10000x128xf32, #tpu.memory_space<hbm>>) target(%arg11 : memref<80x128xf32, #tpu.memory_space<vmem>>) offsets(%dma_start3A_86 : memref<80xi32, #tpu.memory_space<vmem>>) semaphore(%arg14 : memref<!tpu.dma_semaphore, #tpu.memory_space<semaphore_mem>>)
          } else {
          }
          %add3A_72 = arith.constant 1 : i32
          %add3A_73 = arith.addi %mul3A_52, %add3A_72 : i32
          %dma_wait3A_74 = arith.constant 0 : i32
          %dma_wait3A_75 = tpu.memref_slice %arg9[%add3A_73, %dma_wait3A_74] : memref<50x80xi32, #tpu.memory_space<vmem>> -> memref<1x80xi32, #tpu.memory_space<vmem>>
          %dma_wait3A_76 = tpu.memref_squeeze %dma_wait3A_75 : memref<1x80xi32, #tpu.memory_space<vmem>> -> memref<80xi32, #tpu.memory_space<vmem>>
          %dma_wait3A_77 = arith.constant 0 : i32
          %dma_wait3A_78 = arith.constant 0 : i32
          %dma_wait3A_79 = tpu.memref_slice %arg2[%dma_wait3A_77, %dma_wait3A_78] : memref<10000x128xf32, #tpu.memory_space<hbm>> -> memref<10000x128xf32, #tpu.memory_space<hbm>>
          tpu.wait_indirect_dma semaphore(%arg15 : memref<!tpu.dma_semaphore, #tpu.memory_space<semaphore_mem>>) src(%dma_wait3A_79 : memref<10000x128xf32, #tpu.memory_space<hbm>>) dst(%arg12 : memref<80x128xf32, #tpu.memory_space<vmem>>)
          %add3A_80 = arith.constant 1 : i32
          %add3A_81 = arith.addi %mul3A_52, %add3A_80 : i32
          "tpu.region"() ({
            %run_scoped3A_82 = tpu.sem_alloc : memref<!tpu.dma_semaphore, #tpu.memory_space<semaphore_mem>>
            %dma_start3A_83 = arith.constant 0 : i32
            %dma_start3A_84 = tpu.memref_slice %arg10[%add3A_81, %dma_start3A_83] : memref<50x80xi32, #tpu.memory_space<vmem>> -> memref<1x80xi32, #tpu.memory_space<vmem>>
            %dma_start3A_85 = tpu.memref_squeeze %dma_start3A_84 : memref<1x80xi32, #tpu.memory_space<vmem>> -> memref<80xi32, #tpu.memory_space<vmem>>
            %dma_start3A_86 = arith.constant 0 : i32
            %dma_start3A_87 = arith.constant 0 : i32
            %dma_start3A_88 = tpu.memref_slice %arg13[%dma_start3A_86, %dma_start3A_87] : memref<10000x128xf32, #tpu.memory_space<vmem_shared>> -> memref<10000x128xf32, #tpu.memory_space<vmem_shared>>
            tpu.enqueue_indirect_dma source(%arg12 : memref<80x128xf32, #tpu.memory_space<vmem>>) target(%dma_start3A_88 : memref<10000x128xf32, #tpu.memory_space<vmem_shared>>) offsets(%dma_start3A_85 : memref<80xi32, #tpu.memory_space<vmem>>) semaphore(%run_scoped3A_82 : memref<!tpu.dma_semaphore, #tpu.memory_space<semaphore_mem>>) {add = true}
            %dma_wait3A_89 = arith.constant 0 : i32
            %dma_wait3A_90 = tpu.memref_slice %arg10[%add3A_81, %dma_wait3A_89] : memref<50x80xi32, #tpu.memory_space<vmem>> -> memref<1x80xi32, #tpu.memory_space<vmem>>
            %dma_wait3A_91 = tpu.memref_squeeze %dma_wait3A_90 : memref<1x80xi32, #tpu.memory_space<vmem>> -> memref<80xi32, #tpu.memory_space<vmem>>
            %dma_wait3A_92 = arith.constant 0 : i32
            %dma_wait3A_93 = arith.constant 0 : i32
            %dma_wait3A_94 = tpu.memref_slice %arg13[%dma_wait3A_92, %dma_wait3A_93] : memref<10000x128xf32, #tpu.memory_space<vmem_shared>> -> memref<10000x128xf32, #tpu.memory_space<vmem_shared>>
            tpu.wait_indirect_dma semaphore(%run_scoped3A_82 : memref<!tpu.dma_semaphore, #tpu.memory_space<semaphore_mem>>) src(%arg12 : memref<80x128xf32, #tpu.memory_space<vmem>>) dst(%dma_wait3A_94 : memref<10000x128xf32, #tpu.memory_space<vmem_shared>>)
            tpu.yield
          }) : () -> ()
        }
        %scan3A_49 = arith.constant 25 : i32
      }
      %scan3A_21 = arith.constant 5 : i32
      %barrier3A_22 = arith.constant 0 : index
      tpu.barrier barrier_id(%barrier3A_22)
      %mul3A_23 = arith.constant 632 : i32
      %mul3A_24 = arith.muli %arg1, %mul3A_23 : i32
      %multiple_of3A_25 = tpu.assume_multiple %mul3A_24, 8 : i32
      %lt3A_26 = arith.constant 15 : i32
      %lt3A_27 = arith.cmpi slt, %arg1, %lt3A_26 : i32
      %convert_element_type3A_28 = arith.extui %lt3A_27 : i1 to i32
      %cond3A_29 = arith.constant 0 : i32
      %cond3A_30 = arith.cmpi ne, %convert_element_type3A_28, %cond3A_29 : i32
      scf.if %cond3A_30 {
        "tpu.region"() ({
          %run_scoped3A = tpu.sem_alloc : memref<!tpu.dma_semaphore, #tpu.memory_space<semaphore_mem>>
          %dma_start3A = arith.constant 0 : i32
          %dma_start3A_36 = tpu.memref_slice %arg7[%multiple_of3A_25, %dma_start3A] : memref<10000x128xf32, #tpu.memory_space<hbm>> -> memref<632x128xf32, #tpu.memory_space<hbm>>
          %dma_start3A_37 = arith.constant 0 : i32
          %dma_start3A_38 = tpu.memref_slice %arg13[%multiple_of3A_25, %dma_start3A_37] : memref<10000x128xf32, #tpu.memory_space<vmem_shared>> -> memref<632x128xf32, #tpu.memory_space<vmem_shared>>
          tpu.enqueue_dma source(%dma_start3A_38 : memref<632x128xf32, #tpu.memory_space<vmem_shared>>) target(%dma_start3A_36 : memref<632x128xf32, #tpu.memory_space<hbm>>) target_semaphore(%run_scoped3A : memref<!tpu.dma_semaphore, #tpu.memory_space<semaphore_mem>>)
          %dma_wait3A = arith.constant 0 : i32
          %dma_wait3A_39 = tpu.memref_slice %arg7[%multiple_of3A_25, %dma_wait3A] : memref<10000x128xf32, #tpu.memory_space<hbm>> -> memref<632x128xf32, #tpu.memory_space<hbm>>
          %dma_wait3A_40 = arith.constant 0 : i32
          %dma_wait3A_41 = tpu.memref_slice %arg13[%multiple_of3A_25, %dma_wait3A_40] : memref<10000x128xf32, #tpu.memory_space<vmem_shared>> -> memref<632x128xf32, #tpu.memory_space<vmem_shared>>
          tpu.wait_dma2 semaphore(%run_scoped3A : memref<!tpu.dma_semaphore, #tpu.memory_space<semaphore_mem>>) src(%dma_wait3A_41 : memref<632x128xf32, #tpu.memory_space<vmem_shared>>) dst(%dma_wait3A_39 : memref<632x128xf32, #tpu.memory_space<hbm>>)
          tpu.yield
        }) : () -> ()
      } else {
      }
      %eq3A_31 = arith.constant 15 : i32
      %eq3A_32 = arith.cmpi eq, %arg1, %eq3A_31 : i32
      %convert_element_type3A_33 = arith.extui %eq3A_32 : i1 to i32
      %cond3A_34 = arith.constant 0 : i32
      %cond3A_35 = arith.cmpi ne, %convert_element_type3A_33, %cond3A_34 : i32
      scf.if %cond3A_35 {
        "tpu.region"() ({
          %run_scoped3A = tpu.sem_alloc : memref<!tpu.dma_semaphore, #tpu.memory_space<semaphore_mem>>
          %dma_start3A = arith.constant 9480 : i32
          %dma_start3A_36 = arith.constant 0 : i32
          %dma_start3A_37 = tpu.memref_slice %arg7[%dma_start3A, %dma_start3A_36] : memref<10000x128xf32, #tpu.memory_space<hbm>> -> memref<520x128xf32, #tpu.memory_space<hbm>>
          %dma_start3A_38 = arith.constant 9480 : i32
          %dma_start3A_39 = arith.constant 0 : i32
          %dma_start3A_40 = tpu.memref_slice %arg13[%dma_start3A_38, %dma_start3A_39] : memref<10000x128xf32, #tpu.memory_space<vmem_shared>> -> memref<520x128xf32, #tpu.memory_space<vmem_shared>>
          tpu.enqueue_dma source(%dma_start3A_40 : memref<520x128xf32, #tpu.memory_space<vmem_shared>>) target(%dma_start3A_37 : memref<520x128xf32, #tpu.memory_space<hbm>>) target_semaphore(%run_scoped3A : memref<!tpu.dma_semaphore, #tpu.memory_space<semaphore_mem>>)
          %dma_wait3A = arith.constant 9480 : i32
          %dma_wait3A_41 = arith.constant 0 : i32
          %dma_wait3A_42 = tpu.memref_slice %arg7[%dma_wait3A, %dma_wait3A_41] : memref<10000x128xf32, #tpu.memory_space<hbm>> -> memref<520x128xf32, #tpu.memory_space<hbm>>
          %dma_wait3A_43 = arith.constant 9480 : i32
          %dma_wait3A_44 = arith.constant 0 : i32
          %dma_wait3A_45 = tpu.memref_slice %arg13[%dma_wait3A_43, %dma_wait3A_44] : memref<10000x128xf32, #tpu.memory_space<vmem_shared>> -> memref<520x128xf32, #tpu.memory_space<vmem_shared>>
          tpu.wait_dma2 semaphore(%run_scoped3A : memref<!tpu.dma_semaphore, #tpu.memory_space<semaphore_mem>>) src(%dma_wait3A_45 : memref<520x128xf32, #tpu.memory_space<vmem_shared>>) dst(%dma_wait3A_42 : memref<520x128xf32, #tpu.memory_space<hbm>>)
          tpu.yield
        }) : () -> ()
      } else {
      }
    } else {
    }
    %eq3A_12 = arith.constant 1 : i32
    %eq3A_13 = arith.cmpi eq, %arg0, %eq3A_12 : i32
    %convert_element_type3A_14 = arith.extui %eq3A_13 : i1 to i32
    %cond3A_15 = arith.constant 0 : i32
    %cond3A_16 = arith.cmpi ne, %convert_element_type3A_14, %cond3A_15 : i32
    scf.if %cond3A_16 {
      %scan3A = arith.constant 0 : i32
      %scan3A_17 = arith.constant 0 : i32
      %scan3A_18 = arith.constant 5 : i32
      %scan3A_19 = arith.addi %scan3A_17, %scan3A_18 : i32
      %scan3A_20 = arith.constant 1 : i32
      scf.for %scan3A_36 = %scan3A_17 to %scan3A_19 step %scan3A_20  : i32 {
        %run_scoped3A = arith.constant 0 : i32
        "tpu.region"() ({
          %run_scoped3A_50 = tpu.sem_alloc : memref<!tpu.dma_semaphore, #tpu.memory_space<semaphore_mem>>
          %dma_start3A_51 = arith.constant 0 : i32
          %dma_start3A_52 = arith.constant 0 : i32
          %dma_start3A_53 = tpu.memref_slice %arg5[%run_scoped3A, %arg1, %scan3A_36, %dma_start3A_51, %dma_start3A_52] : memref<2x16x5x50x80xi32, #tpu.memory_space<hbm>> -> memref<1x1x1x50x80xi32, #tpu.memory_space<hbm>>
          %dma_start3A_54 = tpu.memref_squeeze %dma_start3A_53 : memref<1x1x1x50x80xi32, #tpu.memory_space<hbm>> -> memref<50x80xi32, #tpu.memory_space<hbm>>
          %dma_start3A_55 = arith.constant 0 : i32
          %dma_start3A_56 = arith.constant 0 : i32
          %dma_start3A_57 = tpu.memref_slice %arg5[%run_scoped3A, %arg1, %scan3A_36, %dma_start3A_55, %dma_start3A_56] : memref<2x16x5x50x80xi32, #tpu.memory_space<hbm>> -> memref<1x1x1x50x80xi32, #tpu.memory_space<hbm>>
          %dma_start3A_58 = tpu.memref_squeeze %dma_start3A_57 : memref<1x1x1x50x80xi32, #tpu.memory_space<hbm>> -> memref<50x80xi32, #tpu.memory_space<hbm>>
          tpu.enqueue_dma source(%dma_start3A_58 : memref<50x80xi32, #tpu.memory_space<hbm>>) target(%arg9 : memref<50x80xi32, #tpu.memory_space<vmem>>) target_semaphore(%run_scoped3A_50 : memref<!tpu.dma_semaphore, #tpu.memory_space<semaphore_mem>>)
          %dma_wait3A = arith.constant 0 : i32
          %dma_wait3A_59 = arith.constant 0 : i32
          %dma_wait3A_60 = tpu.memref_slice %arg5[%run_scoped3A, %arg1, %scan3A_36, %dma_wait3A, %dma_wait3A_59] : memref<2x16x5x50x80xi32, #tpu.memory_space<hbm>> -> memref<1x1x1x50x80xi32, #tpu.memory_space<hbm>>
          %dma_wait3A_61 = tpu.memref_squeeze %dma_wait3A_60 : memref<1x1x1x50x80xi32, #tpu.memory_space<hbm>> -> memref<50x80xi32, #tpu.memory_space<hbm>>
          %dma_wait3A_62 = arith.constant 0 : i32
          %dma_wait3A_63 = arith.constant 0 : i32
          %dma_wait3A_64 = tpu.memref_slice %arg5[%run_scoped3A, %arg1, %scan3A_36, %dma_wait3A_62, %dma_wait3A_63] : memref<2x16x5x50x80xi32, #tpu.memory_space<hbm>> -> memref<1x1x1x50x80xi32, #tpu.memory_space<hbm>>
          %dma_wait3A_65 = tpu.memref_squeeze %dma_wait3A_64 : memref<1x1x1x50x80xi32, #tpu.memory_space<hbm>> -> memref<50x80xi32, #tpu.memory_space<hbm>>
          tpu.wait_dma2 semaphore(%run_scoped3A_50 : memref<!tpu.dma_semaphore, #tpu.memory_space<semaphore_mem>>) src(%dma_wait3A_65 : memref<50x80xi32, #tpu.memory_space<hbm>>) dst(%arg9 : memref<50x80xi32, #tpu.memory_space<vmem>>)
          tpu.yield
        }) : () -> ()
        %run_scoped3A_37 = arith.constant 1 : i32
        "tpu.region"() ({
          %run_scoped3A_50 = tpu.sem_alloc : memref<!tpu.dma_semaphore, #tpu.memory_space<semaphore_mem>>
          %dma_start3A_51 = arith.constant 0 : i32
          %dma_start3A_52 = arith.constant 0 : i32
          %dma_start3A_53 = tpu.memref_slice %arg5[%run_scoped3A_37, %arg1, %scan3A_36, %dma_start3A_51, %dma_start3A_52] : memref<2x16x5x50x80xi32, #tpu.memory_space<hbm>> -> memref<1x1x1x50x80xi32, #tpu.memory_space<hbm>>
          %dma_start3A_54 = tpu.memref_squeeze %dma_start3A_53 : memref<1x1x1x50x80xi32, #tpu.memory_space<hbm>> -> memref<50x80xi32, #tpu.memory_space<hbm>>
          %dma_start3A_55 = arith.constant 0 : i32
          %dma_start3A_56 = arith.constant 0 : i32
          %dma_start3A_57 = tpu.memref_slice %arg5[%run_scoped3A_37, %arg1, %scan3A_36, %dma_start3A_55, %dma_start3A_56] : memref<2x16x5x50x80xi32, #tpu.memory_space<hbm>> -> memref<1x1x1x50x80xi32, #tpu.memory_space<hbm>>
          %dma_start3A_58 = tpu.memref_squeeze %dma_start3A_57 : memref<1x1x1x50x80xi32, #tpu.memory_space<hbm>> -> memref<50x80xi32, #tpu.memory_space<hbm>>
          tpu.enqueue_dma source(%dma_start3A_58 : memref<50x80xi32, #tpu.memory_space<hbm>>) target(%arg10 : memref<50x80xi32, #tpu.memory_space<vmem>>) target_semaphore(%run_scoped3A_50 : memref<!tpu.dma_semaphore, #tpu.memory_space<semaphore_mem>>)
          %dma_wait3A = arith.constant 0 : i32
          %dma_wait3A_59 = arith.constant 0 : i32
          %dma_wait3A_60 = tpu.memref_slice %arg5[%run_scoped3A_37, %arg1, %scan3A_36, %dma_wait3A, %dma_wait3A_59] : memref<2x16x5x50x80xi32, #tpu.memory_space<hbm>> -> memref<1x1x1x50x80xi32, #tpu.memory_space<hbm>>
          %dma_wait3A_61 = tpu.memref_squeeze %dma_wait3A_60 : memref<1x1x1x50x80xi32, #tpu.memory_space<hbm>> -> memref<50x80xi32, #tpu.memory_space<hbm>>
          %dma_wait3A_62 = arith.constant 0 : i32
          %dma_wait3A_63 = arith.constant 0 : i32
          %dma_wait3A_64 = tpu.memref_slice %arg5[%run_scoped3A_37, %arg1, %scan3A_36, %dma_wait3A_62, %dma_wait3A_63] : memref<2x16x5x50x80xi32, #tpu.memory_space<hbm>> -> memref<1x1x1x50x80xi32, #tpu.memory_space<hbm>>
          %dma_wait3A_65 = tpu.memref_squeeze %dma_wait3A_64 : memref<1x1x1x50x80xi32, #tpu.memory_space<hbm>> -> memref<50x80xi32, #tpu.memory_space<hbm>>
          tpu.wait_dma2 semaphore(%run_scoped3A_50 : memref<!tpu.dma_semaphore, #tpu.memory_space<semaphore_mem>>) src(%dma_wait3A_65 : memref<50x80xi32, #tpu.memory_space<hbm>>) dst(%arg10 : memref<50x80xi32, #tpu.memory_space<vmem>>)
          tpu.yield
        }) : () -> ()
        %dma_start3A = arith.constant 0 : i32
        %dma_start3A_38 = arith.constant 0 : i32
        %dma_start3A_39 = tpu.memref_slice %arg9[%dma_start3A, %dma_start3A_38] : memref<50x80xi32, #tpu.memory_space<vmem>> -> memref<1x80xi32, #tpu.memory_space<vmem>>
        %dma_start3A_40 = tpu.memref_squeeze %dma_start3A_39 : memref<1x80xi32, #tpu.memory_space<vmem>> -> memref<80xi32, #tpu.memory_space<vmem>>
        %dma_start3A_41 = arith.constant 0 : i32
        %dma_start3A_42 = arith.constant 0 : i32
        %dma_start3A_43 = tpu.memref_slice %arg3[%dma_start3A_41, %dma_start3A_42] : memref<10000x128xf32, #tpu.memory_space<hbm>> -> memref<10000x128xf32, #tpu.memory_space<hbm>>
        tpu.enqueue_indirect_dma source(%dma_start3A_43 : memref<10000x128xf32, #tpu.memory_space<hbm>>) target(%arg11 : memref<80x128xf32, #tpu.memory_space<vmem>>) offsets(%dma_start3A_40 : memref<80xi32, #tpu.memory_space<vmem>>) semaphore(%arg14 : memref<!tpu.dma_semaphore, #tpu.memory_space<semaphore_mem>>)
        %scan3A_44 = arith.constant 0 : i32
        %scan3A_45 = arith.constant 0 : i32
        %scan3A_46 = arith.constant 25 : i32
        %scan3A_47 = arith.addi %scan3A_45, %scan3A_46 : i32
        %scan3A_48 = arith.constant 1 : i32
        scf.for %scan3A_50 = %scan3A_45 to %scan3A_47 step %scan3A_48  : i32 {
          %mul3A_51 = arith.constant 2 : i32
          %mul3A_52 = arith.muli %mul3A_51, %scan3A_50 : i32
          %add3A = arith.constant 1 : i32
          %add3A_53 = arith.addi %mul3A_52, %add3A : i32
          %dma_start3A_54 = arith.constant 0 : i32
          %dma_start3A_55 = tpu.memref_slice %arg9[%add3A_53, %dma_start3A_54] : memref<50x80xi32, #tpu.memory_space<vmem>> -> memref<1x80xi32, #tpu.memory_space<vmem>>
          %dma_start3A_56 = tpu.memref_squeeze %dma_start3A_55 : memref<1x80xi32, #tpu.memory_space<vmem>> -> memref<80xi32, #tpu.memory_space<vmem>>
          %dma_start3A_57 = arith.constant 0 : i32
          %dma_start3A_58 = arith.constant 0 : i32
          %dma_start3A_59 = tpu.memref_slice %arg3[%dma_start3A_57, %dma_start3A_58] : memref<10000x128xf32, #tpu.memory_space<hbm>> -> memref<10000x128xf32, #tpu.memory_space<hbm>>
          tpu.enqueue_indirect_dma source(%dma_start3A_59 : memref<10000x128xf32, #tpu.memory_space<hbm>>) target(%arg12 : memref<80x128xf32, #tpu.memory_space<vmem>>) offsets(%dma_start3A_56 : memref<80xi32, #tpu.memory_space<vmem>>) semaphore(%arg15 : memref<!tpu.dma_semaphore, #tpu.memory_space<semaphore_mem>>)
          %dma_wait3A = arith.constant 0 : i32
          %dma_wait3A_60 = tpu.memref_slice %arg9[%mul3A_52, %dma_wait3A] : memref<50x80xi32, #tpu.memory_space<vmem>> -> memref<1x80xi32, #tpu.memory_space<vmem>>
          %dma_wait3A_61 = tpu.memref_squeeze %dma_wait3A_60 : memref<1x80xi32, #tpu.memory_space<vmem>> -> memref<80xi32, #tpu.memory_space<vmem>>
          %dma_wait3A_62 = arith.constant 0 : i32
          %dma_wait3A_63 = arith.constant 0 : i32
          %dma_wait3A_64 = tpu.memref_slice %arg3[%dma_wait3A_62, %dma_wait3A_63] : memref<10000x128xf32, #tpu.memory_space<hbm>> -> memref<10000x128xf32, #tpu.memory_space<hbm>>
          tpu.wait_indirect_dma semaphore(%arg14 : memref<!tpu.dma_semaphore, #tpu.memory_space<semaphore_mem>>) src(%dma_wait3A_64 : memref<10000x128xf32, #tpu.memory_space<hbm>>) dst(%arg11 : memref<80x128xf32, #tpu.memory_space<vmem>>)
          "tpu.region"() ({
            %run_scoped3A_82 = tpu.sem_alloc : memref<!tpu.dma_semaphore, #tpu.memory_space<semaphore_mem>>
            %dma_start3A_83 = arith.constant 0 : i32
            %dma_start3A_84 = tpu.memref_slice %arg10[%mul3A_52, %dma_start3A_83] : memref<50x80xi32, #tpu.memory_space<vmem>> -> memref<1x80xi32, #tpu.memory_space<vmem>>
            %dma_start3A_85 = tpu.memref_squeeze %dma_start3A_84 : memref<1x80xi32, #tpu.memory_space<vmem>> -> memref<80xi32, #tpu.memory_space<vmem>>
            %dma_start3A_86 = arith.constant 0 : i32
            %dma_start3A_87 = arith.constant 0 : i32
            %dma_start3A_88 = tpu.memref_slice %arg13[%dma_start3A_86, %dma_start3A_87] : memref<10000x128xf32, #tpu.memory_space<vmem_shared>> -> memref<10000x128xf32, #tpu.memory_space<vmem_shared>>
            tpu.enqueue_indirect_dma source(%arg11 : memref<80x128xf32, #tpu.memory_space<vmem>>) target(%dma_start3A_88 : memref<10000x128xf32, #tpu.memory_space<vmem_shared>>) offsets(%dma_start3A_85 : memref<80xi32, #tpu.memory_space<vmem>>) semaphore(%run_scoped3A_82 : memref<!tpu.dma_semaphore, #tpu.memory_space<semaphore_mem>>) {add = true}
            %dma_wait3A_89 = arith.constant 0 : i32
            %dma_wait3A_90 = tpu.memref_slice %arg10[%mul3A_52, %dma_wait3A_89] : memref<50x80xi32, #tpu.memory_space<vmem>> -> memref<1x80xi32, #tpu.memory_space<vmem>>
            %dma_wait3A_91 = tpu.memref_squeeze %dma_wait3A_90 : memref<1x80xi32, #tpu.memory_space<vmem>> -> memref<80xi32, #tpu.memory_space<vmem>>
            %dma_wait3A_92 = arith.constant 0 : i32
            %dma_wait3A_93 = arith.constant 0 : i32
            %dma_wait3A_94 = tpu.memref_slice %arg13[%dma_wait3A_92, %dma_wait3A_93] : memref<10000x128xf32, #tpu.memory_space<vmem_shared>> -> memref<10000x128xf32, #tpu.memory_space<vmem_shared>>
            tpu.wait_indirect_dma semaphore(%run_scoped3A_82 : memref<!tpu.dma_semaphore, #tpu.memory_space<semaphore_mem>>) src(%arg11 : memref<80x128xf32, #tpu.memory_space<vmem>>) dst(%dma_wait3A_94 : memref<10000x128xf32, #tpu.memory_space<vmem_shared>>)
            tpu.yield
          }) : () -> ()
          %add3A_65 = arith.constant 1 : i32
          %add3A_66 = arith.addi %scan3A_50, %add3A_65 : i32
          %lt3A_67 = arith.constant 25 : i32
          %lt3A_68 = arith.cmpi slt, %add3A_66, %lt3A_67 : i32
          %convert_element_type3A_69 = arith.extui %lt3A_68 : i1 to i32
          %cond3A_70 = arith.constant 0 : i32
          %cond3A_71 = arith.cmpi ne, %convert_element_type3A_69, %cond3A_70 : i32
          scf.if %cond3A_71 {
            %add3A_82 = arith.constant 2 : i32
            %add3A_83 = arith.addi %mul3A_52, %add3A_82 : i32
            %dma_start3A_84 = arith.constant 0 : i32
            %dma_start3A_85 = tpu.memref_slice %arg9[%add3A_83, %dma_start3A_84] : memref<50x80xi32, #tpu.memory_space<vmem>> -> memref<1x80xi32, #tpu.memory_space<vmem>>
            %dma_start3A_86 = tpu.memref_squeeze %dma_start3A_85 : memref<1x80xi32, #tpu.memory_space<vmem>> -> memref<80xi32, #tpu.memory_space<vmem>>
            %dma_start3A_87 = arith.constant 0 : i32
            %dma_start3A_88 = arith.constant 0 : i32
            %dma_start3A_89 = tpu.memref_slice %arg3[%dma_start3A_87, %dma_start3A_88] : memref<10000x128xf32, #tpu.memory_space<hbm>> -> memref<10000x128xf32, #tpu.memory_space<hbm>>
            tpu.enqueue_indirect_dma source(%dma_start3A_89 : memref<10000x128xf32, #tpu.memory_space<hbm>>) target(%arg11 : memref<80x128xf32, #tpu.memory_space<vmem>>) offsets(%dma_start3A_86 : memref<80xi32, #tpu.memory_space<vmem>>) semaphore(%arg14 : memref<!tpu.dma_semaphore, #tpu.memory_space<semaphore_mem>>)
          } else {
          }
          %add3A_72 = arith.constant 1 : i32
          %add3A_73 = arith.addi %mul3A_52, %add3A_72 : i32
          %dma_wait3A_74 = arith.constant 0 : i32
          %dma_wait3A_75 = tpu.memref_slice %arg9[%add3A_73, %dma_wait3A_74] : memref<50x80xi32, #tpu.memory_space<vmem>> -> memref<1x80xi32, #tpu.memory_space<vmem>>
          %dma_wait3A_76 = tpu.memref_squeeze %dma_wait3A_75 : memref<1x80xi32, #tpu.memory_space<vmem>> -> memref<80xi32, #tpu.memory_space<vmem>>
          %dma_wait3A_77 = arith.constant 0 : i32
          %dma_wait3A_78 = arith.constant 0 : i32
          %dma_wait3A_79 = tpu.memref_slice %arg3[%dma_wait3A_77, %dma_wait3A_78] : memref<10000x128xf32, #tpu.memory_space<hbm>> -> memref<10000x128xf32, #tpu.memory_space<hbm>>
          tpu.wait_indirect_dma semaphore(%arg15 : memref<!tpu.dma_semaphore, #tpu.memory_space<semaphore_mem>>) src(%dma_wait3A_79 : memref<10000x128xf32, #tpu.memory_space<hbm>>) dst(%arg12 : memref<80x128xf32, #tpu.memory_space<vmem>>)
          %add3A_80 = arith.constant 1 : i32
          %add3A_81 = arith.addi %mul3A_52, %add3A_80 : i32
          "tpu.region"() ({
            %run_scoped3A_82 = tpu.sem_alloc : memref<!tpu.dma_semaphore, #tpu.memory_space<semaphore_mem>>
            %dma_start3A_83 = arith.constant 0 : i32
            %dma_start3A_84 = tpu.memref_slice %arg10[%add3A_81, %dma_start3A_83] : memref<50x80xi32, #tpu.memory_space<vmem>> -> memref<1x80xi32, #tpu.memory_space<vmem>>
            %dma_start3A_85 = tpu.memref_squeeze %dma_start3A_84 : memref<1x80xi32, #tpu.memory_space<vmem>> -> memref<80xi32, #tpu.memory_space<vmem>>
            %dma_start3A_86 = arith.constant 0 : i32
            %dma_start3A_87 = arith.constant 0 : i32
            %dma_start3A_88 = tpu.memref_slice %arg13[%dma_start3A_86, %dma_start3A_87] : memref<10000x128xf32, #tpu.memory_space<vmem_shared>> -> memref<10000x128xf32, #tpu.memory_space<vmem_shared>>
            tpu.enqueue_indirect_dma source(%arg12 : memref<80x128xf32, #tpu.memory_space<vmem>>) target(%dma_start3A_88 : memref<10000x128xf32, #tpu.memory_space<vmem_shared>>) offsets(%dma_start3A_85 : memref<80xi32, #tpu.memory_space<vmem>>) semaphore(%run_scoped3A_82 : memref<!tpu.dma_semaphore, #tpu.memory_space<semaphore_mem>>) {add = true}
            %dma_wait3A_89 = arith.constant 0 : i32
            %dma_wait3A_90 = tpu.memref_slice %arg10[%add3A_81, %dma_wait3A_89] : memref<50x80xi32, #tpu.memory_space<vmem>> -> memref<1x80xi32, #tpu.memory_space<vmem>>
            %dma_wait3A_91 = tpu.memref_squeeze %dma_wait3A_90 : memref<1x80xi32, #tpu.memory_space<vmem>> -> memref<80xi32, #tpu.memory_space<vmem>>
            %dma_wait3A_92 = arith.constant 0 : i32
            %dma_wait3A_93 = arith.constant 0 : i32
            %dma_wait3A_94 = tpu.memref_slice %arg13[%dma_wait3A_92, %dma_wait3A_93] : memref<10000x128xf32, #tpu.memory_space<vmem_shared>> -> memref<10000x128xf32, #tpu.memory_space<vmem_shared>>
            tpu.wait_indirect_dma semaphore(%run_scoped3A_82 : memref<!tpu.dma_semaphore, #tpu.memory_space<semaphore_mem>>) src(%arg12 : memref<80x128xf32, #tpu.memory_space<vmem>>) dst(%dma_wait3A_94 : memref<10000x128xf32, #tpu.memory_space<vmem_shared>>)
            tpu.yield
          }) : () -> ()
        }
        %scan3A_49 = arith.constant 25 : i32
      }
      %scan3A_21 = arith.constant 5 : i32
      %barrier3A_22 = arith.constant 0 : index
      tpu.barrier barrier_id(%barrier3A_22)
      %mul3A_23 = arith.constant 632 : i32
      %mul3A_24 = arith.muli %arg1, %mul3A_23 : i32
      %multiple_of3A_25 = tpu.assume_multiple %mul3A_24, 8 : i32
      %lt3A_26 = arith.constant 15 : i32
      %lt3A_27 = arith.cmpi slt, %arg1, %lt3A_26 : i32
      %convert_element_type3A_28 = arith.extui %lt3A_27 : i1 to i32
      %cond3A_29 = arith.constant 0 : i32
      %cond3A_30 = arith.cmpi ne, %convert_element_type3A_28, %cond3A_29 : i32
      scf.if %cond3A_30 {
        "tpu.region"() ({
          %run_scoped3A = tpu.sem_alloc : memref<!tpu.dma_semaphore, #tpu.memory_space<semaphore_mem>>
          %dma_start3A = arith.constant 0 : i32
          %dma_start3A_36 = tpu.memref_slice %arg8[%multiple_of3A_25, %dma_start3A] : memref<10000x128xf32, #tpu.memory_space<hbm>> -> memref<632x128xf32, #tpu.memory_space<hbm>>
          %dma_start3A_37 = arith.constant 0 : i32
          %dma_start3A_38 = tpu.memref_slice %arg13[%multiple_of3A_25, %dma_start3A_37] : memref<10000x128xf32, #tpu.memory_space<vmem_shared>> -> memref<632x128xf32, #tpu.memory_space<vmem_shared>>
          tpu.enqueue_dma source(%dma_start3A_38 : memref<632x128xf32, #tpu.memory_space<vmem_shared>>) target(%dma_start3A_36 : memref<632x128xf32, #tpu.memory_space<hbm>>) target_semaphore(%run_scoped3A : memref<!tpu.dma_semaphore, #tpu.memory_space<semaphore_mem>>)
          %dma_wait3A = arith.constant 0 : i32
          %dma_wait3A_39 = tpu.memref_slice %arg8[%multiple_of3A_25, %dma_wait3A] : memref<10000x128xf32, #tpu.memory_space<hbm>> -> memref<632x128xf32, #tpu.memory_space<hbm>>
          %dma_wait3A_40 = arith.constant 0 : i32
          %dma_wait3A_41 = tpu.memref_slice %arg13[%multiple_of3A_25, %dma_wait3A_40] : memref<10000x128xf32, #tpu.memory_space<vmem_shared>> -> memref<632x128xf32, #tpu.memory_space<vmem_shared>>
          tpu.wait_dma2 semaphore(%run_scoped3A : memref<!tpu.dma_semaphore, #tpu.memory_space<semaphore_mem>>) src(%dma_wait3A_41 : memref<632x128xf32, #tpu.memory_space<vmem_shared>>) dst(%dma_wait3A_39 : memref<632x128xf32, #tpu.memory_space<hbm>>)
          tpu.yield
        }) : () -> ()
      } else {
      }
      %eq3A_31 = arith.constant 15 : i32
      %eq3A_32 = arith.cmpi eq, %arg1, %eq3A_31 : i32
      %convert_element_type3A_33 = arith.extui %eq3A_32 : i1 to i32
      %cond3A_34 = arith.constant 0 : i32
      %cond3A_35 = arith.cmpi ne, %convert_element_type3A_33, %cond3A_34 : i32
      scf.if %cond3A_35 {
        "tpu.region"() ({
          %run_scoped3A = tpu.sem_alloc : memref<!tpu.dma_semaphore, #tpu.memory_space<semaphore_mem>>
          %dma_start3A = arith.constant 9480 : i32
          %dma_start3A_36 = arith.constant 0 : i32
          %dma_start3A_37 = tpu.memref_slice %arg8[%dma_start3A, %dma_start3A_36] : memref<10000x128xf32, #tpu.memory_space<hbm>> -> memref<520x128xf32, #tpu.memory_space<hbm>>
          %dma_start3A_38 = arith.constant 9480 : i32
          %dma_start3A_39 = arith.constant 0 : i32
          %dma_start3A_40 = tpu.memref_slice %arg13[%dma_start3A_38, %dma_start3A_39] : memref<10000x128xf32, #tpu.memory_space<vmem_shared>> -> memref<520x128xf32, #tpu.memory_space<vmem_shared>>
          tpu.enqueue_dma source(%dma_start3A_40 : memref<520x128xf32, #tpu.memory_space<vmem_shared>>) target(%dma_start3A_37 : memref<520x128xf32, #tpu.memory_space<hbm>>) target_semaphore(%run_scoped3A : memref<!tpu.dma_semaphore, #tpu.memory_space<semaphore_mem>>)
          %dma_wait3A = arith.constant 9480 : i32
          %dma_wait3A_41 = arith.constant 0 : i32
          %dma_wait3A_42 = tpu.memref_slice %arg8[%dma_wait3A, %dma_wait3A_41] : memref<10000x128xf32, #tpu.memory_space<hbm>> -> memref<520x128xf32, #tpu.memory_space<hbm>>
          %dma_wait3A_43 = arith.constant 9480 : i32
          %dma_wait3A_44 = arith.constant 0 : i32
          %dma_wait3A_45 = tpu.memref_slice %arg13[%dma_wait3A_43, %dma_wait3A_44] : memref<10000x128xf32, #tpu.memory_space<vmem_shared>> -> memref<520x128xf32, #tpu.memory_space<vmem_shared>>
          tpu.wait_dma2 semaphore(%run_scoped3A : memref<!tpu.dma_semaphore, #tpu.memory_space<semaphore_mem>>) src(%dma_wait3A_45 : memref<520x128xf32, #tpu.memory_space<vmem_shared>>) dst(%dma_wait3A_42 : memref<520x128xf32, #tpu.memory_space<hbm>>)
          tpu.yield
        }) : () -> ()
      } else {
      }
    } else {
    }
    return
  }
}

module attributes {stable_mosaic.version = 14 : i64} {
  func.func @_feat_body(%arg0: i32, %arg1: memref<2000x128xf32, #tpu.memory_space<vmem>>, %arg2: memref<128x128xf32, #tpu.memory_space<vmem>>, %arg3: memref<1x128xf32, #tpu.memory_space<vmem>>, %arg4: memref<128x128xf32, #tpu.memory_space<vmem>>, %arg5: memref<1x128xf32, #tpu.memory_space<vmem>>, %arg6: memref<2000x128xf32, #tpu.memory_space<vmem>>, %arg7: memref<2000x128xf32, #tpu.memory_space<vmem>>) attributes {dimension_semantics = [#tpu.dimension_semantics<arbitrary>], iteration_bounds = array<i64: 5>, scalar_prefetch = 0 : i64, scratch_operands = 0 : i64, tpu.core_type = #tpu.core_type<tc>, window_params = [{transform_indices = @transform_0, window_bounds = array<i64: 2000, 128>}, {pipeline_mode = #tpu.pipeline_mode<synchronous>, transform_indices = @transform_1, window_bounds = array<i64: 128, 128>}, {pipeline_mode = #tpu.pipeline_mode<synchronous>, transform_indices = @transform_2, window_bounds = array<i64: 1, 128>}, {pipeline_mode = #tpu.pipeline_mode<synchronous>, transform_indices = @transform_3, window_bounds = array<i64: 128, 128>}, {pipeline_mode = #tpu.pipeline_mode<synchronous>, transform_indices = @transform_4, window_bounds = array<i64: 1, 128>}, {transform_indices = @transform_5, window_bounds = array<i64: 2000, 128>}, {transform_indices = @transform_6, window_bounds = array<i64: 2000, 128>}]} {
    %get3A = arith.constant 0 : index
    %get3A_0 = arith.constant 0 : index
    %get3A_1 = vector.load %arg1[%get3A, %get3A_0] : memref<2000x128xf32, #tpu.memory_space<vmem>>, vector<2000x128xf32>
    %get3A_2 = arith.constant 0 : index
    %get3A_3 = arith.constant 0 : index
    %get3A_4 = vector.load %arg2[%get3A_2, %get3A_3] : memref<128x128xf32, #tpu.memory_space<vmem>>, vector<128x128xf32>
    %dot_general3A = arith.constant dense<0.000000e+00> : vector<2000x128xf32>
    %dot_general3A_5 = tpu.matmul %get3A_1, %get3A_4, %dot_general3A {dimension_numbers = #tpu.dot_dimension_numbers<[1], [0], [0], [1], [0, 0, 1, 1], [], []>, transpose_lhs_hint = false} : vector<2000x128xf32>, vector<128x128xf32>, vector<2000x128xf32> -> vector<2000x128xf32>
    %get3A_6 = arith.constant 0 : index
    %get3A_7 = arith.constant 0 : index
    %get3A_8 = vector.load %arg3[%get3A_6, %get3A_7] : memref<1x128xf32, #tpu.memory_space<vmem>>, vector<1x128xf32>
    %add3A = vector.broadcast %get3A_8 : vector<1x128xf32> to vector<2000x128xf32>
    %add3A_9 = arith.addf %dot_general3A_5, %add3A : vector<2000x128xf32>
    %swap3A = arith.constant 0 : index
    %swap3A_10 = arith.constant 0 : index
    %swap3A_11 = vector.load %arg6[%swap3A, %swap3A_10] : memref<2000x128xf32, #tpu.memory_space<vmem>>, vector<2000x128xf32>
    tpu.vector_store %arg6[%swap3A, %swap3A_10], %add3A_9 {strides = array<i32>} : memref<2000x128xf32, #tpu.memory_space<vmem>>, vector<2000x128xf32>,
    %get3A_12 = arith.constant 0 : index
    %get3A_13 = arith.constant 0 : index
    %get3A_14 = vector.load %arg4[%get3A_12, %get3A_13] : memref<128x128xf32, #tpu.memory_space<vmem>>, vector<128x128xf32>
    %dot_general3A_15 = arith.constant dense<0.000000e+00> : vector<2000x128xf32>
    %dot_general3A_16 = tpu.matmul %get3A_1, %get3A_14, %dot_general3A_15 {dimension_numbers = #tpu.dot_dimension_numbers<[1], [0], [0], [1], [0, 0, 1, 1], [], []>, transpose_lhs_hint = false} : vector<2000x128xf32>, vector<128x128xf32>, vector<2000x128xf32> -> vector<2000x128xf32>
    %get3A_17 = arith.constant 0 : index
    %get3A_18 = arith.constant 0 : index
    %get3A_19 = vector.load %arg5[%get3A_17, %get3A_18] : memref<1x128xf32, #tpu.memory_space<vmem>>, vector<1x128xf32>
    %add3A_20 = vector.broadcast %get3A_19 : vector<1x128xf32> to vector<2000x128xf32>
    %add3A_21 = arith.addf %dot_general3A_16, %add3A_20 : vector<2000x128xf32>
    %swap3A_22 = arith.constant 0 : index
    %swap3A_23 = arith.constant 0 : index
    %swap3A_24 = vector.load %arg7[%swap3A_22, %swap3A_23] : memref<2000x128xf32, #tpu.memory_space<vmem>>, vector<2000x128xf32>
    tpu.vector_store %arg7[%swap3A_22, %swap3A_23], %add3A_21 {strides = array<i32>} : memref<2000x128xf32, #tpu.memory_space<vmem>>, vector<2000x128xf32>,
    return
  }
  func.func @transform_0(%arg0: i32) -> (i32, i32) {
    %c0_i32 = arith.constant 0 : i32
    %c0_i32_0 = arith.constant 0 : i32
    return %arg0, %c0_i32 : i32, i32
  }
  func.func @transform_1(%arg0: i32) -> (i32, i32) {
    %c0_i32 = arith.constant 0 : i32
    %c0_i32_0 = arith.constant 0 : i32
    %c0_i32_1 = arith.constant 0 : i32
    return %c0_i32, %c0_i32_0 : i32, i32
  }
  func.func @transform_2(%arg0: i32) -> (i32, i32) {
    %c0_i32 = arith.constant 0 : i32
    %c0_i32_0 = arith.constant 0 : i32
    %c0_i32_1 = arith.constant 0 : i32
    return %c0_i32, %c0_i32_0 : i32, i32
  }
  func.func @transform_3(%arg0: i32) -> (i32, i32) {
    %c0_i32 = arith.constant 0 : i32
    %c0_i32_0 = arith.constant 0 : i32
    %c0_i32_1 = arith.constant 0 : i32
    return %c0_i32, %c0_i32_0 : i32, i32
  }
  func.func @transform_4(%arg0: i32) -> (i32, i32) {
    %c0_i32 = arith.constant 0 : i32
    %c0_i32_0 = arith.constant 0 : i32
    %c0_i32_1 = arith.constant 0 : i32
    return %c0_i32, %c0_i32_0 : i32, i32
  }
  func.func @transform_5(%arg0: i32) -> (i32, i32) {
    %c0_i32 = arith.constant 0 : i32
    %c0_i32_0 = arith.constant 0 : i32
    return %arg0, %c0_i32 : i32, i32
  }
  func.func @transform_6(%arg0: i32) -> (i32, i32) {
    %c0_i32 = arith.constant 0 : i32
    %c0_i32_0 = arith.constant 0 : i32
    return %arg0, %c0_i32 : i32, i32
  }
}

module attributes {stable_mosaic.version = 14 : i64} {
  func.func @_grufeat_body(%arg0: i32, %arg1: memref<2000x128xf32, #tpu.memory_space<vmem>>, %arg2: memref<2000x128xf32, #tpu.memory_space<vmem>>, %arg3: memref<2000x16xf32, #tpu.memory_space<vmem>>, %arg4: memref<2000x16xf32, #tpu.memory_space<vmem>>, %arg5: memref<2000x128xf32, #tpu.memory_space<vmem>>, %arg6: memref<128x384xf32, #tpu.memory_space<vmem>>, %arg7: memref<128x384xf32, #tpu.memory_space<vmem>>, %arg8: memref<1x384xf32, #tpu.memory_space<vmem>>, %arg9: memref<1x384xf32, #tpu.memory_space<vmem>>, %arg10: memref<128x128xf32, #tpu.memory_space<vmem>>, %arg11: memref<1x128xf32, #tpu.memory_space<vmem>>, %arg12: memref<128x128xf32, #tpu.memory_space<vmem>>, %arg13: memref<1x128xf32, #tpu.memory_space<vmem>>, %arg14: memref<2000x128xf32, #tpu.memory_space<vmem>>, %arg15: memref<2000x128xf32, #tpu.memory_space<vmem>>, %arg16: memref<2000x128xf32, #tpu.memory_space<vmem>>) attributes {dimension_semantics = [#tpu.dimension_semantics<arbitrary>], iteration_bounds = array<i64: 5>, scalar_prefetch = 0 : i64, scratch_operands = 0 : i64, tpu.core_type = #tpu.core_type<tc>, window_params = [{transform_indices = @transform_0, window_bounds = array<i64: 2000, 128>}, {transform_indices = @transform_1, window_bounds = array<i64: 2000, 128>}, {transform_indices = @transform_2, window_bounds = array<i64: 2000, 16>}, {transform_indices = @transform_3, window_bounds = array<i64: 2000, 16>}, {transform_indices = @transform_4, window_bounds = array<i64: 2000, 128>}, {pipeline_mode = #tpu.pipeline_mode<synchronous>, transform_indices = @transform_5, window_bounds = array<i64: 128, 384>}, {pipeline_mode = #tpu.pipeline_mode<synchronous>, transform_indices = @transform_6, window_bounds = array<i64: 128, 384>}, {pipeline_mode = #tpu.pipeline_mode<synchronous>, transform_indices = @transform_7, window_bounds = array<i64: 1, 384>}, {pipeline_mode = #tpu.pipeline_mode<synchronous>, transform_indices = @transform_8, window_bounds = array<i64: 1, 384>}, {pipeline_mode = #tpu.pipeline_mode<synchronous>, transform_indices = @transform_9, window_bounds = array<i64: 128, 128>}, {pipeline_mode = #tpu.pipeline_mode<synchronous>, transform_indices = @transform_10, window_bounds = array<i64: 1, 128>}, {pipeline_mode = #tpu.pipeline_mode<synchronous>, transform_indices = @transform_11, window_bounds = array<i64: 128, 128>}, {pipeline_mode = #tpu.pipeline_mode<synchronous>, transform_indices = @transform_12, window_bounds = array<i64: 1, 128>}, {transform_indices = @transform_13, window_bounds = array<i64: 2000, 128>}, {transform_indices = @transform_14, window_bounds = array<i64: 2000, 128>}, {transform_indices = @transform_15, window_bounds = array<i64: 2000, 128>}]} {
    %get3A = arith.constant 0 : index
    %get3A_0 = arith.constant 0 : index
    %get3A_1 = vector.load %arg3[%get3A, %get3A_0] : memref<2000x16xf32, #tpu.memory_space<vmem>>, vector<2000x16xf32>
    %reduce_max3A = arith.constant dense<0xFF800000> : vector<2000xf32>
    %reduce_max3A_2 = vector.multi_reduction <maximumf>, %get3A_1, %reduce_max3A [1] : vector<2000x16xf32> to vector<2000xf32>
    %broadcast_in_dim3A = vector.shape_cast %reduce_max3A_2 : vector<2000xf32> to vector<2000x1xf32>
    %get3A_3 = arith.constant 0 : index
    %get3A_4 = arith.constant 0 : index
    %get3A_5 = vector.load %arg4[%get3A_3, %get3A_4] : memref<2000x16xf32, #tpu.memory_space<vmem>>, vector<2000x16xf32>
    %reduce_max3A_6 = arith.constant dense<0xFF800000> : vector<2000xf32>
    %reduce_max3A_7 = vector.multi_reduction <maximumf>, %get3A_5, %reduce_max3A_6 [1] : vector<2000x16xf32> to vector<2000xf32>
    %broadcast_in_dim3A_8 = vector.shape_cast %reduce_max3A_7 : vector<2000xf32> to vector<2000x1xf32>
    %get3A_9 = arith.constant 0 : index
    %get3A_10 = arith.constant 0 : index
    %get3A_11 = vector.load %arg1[%get3A_9, %get3A_10] : memref<2000x128xf32, #tpu.memory_space<vmem>>, vector<2000x128xf32>
    %max3A = arith.constant 1.000000e+00 : f32
    %max3A_12 = vector.broadcast %max3A : f32 to vector<2000x1xf32>
    %max3A_13 = arith.maximumf %broadcast_in_dim3A, %max3A_12 : vector<2000x1xf32>
    %div3A = vector.broadcast %max3A_13 : vector<2000x1xf32> to vector<2000x128xf32>
    %div3A_14 = arith.divf %get3A_11, %div3A : vector<2000x128xf32>
    %get3A_15 = arith.constant 0 : index
    %get3A_16 = arith.constant 0 : index
    %get3A_17 = vector.load %arg2[%get3A_15, %get3A_16] : memref<2000x128xf32, #tpu.memory_space<vmem>>, vector<2000x128xf32>
    %max3A_18 = arith.constant 1.000000e+00 : f32
    %max3A_19 = vector.broadcast %max3A_18 : f32 to vector<2000x1xf32>
    %max3A_20 = arith.maximumf %broadcast_in_dim3A_8, %max3A_19 : vector<2000x1xf32>
    %div3A_21 = vector.broadcast %max3A_20 : vector<2000x1xf32> to vector<2000x128xf32>
    %div3A_22 = arith.divf %get3A_17, %div3A_21 : vector<2000x128xf32>
    %add3A = arith.addf %div3A_14, %div3A_22 : vector<2000x128xf32>
    %get3A_23 = arith.constant 0 : index
    %get3A_24 = arith.constant 0 : index
    %get3A_25 = vector.load %arg5[%get3A_23, %get3A_24] : memref<2000x128xf32, #tpu.memory_space<vmem>>, vector<2000x128xf32>
    %get3A_26 = arith.constant 0 : index
    %get3A_27 = arith.constant 0 : index
    %get3A_28 = vector.load %arg6[%get3A_26, %get3A_27] : memref<128x384xf32, #tpu.memory_space<vmem>>, vector<128x384xf32>
    %dot_general3A = arith.constant dense<0.000000e+00> : vector<2000x384xf32>
    %dot_general3A_29 = tpu.matmul %add3A, %get3A_28, %dot_general3A {dimension_numbers = #tpu.dot_dimension_numbers<[1], [0], [0], [1], [0, 0, 1, 1], [], []>, transpose_lhs_hint = false} : vector<2000x128xf32>, vector<128x384xf32>, vector<2000x384xf32> -> vector<2000x384xf32>
    %get3A_30 = arith.constant 0 : index
    %get3A_31 = arith.constant 0 : index
    %get3A_32 = vector.load %arg8[%get3A_30, %get3A_31] : memref<1x384xf32, #tpu.memory_space<vmem>>, vector<1x384xf32>
    %add3A_33 = vector.broadcast %get3A_32 : vector<1x384xf32> to vector<2000x384xf32>
    %add3A_34 = arith.addf %dot_general3A_29, %add3A_33 : vector<2000x384xf32>
    %get3A_35 = arith.constant 0 : index
    %get3A_36 = arith.constant 0 : index
    %get3A_37 = vector.load %arg7[%get3A_35, %get3A_36] : memref<128x384xf32, #tpu.memory_space<vmem>>, vector<128x384xf32>
    %dot_general3A_38 = arith.constant dense<0.000000e+00> : vector<2000x384xf32>
    %dot_general3A_39 = tpu.matmul %get3A_25, %get3A_37, %dot_general3A_38 {dimension_numbers = #tpu.dot_dimension_numbers<[1], [0], [0], [1], [0, 0, 1, 1], [], []>, transpose_lhs_hint = false} : vector<2000x128xf32>, vector<128x384xf32>, vector<2000x384xf32> -> vector<2000x384xf32>
    %get3A_40 = arith.constant 0 : index
    %get3A_41 = arith.constant 0 : index
    %get3A_42 = vector.load %arg9[%get3A_40, %get3A_41] : memref<1x384xf32, #tpu.memory_space<vmem>>, vector<1x384xf32>
    %add3A_43 = vector.broadcast %get3A_42 : vector<1x384xf32> to vector<2000x384xf32>
    %add3A_44 = arith.addf %dot_general3A_39, %add3A_43 : vector<2000x384xf32>
    %slice3A = vector.extract_strided_slice %add3A_34 {offsets = [0, 0], sizes = [2000, 128], strides = [1, 1]} : vector<2000x384xf32> to vector<2000x128xf32>
    %slice3A_45 = vector.extract_strided_slice %add3A_44 {offsets = [0, 0], sizes = [2000, 128], strides = [1, 1]} : vector<2000x384xf32> to vector<2000x128xf32>
    %add3A_46 = arith.addf %slice3A, %slice3A_45 : vector<2000x128xf32>
    %logistic3A = arith.negf %add3A_46 : vector<2000x128xf32>
    %logistic3A_47 = math.exp %logistic3A : vector<2000x128xf32>
    %logistic3A_48 = arith.constant 1.000000e+00 : f32
    %logistic3A_49 = vector.broadcast %logistic3A_48 : f32 to vector<2000x128xf32>
    %logistic3A_50 = arith.addf %logistic3A_49, %logistic3A_47 : vector<2000x128xf32>
    %logistic3A_51 = arith.divf %logistic3A_49, %logistic3A_50 : vector<2000x128xf32>
    %slice3A_52 = vector.extract_strided_slice %add3A_34 {offsets = [0, 128], sizes = [2000, 128], strides = [1, 1]} : vector<2000x384xf32> to vector<2000x128xf32>
    %slice3A_53 = vector.extract_strided_slice %add3A_44 {offsets = [0, 128], sizes = [2000, 128], strides = [1, 1]} : vector<2000x384xf32> to vector<2000x128xf32>
    %add3A_54 = arith.addf %slice3A_52, %slice3A_53 : vector<2000x128xf32>
    %logistic3A_55 = arith.negf %add3A_54 : vector<2000x128xf32>
    %logistic3A_56 = math.exp %logistic3A_55 : vector<2000x128xf32>
    %logistic3A_57 = arith.constant 1.000000e+00 : f32
    %logistic3A_58 = vector.broadcast %logistic3A_57 : f32 to vector<2000x128xf32>
    %logistic3A_59 = arith.addf %logistic3A_58, %logistic3A_56 : vector<2000x128xf32>
    %logistic3A_60 = arith.divf %logistic3A_58, %logistic3A_59 : vector<2000x128xf32>
    %slice3A_61 = vector.extract_strided_slice %add3A_34 {offsets = [0, 256], sizes = [2000, 128], strides = [1, 1]} : vector<2000x384xf32> to vector<2000x128xf32>
    %slice3A_62 = vector.extract_strided_slice %add3A_44 {offsets = [0, 256], sizes = [2000, 128], strides = [1, 1]} : vector<2000x384xf32> to vector<2000x128xf32>
    %mul3A = arith.mulf %logistic3A_51, %slice3A_62 : vector<2000x128xf32>
    %add3A_63 = arith.addf %slice3A_61, %mul3A : vector<2000x128xf32>
    %tanh3A = math.tanh %add3A_63 : vector<2000x128xf32>
    %sub3A = arith.constant 1.000000e+00 : f32
    %sub3A_64 = vector.broadcast %sub3A : f32 to vector<2000x128xf32>
    %sub3A_65 = arith.subf %sub3A_64, %logistic3A_60 : vector<2000x128xf32>
    %mul3A_66 = arith.mulf %sub3A_65, %tanh3A : vector<2000x128xf32>
    %mul3A_67 = arith.mulf %logistic3A_60, %get3A_25 : vector<2000x128xf32>
    %add3A_68 = arith.addf %mul3A_66, %mul3A_67 : vector<2000x128xf32>
    %swap3A = arith.constant 0 : index
    %swap3A_69 = arith.constant 0 : index
    %swap3A_70 = vector.load %arg14[%swap3A, %swap3A_69] : memref<2000x128xf32, #tpu.memory_space<vmem>>, vector<2000x128xf32>
    tpu.vector_store %arg14[%swap3A, %swap3A_69], %add3A_68 {strides = array<i32>} : memref<2000x128xf32, #tpu.memory_space<vmem>>, vector<2000x128xf32>,
    %get3A_71 = arith.constant 0 : index
    %get3A_72 = arith.constant 0 : index
    %get3A_73 = vector.load %arg10[%get3A_71, %get3A_72] : memref<128x128xf32, #tpu.memory_space<vmem>>, vector<128x128xf32>
    %dot_general3A_74 = arith.constant dense<0.000000e+00> : vector<2000x128xf32>
    %dot_general3A_75 = tpu.matmul %add3A_68, %get3A_73, %dot_general3A_74 {dimension_numbers = #tpu.dot_dimension_numbers<[1], [0], [0], [1], [0, 0, 1, 1], [], []>, transpose_lhs_hint = false} : vector<2000x128xf32>, vector<128x128xf32>, vector<2000x128xf32> -> vector<2000x128xf32>
    %get3A_76 = arith.constant 0 : index
    %get3A_77 = arith.constant 0 : index
    %get3A_78 = vector.load %arg11[%get3A_76, %get3A_77] : memref<1x128xf32, #tpu.memory_space<vmem>>, vector<1x128xf32>
    %add3A_79 = vector.broadcast %get3A_78 : vector<1x128xf32> to vector<2000x128xf32>
    %add3A_80 = arith.addf %dot_general3A_75, %add3A_79 : vector<2000x128xf32>
    %swap3A_81 = arith.constant 0 : index
    %swap3A_82 = arith.constant 0 : index
    %swap3A_83 = vector.load %arg15[%swap3A_81, %swap3A_82] : memref<2000x128xf32, #tpu.memory_space<vmem>>, vector<2000x128xf32>
    tpu.vector_store %arg15[%swap3A_81, %swap3A_82], %add3A_80 {strides = array<i32>} : memref<2000x128xf32, #tpu.memory_space<vmem>>, vector<2000x128xf32>,
    %get3A_84 = arith.constant 0 : index
    %get3A_85 = arith.constant 0 : index
    %get3A_86 = vector.load %arg12[%get3A_84, %get3A_85] : memref<128x128xf32, #tpu.memory_space<vmem>>, vector<128x128xf32>
    %dot_general3A_87 = arith.constant dense<0.000000e+00> : vector<2000x128xf32>
    %dot_general3A_88 = tpu.matmul %add3A_68, %get3A_86, %dot_general3A_87 {dimension_numbers = #tpu.dot_dimension_numbers<[1], [0], [0], [1], [0, 0, 1, 1], [], []>, transpose_lhs_hint = false} : vector<2000x128xf32>, vector<128x128xf32>, vector<2000x128xf32> -> vector<2000x128xf32>
    %get3A_89 = arith.constant 0 : index
    %get3A_90 = arith.constant 0 : index
    %get3A_91 = vector.load %arg13[%get3A_89, %get3A_90] : memref<1x128xf32, #tpu.memory_space<vmem>>, vector<1x128xf32>
    %add3A_92 = vector.broadcast %get3A_91 : vector<1x128xf32> to vector<2000x128xf32>
    %add3A_93 = arith.addf %dot_general3A_88, %add3A_92 : vector<2000x128xf32>
    %swap3A_94 = arith.constant 0 : index
    %swap3A_95 = arith.constant 0 : index
    %swap3A_96 = vector.load %arg16[%swap3A_94, %swap3A_95] : memref<2000x128xf32, #tpu.memory_space<vmem>>, vector<2000x128xf32>
    tpu.vector_store %arg16[%swap3A_94, %swap3A_95], %add3A_93 {strides = array<i32>} : memref<2000x128xf32, #tpu.memory_space<vmem>>, vector<2000x128xf32>,
    return
  }
  func.func @transform_0(%arg0: i32) -> (i32, i32) {
    %c0_i32 = arith.constant 0 : i32
    %c0_i32_0 = arith.constant 0 : i32
    return %arg0, %c0_i32 : i32, i32
  }
  func.func @transform_1(%arg0: i32) -> (i32, i32) {
    %c0_i32 = arith.constant 0 : i32
    %c0_i32_0 = arith.constant 0 : i32
    return %arg0, %c0_i32 : i32, i32
  }
  func.func @transform_2(%arg0: i32) -> (i32, i32) {
    %c0_i32 = arith.constant 0 : i32
    %c0_i32_0 = arith.constant 0 : i32
    return %arg0, %c0_i32 : i32, i32
  }
  func.func @transform_3(%arg0: i32) -> (i32, i32) {
    %c0_i32 = arith.constant 0 : i32
    %c0_i32_0 = arith.constant 0 : i32
    return %arg0, %c0_i32 : i32, i32
  }
  func.func @transform_4(%arg0: i32) -> (i32, i32) {
    %c0_i32 = arith.constant 0 : i32
    %c0_i32_0 = arith.constant 0 : i32
    return %arg0, %c0_i32 : i32, i32
  }
  func.func @transform_5(%arg0: i32) -> (i32, i32) {
    %c0_i32 = arith.constant 0 : i32
    %c0_i32_0 = arith.constant 0 : i32
    %c0_i32_1 = arith.constant 0 : i32
    return %c0_i32, %c0_i32_0 : i32, i32
  }
  func.func @transform_6(%arg0: i32) -> (i32, i32) {
    %c0_i32 = arith.constant 0 : i32
    %c0_i32_0 = arith.constant 0 : i32
    %c0_i32_1 = arith.constant 0 : i32
    return %c0_i32, %c0_i32_0 : i32, i32
  }
  func.func @transform_7(%arg0: i32) -> (i32, i32) {
    %c0_i32 = arith.constant 0 : i32
    %c0_i32_0 = arith.constant 0 : i32
    %c0_i32_1 = arith.constant 0 : i32
    return %c0_i32, %c0_i32_0 : i32, i32
  }
  func.func @transform_8(%arg0: i32) -> (i32, i32) {
    %c0_i32 = arith.constant 0 : i32
    %c0_i32_0 = arith.constant 0 : i32
    %c0_i32_1 = arith.constant 0 : i32
    return %c0_i32, %c0_i32_0 : i32, i32
  }
  func.func @transform_9(%arg0: i32) -> (i32, i32) {
    %c0_i32 = arith.constant 0 : i32
    %c0_i32_0 = arith.constant 0 : i32
    %c0_i32_1 = arith.constant 0 : i32
    return %c0_i32, %c0_i32_0 : i32, i32
  }
  func.func @transform_10(%arg0: i32) -> (i32, i32) {
    %c0_i32 = arith.constant 0 : i32
    %c0_i32_0 = arith.constant 0 : i32
    %c0_i32_1 = arith.constant 0 : i32
    return %c0_i32, %c0_i32_0 : i32, i32
  }
  func.func @transform_11(%arg0: i32) -> (i32, i32) {
    %c0_i32 = arith.constant 0 : i32
    %c0_i32_0 = arith.constant 0 : i32
    %c0_i32_1 = arith.constant 0 : i32
    return %c0_i32, %c0_i32_0 : i32, i32
  }
  func.func @transform_12(%arg0: i32) -> (i32, i32) {
    %c0_i32 = arith.constant 0 : i32
    %c0_i32_0 = arith.constant 0 : i32
    %c0_i32_1 = arith.constant 0 : i32
    return %c0_i32, %c0_i32_0 : i32, i32
  }
  func.func @transform_13(%arg0: i32) -> (i32, i32) {
    %c0_i32 = arith.constant 0 : i32
    %c0_i32_0 = arith.constant 0 : i32
    return %arg0, %c0_i32 : i32, i32
  }
  func.func @transform_14(%arg0: i32) -> (i32, i32) {
    %c0_i32 = arith.constant 0 : i32
    %c0_i32_0 = arith.constant 0 : i32
    return %arg0, %c0_i32 : i32, i32
  }
  func.func @transform_15(%arg0: i32) -> (i32, i32) {
    %c0_i32 = arith.constant 0 : i32
    %c0_i32_0 = arith.constant 0 : i32
    return %arg0, %c0_i32 : i32, i32
  }
}

module attributes {stable_mosaic.version = 14 : i64} {
  func.func @_gru_body(%arg0: i32, %arg1: memref<2000x128xf32, #tpu.memory_space<vmem>>, %arg2: memref<2000x128xf32, #tpu.memory_space<vmem>>, %arg3: memref<2000x16xf32, #tpu.memory_space<vmem>>, %arg4: memref<2000x16xf32, #tpu.memory_space<vmem>>, %arg5: memref<2000x128xf32, #tpu.memory_space<vmem>>, %arg6: memref<128x384xf32, #tpu.memory_space<vmem>>, %arg7: memref<128x384xf32, #tpu.memory_space<vmem>>, %arg8: memref<1x384xf32, #tpu.memory_space<vmem>>, %arg9: memref<1x384xf32, #tpu.memory_space<vmem>>, %arg10: memref<2000x128xf32, #tpu.memory_space<vmem>>) attributes {dimension_semantics = [#tpu.dimension_semantics<arbitrary>], iteration_bounds = array<i64: 5>, scalar_prefetch = 0 : i64, scratch_operands = 0 : i64, tpu.core_type = #tpu.core_type<tc>, window_params = [{transform_indices = @transform_0, window_bounds = array<i64: 2000, 128>}, {transform_indices = @transform_1, window_bounds = array<i64: 2000, 128>}, {transform_indices = @transform_2, window_bounds = array<i64: 2000, 16>}, {transform_indices = @transform_3, window_bounds = array<i64: 2000, 16>}, {transform_indices = @transform_4, window_bounds = array<i64: 2000, 128>}, {pipeline_mode = #tpu.pipeline_mode<synchronous>, transform_indices = @transform_5, window_bounds = array<i64: 128, 384>}, {pipeline_mode = #tpu.pipeline_mode<synchronous>, transform_indices = @transform_6, window_bounds = array<i64: 128, 384>}, {pipeline_mode = #tpu.pipeline_mode<synchronous>, transform_indices = @transform_7, window_bounds = array<i64: 1, 384>}, {pipeline_mode = #tpu.pipeline_mode<synchronous>, transform_indices = @transform_8, window_bounds = array<i64: 1, 384>}, {transform_indices = @transform_9, window_bounds = array<i64: 2000, 128>}]} {
    %get3A = arith.constant 0 : index
    %get3A_0 = arith.constant 0 : index
    %get3A_1 = vector.load %arg3[%get3A, %get3A_0] : memref<2000x16xf32, #tpu.memory_space<vmem>>, vector<2000x16xf32>
    %reduce_max3A = arith.constant dense<0xFF800000> : vector<2000xf32>
    %reduce_max3A_2 = vector.multi_reduction <maximumf>, %get3A_1, %reduce_max3A [1] : vector<2000x16xf32> to vector<2000xf32>
    %broadcast_in_dim3A = vector.shape_cast %reduce_max3A_2 : vector<2000xf32> to vector<2000x1xf32>
    %get3A_3 = arith.constant 0 : index
    %get3A_4 = arith.constant 0 : index
    %get3A_5 = vector.load %arg4[%get3A_3, %get3A_4] : memref<2000x16xf32, #tpu.memory_space<vmem>>, vector<2000x16xf32>
    %reduce_max3A_6 = arith.constant dense<0xFF800000> : vector<2000xf32>
    %reduce_max3A_7 = vector.multi_reduction <maximumf>, %get3A_5, %reduce_max3A_6 [1] : vector<2000x16xf32> to vector<2000xf32>
    %broadcast_in_dim3A_8 = vector.shape_cast %reduce_max3A_7 : vector<2000xf32> to vector<2000x1xf32>
    %get3A_9 = arith.constant 0 : index
    %get3A_10 = arith.constant 0 : index
    %get3A_11 = vector.load %arg1[%get3A_9, %get3A_10] : memref<2000x128xf32, #tpu.memory_space<vmem>>, vector<2000x128xf32>
    %max3A = arith.constant 1.000000e+00 : f32
    %max3A_12 = vector.broadcast %max3A : f32 to vector<2000x1xf32>
    %max3A_13 = arith.maximumf %broadcast_in_dim3A, %max3A_12 : vector<2000x1xf32>
    %div3A = vector.broadcast %max3A_13 : vector<2000x1xf32> to vector<2000x128xf32>
    %div3A_14 = arith.divf %get3A_11, %div3A : vector<2000x128xf32>
    %get3A_15 = arith.constant 0 : index
    %get3A_16 = arith.constant 0 : index
    %get3A_17 = vector.load %arg2[%get3A_15, %get3A_16] : memref<2000x128xf32, #tpu.memory_space<vmem>>, vector<2000x128xf32>
    %max3A_18 = arith.constant 1.000000e+00 : f32
    %max3A_19 = vector.broadcast %max3A_18 : f32 to vector<2000x1xf32>
    %max3A_20 = arith.maximumf %broadcast_in_dim3A_8, %max3A_19 : vector<2000x1xf32>
    %div3A_21 = vector.broadcast %max3A_20 : vector<2000x1xf32> to vector<2000x128xf32>
    %div3A_22 = arith.divf %get3A_17, %div3A_21 : vector<2000x128xf32>
    %add3A = arith.addf %div3A_14, %div3A_22 : vector<2000x128xf32>
    %get3A_23 = arith.constant 0 : index
    %get3A_24 = arith.constant 0 : index
    %get3A_25 = vector.load %arg5[%get3A_23, %get3A_24] : memref<2000x128xf32, #tpu.memory_space<vmem>>, vector<2000x128xf32>
    %get3A_26 = arith.constant 0 : index
    %get3A_27 = arith.constant 0 : index
    %get3A_28 = vector.load %arg6[%get3A_26, %get3A_27] : memref<128x384xf32, #tpu.memory_space<vmem>>, vector<128x384xf32>
    %dot_general3A = arith.constant dense<0.000000e+00> : vector<2000x384xf32>
    %dot_general3A_29 = tpu.matmul %add3A, %get3A_28, %dot_general3A {dimension_numbers = #tpu.dot_dimension_numbers<[1], [0], [0], [1], [0, 0, 1, 1], [], []>, transpose_lhs_hint = false} : vector<2000x128xf32>, vector<128x384xf32>, vector<2000x384xf32> -> vector<2000x384xf32>
    %get3A_30 = arith.constant 0 : index
    %get3A_31 = arith.constant 0 : index
    %get3A_32 = vector.load %arg8[%get3A_30, %get3A_31] : memref<1x384xf32, #tpu.memory_space<vmem>>, vector<1x384xf32>
    %add3A_33 = vector.broadcast %get3A_32 : vector<1x384xf32> to vector<2000x384xf32>
    %add3A_34 = arith.addf %dot_general3A_29, %add3A_33 : vector<2000x384xf32>
    %get3A_35 = arith.constant 0 : index
    %get3A_36 = arith.constant 0 : index
    %get3A_37 = vector.load %arg7[%get3A_35, %get3A_36] : memref<128x384xf32, #tpu.memory_space<vmem>>, vector<128x384xf32>
    %dot_general3A_38 = arith.constant dense<0.000000e+00> : vector<2000x384xf32>
    %dot_general3A_39 = tpu.matmul %get3A_25, %get3A_37, %dot_general3A_38 {dimension_numbers = #tpu.dot_dimension_numbers<[1], [0], [0], [1], [0, 0, 1, 1], [], []>, transpose_lhs_hint = false} : vector<2000x128xf32>, vector<128x384xf32>, vector<2000x384xf32> -> vector<2000x384xf32>
    %get3A_40 = arith.constant 0 : index
    %get3A_41 = arith.constant 0 : index
    %get3A_42 = vector.load %arg9[%get3A_40, %get3A_41] : memref<1x384xf32, #tpu.memory_space<vmem>>, vector<1x384xf32>
    %add3A_43 = vector.broadcast %get3A_42 : vector<1x384xf32> to vector<2000x384xf32>
    %add3A_44 = arith.addf %dot_general3A_39, %add3A_43 : vector<2000x384xf32>
    %slice3A = vector.extract_strided_slice %add3A_34 {offsets = [0, 0], sizes = [2000, 128], strides = [1, 1]} : vector<2000x384xf32> to vector<2000x128xf32>
    %slice3A_45 = vector.extract_strided_slice %add3A_44 {offsets = [0, 0], sizes = [2000, 128], strides = [1, 1]} : vector<2000x384xf32> to vector<2000x128xf32>
    %add3A_46 = arith.addf %slice3A, %slice3A_45 : vector<2000x128xf32>
    %logistic3A = arith.negf %add3A_46 : vector<2000x128xf32>
    %logistic3A_47 = math.exp %logistic3A : vector<2000x128xf32>
    %logistic3A_48 = arith.constant 1.000000e+00 : f32
    %logistic3A_49 = vector.broadcast %logistic3A_48 : f32 to vector<2000x128xf32>
    %logistic3A_50 = arith.addf %logistic3A_49, %logistic3A_47 : vector<2000x128xf32>
    %logistic3A_51 = arith.divf %logistic3A_49, %logistic3A_50 : vector<2000x128xf32>
    %slice3A_52 = vector.extract_strided_slice %add3A_34 {offsets = [0, 128], sizes = [2000, 128], strides = [1, 1]} : vector<2000x384xf32> to vector<2000x128xf32>
    %slice3A_53 = vector.extract_strided_slice %add3A_44 {offsets = [0, 128], sizes = [2000, 128], strides = [1, 1]} : vector<2000x384xf32> to vector<2000x128xf32>
    %add3A_54 = arith.addf %slice3A_52, %slice3A_53 : vector<2000x128xf32>
    %logistic3A_55 = arith.negf %add3A_54 : vector<2000x128xf32>
    %logistic3A_56 = math.exp %logistic3A_55 : vector<2000x128xf32>
    %logistic3A_57 = arith.constant 1.000000e+00 : f32
    %logistic3A_58 = vector.broadcast %logistic3A_57 : f32 to vector<2000x128xf32>
    %logistic3A_59 = arith.addf %logistic3A_58, %logistic3A_56 : vector<2000x128xf32>
    %logistic3A_60 = arith.divf %logistic3A_58, %logistic3A_59 : vector<2000x128xf32>
    %slice3A_61 = vector.extract_strided_slice %add3A_34 {offsets = [0, 256], sizes = [2000, 128], strides = [1, 1]} : vector<2000x384xf32> to vector<2000x128xf32>
    %slice3A_62 = vector.extract_strided_slice %add3A_44 {offsets = [0, 256], sizes = [2000, 128], strides = [1, 1]} : vector<2000x384xf32> to vector<2000x128xf32>
    %mul3A = arith.mulf %logistic3A_51, %slice3A_62 : vector<2000x128xf32>
    %add3A_63 = arith.addf %slice3A_61, %mul3A : vector<2000x128xf32>
    %tanh3A = math.tanh %add3A_63 : vector<2000x128xf32>
    %sub3A = arith.constant 1.000000e+00 : f32
    %sub3A_64 = vector.broadcast %sub3A : f32 to vector<2000x128xf32>
    %sub3A_65 = arith.subf %sub3A_64, %logistic3A_60 : vector<2000x128xf32>
    %mul3A_66 = arith.mulf %sub3A_65, %tanh3A : vector<2000x128xf32>
    %mul3A_67 = arith.mulf %logistic3A_60, %get3A_25 : vector<2000x128xf32>
    %add3A_68 = arith.addf %mul3A_66, %mul3A_67 : vector<2000x128xf32>
    %swap3A = arith.constant 0 : index
    %swap3A_69 = arith.constant 0 : index
    %swap3A_70 = vector.load %arg10[%swap3A, %swap3A_69] : memref<2000x128xf32, #tpu.memory_space<vmem>>, vector<2000x128xf32>
    tpu.vector_store %arg10[%swap3A, %swap3A_69], %add3A_68 {strides = array<i32>} : memref<2000x128xf32, #tpu.memory_space<vmem>>, vector<2000x128xf32>,
    return
  }
  func.func @transform_0(%arg0: i32) -> (i32, i32) {
    %c0_i32 = arith.constant 0 : i32
    %c0_i32_0 = arith.constant 0 : i32
    return %arg0, %c0_i32 : i32, i32
  }
  func.func @transform_1(%arg0: i32) -> (i32, i32) {
    %c0_i32 = arith.constant 0 : i32
    %c0_i32_0 = arith.constant 0 : i32
    return %arg0, %c0_i32 : i32, i32
  }
  func.func @transform_2(%arg0: i32) -> (i32, i32) {
    %c0_i32 = arith.constant 0 : i32
    %c0_i32_0 = arith.constant 0 : i32
    return %arg0, %c0_i32 : i32, i32
  }
  func.func @transform_3(%arg0: i32) -> (i32, i32) {
    %c0_i32 = arith.constant 0 : i32
    %c0_i32_0 = arith.constant 0 : i32
    return %arg0, %c0_i32 : i32, i32
  }
  func.func @transform_4(%arg0: i32) -> (i32, i32) {
    %c0_i32 = arith.constant 0 : i32
    %c0_i32_0 = arith.constant 0 : i32
    return %arg0, %c0_i32 : i32, i32
  }
  func.func @transform_5(%arg0: i32) -> (i32, i32) {
    %c0_i32 = arith.constant 0 : i32
    %c0_i32_0 = arith.constant 0 : i32
    %c0_i32_1 = arith.constant 0 : i32
    return %c0_i32, %c0_i32_0 : i32, i32
  }
  func.func @transform_6(%arg0: i32) -> (i32, i32) {
    %c0_i32 = arith.constant 0 : i32
    %c0_i32_0 = arith.constant 0 : i32
    %c0_i32_1 = arith.constant 0 : i32
    return %c0_i32, %c0_i32_0 : i32, i32
  }
  func.func @transform_7(%arg0: i32) -> (i32, i32) {
    %c0_i32 = arith.constant 0 : i32
    %c0_i32_0 = arith.constant 0 : i32
    %c0_i32_1 = arith.constant 0 : i32
    return %c0_i32, %c0_i32_0 : i32, i32
  }
  func.func @transform_8(%arg0: i32) -> (i32, i32) {
    %c0_i32 = arith.constant 0 : i32
    %c0_i32_0 = arith.constant 0 : i32
    %c0_i32_1 = arith.constant 0 : i32
    return %c0_i32, %c0_i32_0 : i32, i32
  }
  func.func @transform_9(%arg0: i32) -> (i32, i32) {
    %c0_i32 = arith.constant 0 : i32
    %c0_i32_0 = arith.constant 0 : i32
    return %arg0, %c0_i32 : i32, i32
  }
}

</mosaic_0001>

<sc_bundles>
// kernel: kernel.10.cloned.1.call-start
scs
__scs_entry_jumppad:
0x0: {  	(pc) =	sbr.rel $0x88, $3  }
0x1: {  	(tag) =	ssettag $0x0;
	lr =	simm.s32 $0x1  }
0x2: {  	[smem:$0x3F96] =	sst lr;
	_ =	strace $0xD0000000  }
0x3: {  	_ = 	snop  }
0x4: {  	_ = 	snop  }
0x5: {  	_ = 	snop  }
0x6: {  	_ = 	snop  }
0x7: {  	_ = 	snop  }
__scs_overlays_trampoline_lowered:
0x8: {  	[smem:$0x3FA5] =	sst s0  }
0x9: {  	[smem:$0x3FA6] =	sst s1  }
0xa: {  	[smem:$0x3FA7] =	sst s2  }
0xb: {  	[smem:$0x3FA8] =	sst s3  }
0xc: {  	[smem:$0x3FA9] =	sst s4  }
0xd: {  	[smem:$0x3FAA] =	sst s5  }
0xe: {  	[smem:$0x3FAB] =	sst s6  }
0xf: {  	[smem:$0x3FAC] =	sst s7  }
0x10: {  	[smem:$0x3FAD] =	sst s8  }
0x11: {  	[smem:$0x3FAE] =	sst s9;
	s0 =	simm.s32 @!p0 $0x0  }
0x12: {  	s1 =	sld [smem:$0x3F94];
	s0 =	simm.s32 @p0 $0x1  }
0x13: {  	[smem:$0x3FAF] =	sst s0;
	s0 =	simm.s32 @!p1 $0x0  }
0x14: {  	s2 =	sld [smem:$0x3F93];
	s0 =	simm.s32 @p1 $0x1  }
0x15: {  	[smem:$0x3FB0] =	sst s0;
	s0 =	simm.s32 @!p2 $0x0  }
0x16: {  	s3 =	sld [smem:$0x3FDB];
	s0 =	simm.s32 @p2 $0x1  }
0x17: {  	s4 =	simm.s32 $0x1BF5;
	[smem:$0x3FB2] =	sst s0  }
0x18: {  	s0 =	sld [smem:$0x3F95];
	_ =	swait.ge [sflag:s4], $0x0  }
0x19: {  	s7 =	sld [smem:$0x3F96]  }
0x1a: {  	s8 =	sadd.s32 $0xFFFFE003, lr  }
0x1b: {  	s9 =	sadd.s32 $0xFFFFFEF7, lr;
	s5 =	simm.s32 $0xFFFFFFFF;
	p2 =	slt.u32 s8, $0xFFFFF086  }
0x1c: {  	p1 =	slt.u32 s9, $0xF7A;
	s5 =	simm.s32 @!p2 $0x0  }
0x1d: {  	s5 =	simm.s32 @p1 $0x1;
	p0 =	seq.s32 s7, s2  }
0x1e: {  	s7 =	smul.u32 @!p0 $0xF7A, s2;
	p2 =	seq.s32 @!p0 s5, $0x0  }
0x1f: {  	s9 =	smul.u32 $0xF7A, s1;
	s8 =	simm.s32 @!p0 $0x1BF5;
	p2 =	por !p2, p0  }
0x20: {  	[sflag:s8] =	ssyncset.s32 @!p0 $0xFFFFF086;
	s6 =	sadd.s32 @!p0 s3, s7;
	s7 =	simm.s32 @!p0 $0x108  }
0x21: {  	s3 =	sadd.s32 s3, s9;
	s6 =	sadd.s32 @!p0 $0x88, s6;
	s7 =	simm.s32 @p2 $0x1082  }
0x22: {  	[simem:s7], [sflag:s8] =	dma.local @!p0 [hbm:s6], $0xF7A  }
0x23: {  	s9 =	sor.u32 $0xD0000000, s2;
	s6 =	simm.s32 $0x108;
	_ =	swait.ge @!p0 [sflag:s8], $0x0  }
0x24: {  	s3 =	sadd.s32 $0x88, s3;
	s6 =	simm.s32 @!p1 $0x1082;
	[sflag:s4] =	ssyncset.s32 $0xFFFFF086  }
0x25: {  	[simem:s6], [sflag:s4] =	dma.local [hbm:s3], $0xF7A  }
0x26: {  	[smem:$0x3F96] =	sst s1;
	(tag) =	ssettag s2;
	_ =	strace s9  }
0x27: {  	s1 =	sld [smem:$0x3FA6]  }
0x28: {  	s2 =	sld [smem:$0x3FA7]  }
0x29: {  	s4 =	sld [smem:$0x3FA9]  }
0x2a: {  	p0 =	seq.s32 s5, $0x0;
	s5 =	sld [smem:$0x3FAA]  }
0x2b: {  	s6 =	sld [smem:$0x3FAB]  }
0x2c: {  	s7 =	sld [smem:$0x3FAC]  }
0x2d: {  	s3 =	simm.s32 $0x108;
	s8 =	sld [smem:$0x3FAD]  }
0x2e: {  	s3 =	simm.s32 @!p0 $0x1082;
	s9 =	sld [smem:$0x3FAE]  }
0x2f: {  	lr =	sadd.s32 s0, s3;
	s0 =	sld [smem:$0x3FA5]  }
0x30: {  	s3 =	sld [smem:$0x3FA8]  }
0x31: {  	[smem:$0x3FB1] =	sst s10  }
0x32: {  	s10 =	sld [smem:$0x3FAF];
	_ =	sdelay $0x3  }
0x33: {  	p0 =	seq.s32 s10, $0x1;
	s10 =	sld [smem:$0x3FB1];
	_ =	sdelay $0x3  }
0x34: {  	[smem:$0x3FB1] =	sst s10  }
0x35: {  	s10 =	sld [smem:$0x3FB0];
	_ =	sdelay $0x3  }
0x36: {  	p1 =	seq.s32 s10, $0x1;
	s10 =	sld [smem:$0x3FB1];
	_ =	sdelay $0x3  }
0x37: {  	[smem:$0x3FB1] =	sst s10  }
0x38: {  	s10 =	sld [smem:$0x3FB2]  }
0x39: {  	_ = 	snop;
	(pc) =	sbr.ind lr, $3  }
0x3a: {  	_ = 	snop  }
0x3b: {  	_ = 	snop  }
0x3c: {  	p2 =	seq.s32 s10, $0x1;
	s10 =	sld [smem:$0x3FB1]  }
0x3d: {  	_ =	shalt  }
0x3e: {  	_ =	shalt  }
0x3f: {  	_ =	shalt  }
0x40: {  	_ =	shalt  }
0x41: {  	_ =	shalt  }
0x42: {  	_ =	shalt  }
0x43: {  	_ =	shalt  }
0x44: {  	_ =	shalt  }
0x45: {  	_ =	shalt  }
0x46: {  	_ =	shalt  }
0x47: {  	_ =	shalt  }
0x48: {  	_ =	shalt  }
0x49: {  	_ =	shalt  }
0x4a: {  	_ =	shalt  }
0x4b: {  	_ =	shalt  }
0x4c: {  	_ =	shalt  }
0x4d: {  	_ =	shalt  }
0x4e: {  	_ =	shalt  }
0x4f: {  	_ =	shalt  }
0x50: {  	_ =	shalt  }
0x51: {  	_ =	shalt  }
0x52: {  	_ =	shalt  }
0x53: {  	_ =	shalt  }
0x54: {  	_ =	shalt  }
0x55: {  	_ =	shalt  }
0x56: {  	_ =	shalt  }
0x57: {  	_ =	shalt  }
0x58: {  	_ =	shalt  }
0x59: {  	_ =	shalt  }
0x5a: {  	_ =	shalt  }
0x5b: {  	_ =	shalt  }
0x5c: {  	_ =	shalt  }
0x5d: {  	_ =	shalt  }
0x5e: {  	_ =	shalt  }
0x5f: {  	_ =	shalt  }
0x60: {  	_ =	shalt  }
0x61: {  	_ =	shalt  }
0x62: {  	_ =	shalt  }
0x63: {  	_ =	shalt  }
0x64: {  	_ =	shalt  }
0x65: {  	_ =	shalt  }
0x66: {  	_ =	shalt  }
0x67: {  	_ =	shalt  }
0x68: {  	_ =	shalt  }
0x69: {  	_ =	shalt  }
0x6a: {  	_ =	shalt  }
0x6b: {  	_ =	shalt  }
0x6c: {  	_ =	shalt  }
0x6d: {  	_ =	shalt  }
0x6e: {  	_ =	shalt  }
0x6f: {  	_ =	shalt  }
0x70: {  	_ =	shalt  }
0x71: {  	_ =	shalt  }
0x72: {  	_ =	shalt  }
0x73: {  	_ =	shalt  }
0x74: {  	_ =	shalt  }
0x75: {  	_ =	shalt  }
0x76: {  	_ =	shalt  }
0x77: {  	_ =	shalt  }
0x78: {  	_ =	shalt  }
0x79: {  	_ =	shalt  }
0x7a: {  	_ =	shalt  }
0x7b: {  	_ =	shalt  }
0x7c: {  	_ =	shalt  }
0x7d: {  	_ =	shalt  }
0x7e: {  	_ =	shalt  }
0x7f: {  	_ =	shalt  }
0x80: {  	_ =	shalt  }
0x81: {  	_ =	shalt  }
0x82: {  	_ =	shalt  }
0x83: {  	_ =	shalt  }
0x84: {  	_ =	shalt  }
0x85: {  	_ =	shalt  }
0x86: {  	_ =	shalt  }
0x87: {  	_ =	shalt  }
.Lfunc_end0:
.L_simem_size_0:
called_computation.1_lowered:
.L_overlay_start_0:
0x88: {  	s2 =	sld [smem:$0x3FD9]  }
0x89: {  	s3 =	sld [smem:$0x3FFE];
	_ =	sdelay $0x1  }
0x8a: {  	s1 =	srdreg.scid  }
0x8b: {  	s0 =	sand.u32 $0x1, s1  }
0x8c: {  	s16 =	sshll.u32 s0, $0xA;
	s2 =	sadd.s32 s3, s2  }
0x8d: {  	s2 =	sadd.s32 s2, s16  }
0x8e: {  	[smem:$0x3FBD] =	sst s2  }
0x8f: {  	_ = 	snop  }
0x90: {  	(tm) =	ssettm $0x1  }
0x91: {  	s17 =	sld [smem:$0x3FFB];
	_ =	sdelay $0x3  }
0x92: {  	_ =	strace s17  }
0x93: {  	s2 =	sld [smem:$0x3FFC];
	_ =	sdelay $0x3  }
0x94: {  	_ =	strace s2  }
0x95: {  	s2 =	sld [smem:$0x3FFD];
	_ =	sdelay $0x3  }
0x96: {  	_ =	strace s2  }
0x97: {  	_ =	strace $0x8FFFFFFF  }
0x98: {  	s18 =	sld [smem:$0x3FDB];
	_ =	sdelay $0x1  }
0x99: {  	s19 =	simm.s32 $_scs_section_size  }
0x9a: {  	s4 =	simm.s32 $_size__tile_overlayer_lowered;
	s5 =	simm.s32 $_tile_overlayer_lowered  }
0x9b: {  	s22 =	simm.s32 $0x1BFF;
	s21 =	sshll.u32 s5, $0x1;
	s2 =	sadd.s32 s19, s18  }
0x9c: {  	s6 =	simm.s32 $0x0;
	s20 =	sshll.u32 s4, $0x1;
	s4 =	sadd.s32 s21, s2  }
0x9d: {  	[timem:s6], [sflag:s22] =	dma.local [hbm:s4], s20  }
0x9e: {  	_ =	swait.ge [sflag:s22], s20  }
0x9f: {  	s3 =	ssub.s32 $0x0, s20;
	[sflag:s22] =	ssyncset.done $0x0  }
0xa0: {  	[sflag:s22] =	ssyncadd.s32 s3;
	_ =	sdelay $0x1  }
0xa1: {  	s23 =	simm.s32 $0x1B8B  }
0xa2: {  	_ =	swait.ge [sflag:s23], $0x1  }
0xa3: {  	[sflag:s23] =	ssyncset.done $0x0  }
0xa4: {  	s25 =	simm.s32 $0x1B8E;
	s24 =	sld [smem:$0x3FFE];
	[sflag:s23] =	ssyncadd.s32 $0xFFFFFFFF  }
0xa5: {  	s26 =	simm.s32 $execute0_lowered;
	[smem:$0x3FD2] =	sst s25  }
0xa6: {  	s4 =	sshll.u32 s26, $0x1;
	_ =	strace $0x80000049;
	[dreg:$0x1] =	wrdreg $0xFFFFFFFF  }
0xa7: {  	s28 =	simm.s32 $_size_execute0_lowered;
	s2 =	sadd.s32 s2, s4;
	[dreg:$0x0] =	wrdreg $0x0  }
0xa8: {  	s4 =	sshll.u32 s28, $0x1;
	[dreg:$0x2] =	wrdreg s2  }
0xa9: {  	[dreg:$0x3] =	wrdreg s4  }
0xaa: {  	[dreg:$0x4] =	wrdreg $0xC0  }
0xab: {  	_ =	task [dreg:s6], $0x5FFFF  }
0xac: {  	[dreg:$0x1] =	wrdreg $0xFFFFFFFF  }
0xad: {  	[dreg:$0x0] =	wrdreg $0x60  }
0xae: {  	[dreg:$0x2] =	wrdreg s24  }
0xaf: {  	[dreg:$0x3] =	wrdreg $0x6F400  }
0xb0: {  	[dreg:$0x4] =	wrdreg $0x9  }
0xb1: {  	_ =	task.clear_ibuf [dreg:s6], $0x5FFFF;
	_ =	strace $0x90000049  }
0xb2: {  	s29 =	simm.s32 $0x9;
	_ =	strace $0x8000004B  }
0xb3: {  	_ =	swait.ge [sflag:s29], $0x1  }
0xb4: {  	[sflag:s29] =	ssyncadd.s32 $0xFFFFFFFF  }
0xb5: {  	_ =	strace $0x9000004B  }
0xb6: {  	_ =	sfence  }
0xb7: {  	s30 =	sld [smem:$0x0];
	_ =	sdelay $0x2  }
0xb8: {  	s31 =	sshll.u32 s1, $0xD;
	s1 =	sshrl.u32 s1, $0x2  }
0xb9: {  	s3 =	sand.u32 $0x4000, s31;
	s1 =	sadd.s32 s1, s30  }
0xba: {  	s0 =	sor.u32 s3, s0;
	s1 =	sshll.u32 s1, $0x11  }
0xbb: {  	s0 =	sor.u32 s1, s0  }
0xbc: {  	s0 =	sadd.s32 $0x8F2B, s0  }
0xbd: {  	[sflag:s0] =	ssyncadd.remote.s32 $0x1  }
0xbe: {  	_ =	sfence.sel $0xFFFF  }
0xbf: {  	[dreg:$0x0] =	wrdreg $0xFFFFFFFF;
	(pc) =	sbr.abs _section_cstart, $3  }
0xc0: {  	[dreg:$0x1] =	wrdreg $0xFFFFFFFF  }
0xc1: {  	_ =	task.clear_ibuf [dreg:s6], $0x2FFFF;
	_ =	strace $0x9FFFFFFF  }
0xc2: {  	(tm) =	ssettm $0x7FFFFFFF  }
0xc3: {  	_ =	shalt  }
tec
execute0_lowered:
.L_overlay_start_1:
0x0: {  	(tag) =	ssettag $0x1  }
0x1: {  	s0 =	rddreg [dreg:$0x0]  }
0x2: {  	s2 =	rddreg [dreg:$0x1]  }
0x3: {  	s3 =	simm.s32 $0x0;
	s1 =	stileid.u32;
	s6 =	srdreg.scid  }
0x4: {  	s19 =	simm.s32 $0x3;
	s20 =	simm.s32 $0xFA0;
	s21 =	simm.s32 $0x50  }
0x5: {  	s22 =	simm.s32 $0x1F40;
	s23 =	simm.s32 $0x4740;
	s24 =	simm.s32 $0x1  }
0x6: {  	s28 =	simm.s32 $0x1EA0;
	s29 =	simm.s32 $0x1EF0;
	[smem:$0x7FF] =	sst s3  }
0x7: {  	s8 =	smul.u32 $0x13C00, s1;
	s4 =	sadd.s32 $0x7F600, s0;
	s5 =	sadd.s32 $0xA6800, s0  }
0x8: {  	s11 =	sand.u32 $0x1, s6;
	s6 =	sadd.s32 $0x4C00, s0;
	s16 =	sadd.s32 $0x128400, s2  }
0x9: {  	s25 =	simm.s32 $0x2;
	s30 =	sadd.s32 $0x119C80, s0;
	s14 =	sadd.s32 $0x140E80, s0  }
0xa: {  	s7 =	sadd.s32 $0x18600, s0;
	p1 =	seq.s32 s1, $0xF;
	_ =	strace $0x8000004A  }
0xb: {  	s10 =	ssub.s32 $0x2, s11;
	p0 =	seq.s32 s11, $0x1;
	[dreg:$0x3] =	wrdreg s30  }
0xc: {  	s16 =	sshrl.u32 @p1 s16, $0x3;
	s9 =	sshrl.u32 s8, $0x3;
	s26 =	sshrl.u32 s10, $0x1  }
.Ltmp0:
0xd: {  	s18 =	sadd.s32 s8, s2;
	s13 =	sadd.s32 s9, s0;
	(pc) =	sbr.rel .LBB2_1-.Ltmp0, $4  }
0xe: {  	s15 =	ssub.s32 s10, s26;
	s9 =	sadd.s32 $0x7D480, s0;
	s10 =	smul.u32 $0x4E20, s1  }
0xf: {  	s0 =	sshll.u32 @!p1 s1, $0x6;
	s18 =	sshrl.u32 @!p1 s18, $0x3;
	s26 =	simm.s32 $0xF50  }
0x10: {  	s8 =	sadd.s32 $0x58400, s13;
	s31 =	sadd.s32 $0x11BE00, s13;
	s13 =	sadd.s32 $0xF4C00, s13  }
0x11: {  	s15 =	smax.u32 s15, $0x1;
	s17 =	sor.u32 @!p1 $0x1C03, s0;
	[dreg:$0x4] =	wrdreg s31  }
.LBB2_10:
0x12: {  	s3 =	sadd.s32 $0x1, s3  }
0x13: {  	p2 =	sne.s32 s3, s15  }
.Ltmp1:
0x14: {  	_ = 	snop;
	(pc) =	sbr.rel @!p2 .LBB2_11-.Ltmp1, $1  }
0x15: {  	_ =	sdelay $0x3  }
.LBB2_1:
0x16: {  	s0 =	simm.s32 @p1 $0x1FC3  }
0x17: {  	[spmem:s16], [sflag:s0] =	dma.local @p1 [hbm:s9], $0x2080  }
0x18: {  	s0 =	simm.s32 @p1 $0x3  }
0x19: {  	_ =	swait.ge @p1 [sflag:s0], $0x2080  }
0x1a: {  	[sflag:s0] =	ssyncset.done @p1 $0x0  }
0x1b: {  	[sflag:s0] =	ssyncadd.s32 @p1 $0xFFFFDF80;
	s0 =	simm.s32 @!p1 $0x3  }
0x1c: {  	[spmem:s18], [sflag:s17] =	dma.local @!p1 [hbm:s8], $0x2780  }
.Ltmp2:
0x1d: {  	_ =	swait.ge @!p1 [sflag:s0], $0x2780;
	(pc) =	sbr.rel @!p0 .LBB2_2-.Ltmp2, $4  }
0x1e: {  	[sflag:s0] =	ssyncset.done @!p1 $0x0  }
0x1f: {  	[sflag:s0] =	ssyncadd.s32 @!p1 $0xFFFFD880  }
0x20: {  	[bflag:$0x0] =	sbarrier.arrive $0xFFFF  }
0x21: {  	s30 =	simm.s32 $0x0;
	s31 =	simm.s32 $0x0  }
.LBB2_6:
0x22: {  	s0 =	smul.u32 $0xFA0, s31;
	_ =	sdelay $0x1  }
0x23: {  	s0 =	sadd.s32 s10, s0  }
0x24: {  	s0 =	sshrl.u32 s0, $0x3  }
0x25: {  	s1 =	simm.s32 $0x0;
	s0 =	sadd.s32 s7, s0  }
0x26: {  	[tilespmem:s1], [sflag:$0x3] =	stream.linear.gather [hbm4b:s0+s1], $0xFA0, $0x38;
	[tilespmem:$0x1A7C0] =	vst v63  }
0x27: {  	_ =	swait.ge [sflag:s19], $0xFA0  }
0x28: {  	[sflag:s19] =	ssyncset.done $0x0  }
0x29: {  	s0 =	sadd.s32 $0x9C40, s0;
	[sflag:s19] =	ssyncadd.s32 $0xFFFFF060  }
0x2a: {  	[tilespmem:s20], [sflag:$0x3] =	stream.linear.gather [hbm4b:s0+s1], $0xFA0, $0x38;
	[tilespmem:$0x1A7C0] =	vst v63  }
0x2b: {  	_ =	swait.ge [sflag:s19], $0xFA0  }
0x2c: {  	[sflag:s19] =	ssyncset.done $0x0  }
0x2d: {  	[sflag:s19] =	ssyncadd.s32 $0xFFFFF060  }
0x2e: {  	[tilespmem:s22], [sflag:$0x1] =	stream.indirect.gather [hbm4b:s5+s21], $0x80, s1, s21, $0xb8;
	[tilespmem:$0x1A7C0] =	vst v63  }
0x2f: {  	s12 =	simm.s32 $0x50  }
0x30: {  	[tilespmem:s23], [sflag:$0x2] =	stream.indirect.gather [hbm4b:s5+s21], $0x80, s12, s21, $0xb8;
	[tilespmem:$0x1A7C0] =	vst v63  }
0x31: {  	_ =	swait.ge [sflag:s24], $0x2800  }
0x32: {  	[sflag:s24] =	ssyncset.done $0x0  }
0x33: {  	s1 =	simm.s32 $0xFA0;
	[sflag:s24] =	ssyncadd.s32 $0xFFFFD800  }
0x34: {  	[spmem:s2] =	stream.indirect.scatter.add.f32 [tilespmem:s22], [sflag:$0x3], $0x80, s1, s21, $0xb8;
	[tilespmem:$0x1A7C0] =	vst v63  }
0x35: {  	_ =	swait.ge [sflag:s19], $0x2800  }
0x36: {  	[sflag:s19] =	ssyncset.done $0x0  }
0x37: {  	s11 =	simm.s32 $0xA0;
	[sflag:s19] =	ssyncadd.s32 $0xFFFFD800  }
0x38: {  	[tilespmem:s22], [sflag:$0x1] =	stream.indirect.gather [hbm4b:s5+s21], $0x80, s11, s21, $0xb8;
	[tilespmem:$0x1A7C0] =	vst v63  }
0x39: {  	_ =	swait.ge [sflag:s25], $0x2800  }
0x3a: {  	[sflag:s25] =	ssyncset.done $0x0  }
0x3b: {  	s12 =	simm.s32 $0xFF0;
	[sflag:s25] =	ssyncadd.s32 $0xFFFFD800  }
0x3c: {  	[spmem:s2] =	stream.indirect.scatter.add.f32 [tilespmem:s23], [sflag:$0x3], $0x80, s12, s21, $0xb8;
	[tilespmem:$0x1A7C0] =	vst v63  }
0x3d: {  	_ =	swait.ge [sflag:s19], $0x2800  }
0x3e: {  	s30 =	simm.s32 $0xA0;
	s0 =	simm.s32 $0x500;
	[sflag:s19] =	ssyncset.done $0x0  }
.LBB2_7:
0x3f: {  	s1 =	sadd.s32 $0x50, s30  }
0x40: {  	[sflag:s19] =	ssyncadd.s32 $0xFFFFD800;
	s11 =	smov.u32 s0;
	s12 =	sadd.s32 $0x280, s0  }
0x41: {  	[tilespmem:s23], [sflag:$0x2] =	stream.indirect.gather [hbm4b:s5+s21], $0x80, s1, s21, $0xb8;
	[tilespmem:$0x1A7C0] =	vst v63  }
0x42: {  	p2 =	sne.s32 s0, $0x3980;
	_ =	swait.ge [sflag:s24], $0x2800  }
0x43: {  	[sflag:s24] =	ssyncset.done $0x0  }
0x44: {  	s0 =	sadd.s32 $0xFA0, s30;
	[sflag:s24] =	ssyncadd.s32 $0xFFFFD800  }
0x45: {  	[spmem:s2] =	stream.indirect.scatter.add.f32 [tilespmem:s22], [sflag:$0x3], $0x80, s0, s21, $0xb8;
	[tilespmem:$0x1A7C0] =	vst v63  }
0x46: {  	_ =	swait.ge [sflag:s19], $0x2800  }
0x47: {  	[sflag:s19] =	ssyncset.done $0x0  }
0x48: {  	s0 =	sadd.s32 $0xA0, s30;
	[sflag:s19] =	ssyncadd.s32 $0xFFFFD800  }
0x49: {  	[tilespmem:s22], [sflag:$0x1] =	stream.indirect.gather [hbm4b:s5+s21], $0x80, s0, s21, $0xb8;
	[tilespmem:$0x1A7C0] =	vst v63  }
0x4a: {  	_ =	swait.ge [sflag:s25], $0x2800  }
.Ltmp3:
0x4b: {  	[sflag:s25] =	ssyncset.done $0x0;
	(pc) =	sbr.rel @p2 .LBB2_7-.Ltmp3, $4  }
0x4c: {  	s0 =	sadd.s32 $0xFF0, s30;
	[sflag:s25] =	ssyncadd.s32 $0xFFFFD800  }
0x4d: {  	[spmem:s2] =	stream.indirect.scatter.add.f32 [tilespmem:s23], [sflag:$0x3], $0x80, s0, s21, $0xb8;
	[tilespmem:$0x1A7C0] =	vst v63  }
0x4e: {  	_ =	swait.ge [sflag:s19], $0x2800  }
0x4f: {  	s30 =	sshra.s32 s11, $0x2;
	s0 =	smov.u32 s12;
	[sflag:s19] =	ssyncset.done $0x0  }
0x50: {  	s0 =	sadd.s32 $0x50, s30;
	[sflag:s19] =	ssyncadd.s32 $0xFFFFD800  }
0x51: {  	[tilespmem:s23], [sflag:$0x2] =	stream.indirect.gather [hbm4b:s5+s21], $0x80, s0, s21, $0xb8;
	[tilespmem:$0x1A7C0] =	vst v63  }
0x52: {  	_ =	swait.ge [sflag:s24], $0x2800  }
0x53: {  	[sflag:s24] =	ssyncset.done $0x0  }
0x54: {  	s11 =	sadd.s32 $0xFA0, s30;
	[sflag:s24] =	ssyncadd.s32 $0xFFFFD800  }
0x55: {  	[spmem:s2] =	stream.indirect.scatter.add.f32 [tilespmem:s22], [sflag:$0x3], $0x80, s11, s21, $0xb8;
	[tilespmem:$0x1A7C0] =	vst v63  }
0x56: {  	_ =	swait.ge [sflag:s19], $0x2800  }
0x57: {  	[sflag:s19] =	ssyncset.done $0x0  }
0x58: {  	s12 =	sadd.s32 $0xA0, s30;
	[sflag:s19] =	ssyncadd.s32 $0xFFFFD800  }
0x59: {  	[tilespmem:s22], [sflag:$0x1] =	stream.indirect.gather [hbm4b:s5+s21], $0x80, s12, s21, $0xb8;
	[tilespmem:$0x1A7C0] =	vst v63  }
0x5a: {  	_ =	swait.ge [sflag:s25], $0x2800  }
0x5b: {  	[sflag:s25] =	ssyncset.done $0x0  }
0x5c: {  	s30 =	sadd.s32 $0xFF0, s30;
	[sflag:s25] =	ssyncadd.s32 $0xFFFFD800  }
0x5d: {  	[spmem:s2] =	stream.indirect.scatter.add.f32 [tilespmem:s23], [sflag:$0x3], $0x80, s30, s21, $0xb8;
	[tilespmem:$0x1A7C0] =	vst v63  }
0x5e: {  	_ =	swait.ge [sflag:s19], $0x2800  }
0x5f: {  	[sflag:s19] =	ssyncset.done $0x0  }
0x60: {  	[sflag:s19] =	ssyncadd.s32 $0xFFFFD800  }
0x61: {  	[tilespmem:s23], [sflag:$0x2] =	stream.indirect.gather [hbm4b:s5+s21], $0x80, s26, s21, $0xb8;
	[tilespmem:$0x1A7C0] =	vst v63  }
0x62: {  	_ =	swait.ge [sflag:s24], $0x2800  }
0x63: {  	[sflag:s24] =	ssyncset.done $0x0  }
0x64: {  	[sflag:s24] =	ssyncadd.s32 $0xFFFFD800  }
0x65: {  	[spmem:s2] =	stream.indirect.scatter.add.f32 [tilespmem:s22], [sflag:$0x3], $0x80, s28, s21, $0xb8;
	[tilespmem:$0x1A7C0] =	vst v63  }
0x66: {  	_ =	swait.ge [sflag:s19], $0x2800  }
0x67: {  	[sflag:s19] =	ssyncset.done $0x0  }
0x68: {  	[sflag:s19] =	ssyncadd.s32 $0xFFFFD800  }
0x69: {  	s31 =	sadd.s32 $0x1, s31;
	_ =	swait.ge [sflag:s25], $0x2800  }
0x6a: {  	p2 =	sne.s32 s31, $0x5;
	[sflag:s25] =	ssyncset.done $0x0  }
.Ltmp4:
0x6b: {  	[sflag:s25] =	ssyncadd.s32 $0xFFFFD800;
	(pc) =	sbr.rel @p2 .LBB2_6-.Ltmp4, $4  }
0x6c: {  	[spmem:s2] =	stream.indirect.scatter.add.f32 [tilespmem:s23], [sflag:$0x3], $0x80, s29, s21, $0xb8;
	[tilespmem:$0x1A7C0] =	vst v63  }
0x6d: {  	_ =	swait.ge [sflag:s19], $0x2800  }
0x6e: {  	[sflag:s19] =	ssyncset.done $0x0  }
0x6f: {  	[sflag:s19] =	ssyncadd.s32 $0xFFFFD800  }
0x70: {  	[bflag:$0x0] =	sbarrier.arrive $0xFFFF;
	s0 =	simm.s32 @p1 $0x1FC3  }
0x71: {  	[hbm:s14], [sflag:s0] =	dma.local @p1 [spmem:s16], $0x2080  }
0x72: {  	s0 =	simm.s32 @p1 $0x3  }
0x73: {  	_ =	swait.ge @p1 [sflag:s0], $0x2080  }
0x74: {  	[sflag:s0] =	ssyncset.done @p1 $0x0  }
0x75: {  	[sflag:s0] =	ssyncadd.s32 @p1 $0xFFFFDF80;
	s0 =	rddreg [dreg:$0x4]  }
0x76: {  	[hbm:s0], [sflag:s17] =	dma.local @!p1 [spmem:s18], $0x2780  }
.Ltmp5:
0x77: {  	_ = 	snop;
	(pc) =	sbr.rel .LBB2_10-.Ltmp5, $4  }
0x78: {  	s0 =	simm.s32 @!p1 $0x3  }
0x79: {  	_ =	swait.ge @!p1 [sflag:s0], $0x2780  }
0x7a: {  	[sflag:s0] =	ssyncset.done @!p1 $0x0  }
0x7b: {  	[sflag:s0] =	ssyncadd.s32 @!p1 $0xFFFFD880  }
.LBB2_2:
0x7c: {  	s0 =	smul.u32 $0xFA0, s30;
	_ =	sdelay $0x1  }
0x7d: {  	s0 =	sadd.s32 s10, s0  }
0x7e: {  	s0 =	sshrl.u32 s0, $0x3  }
0x7f: {  	s31 =	simm.s32 $0x0;
	s0 =	sadd.s32 s6, s0  }
0x80: {  	[tilespmem:s31], [sflag:$0x3] =	stream.linear.gather [hbm4b:s0+s31], $0xFA0, $0x38;
	[tilespmem:$0x1A7C0] =	vst v63  }
0x81: {  	_ =	swait.ge [sflag:s19], $0xFA0  }
0x82: {  	[sflag:s19] =	ssyncset.done $0x0  }
0x83: {  	s0 =	sadd.s32 $0x9C40, s0;
	[sflag:s19] =	ssyncadd.s32 $0xFFFFF060  }
0x84: {  	[tilespmem:s20], [sflag:$0x3] =	stream.linear.gather [hbm4b:s0+s31], $0xFA0, $0x38;
	[tilespmem:$0x1A7C0] =	vst v63  }
0x85: {  	_ =	swait.ge [sflag:s19], $0xFA0  }
0x86: {  	[sflag:s19] =	ssyncset.done $0x0  }
0x87: {  	[sflag:s19] =	ssyncadd.s32 $0xFFFFF060  }
0x88: {  	[tilespmem:s22], [sflag:$0x1] =	stream.indirect.gather [hbm4b:s4+s21], $0x80, s31, s21, $0xb8;
	[tilespmem:$0x1A7C0] =	vst v63  }
0x89: {  	s12 =	simm.s32 $0x50  }
0x8a: {  	[tilespmem:s23], [sflag:$0x2] =	stream.indirect.gather [hbm4b:s4+s21], $0x80, s12, s21, $0xb8;
	[tilespmem:$0x1A7C0] =	vst v63  }
0x8b: {  	_ =	swait.ge [sflag:s24], $0x2800  }
0x8c: {  	[sflag:s24] =	ssyncset.done $0x0  }
0x8d: {  	s1 =	simm.s32 $0xFA0;
	[sflag:s24] =	ssyncadd.s32 $0xFFFFD800  }
0x8e: {  	[spmem:s2] =	stream.indirect.scatter.add.f32 [tilespmem:s22], [sflag:$0x3], $0x80, s1, s21, $0xb8;
	[tilespmem:$0x1A7C0] =	vst v63  }
0x8f: {  	_ =	swait.ge [sflag:s19], $0x2800  }
0x90: {  	[sflag:s19] =	ssyncset.done $0x0  }
0x91: {  	s11 =	simm.s32 $0xA0;
	[sflag:s19] =	ssyncadd.s32 $0xFFFFD800  }
0x92: {  	[tilespmem:s22], [sflag:$0x1] =	stream.indirect.gather [hbm4b:s4+s21], $0x80, s11, s21, $0xb8;
	[tilespmem:$0x1A7C0] =	vst v63  }
0x93: {  	_ =	swait.ge [sflag:s25], $0x2800  }
0x94: {  	[sflag:s25] =	ssyncset.done $0x0  }
0x95: {  	s12 =	simm.s32 $0xFF0;
	[sflag:s25] =	ssyncadd.s32 $0xFFFFD800  }
0x96: {  	[spmem:s2] =	stream.indirect.scatter.add.f32 [tilespmem:s23], [sflag:$0x3], $0x80, s12, s21, $0xb8;
	[tilespmem:$0x1A7C0] =	vst v63  }
0x97: {  	_ =	swait.ge [sflag:s19], $0x2800  }
0x98: {  	s0 =	simm.s32 $0x500;
	s31 =	simm.s32 $0xA0;
	[sflag:s19] =	ssyncset.done $0x0  }
.LBB2_3:
0x99: {  	s1 =	sadd.s32 $0x50, s31  }
0x9a: {  	[sflag:s19] =	ssyncadd.s32 $0xFFFFD800;
	s11 =	smov.u32 s0;
	s12 =	sadd.s32 $0x280, s0  }
0x9b: {  	[tilespmem:s23], [sflag:$0x2] =	stream.indirect.gather [hbm4b:s4+s21], $0x80, s1, s21, $0xb8;
	[tilespmem:$0x1A7C0] =	vst v63  }
0x9c: {  	p2 =	sne.s32 s0, $0x3980;
	_ =	swait.ge [sflag:s24], $0x2800  }
0x9d: {  	[sflag:s24] =	ssyncset.done $0x0  }
0x9e: {  	s0 =	sadd.s32 $0xFA0, s31;
	[sflag:s24] =	ssyncadd.s32 $0xFFFFD800  }
0x9f: {  	[spmem:s2] =	stream.indirect.scatter.add.f32 [tilespmem:s22], [sflag:$0x3], $0x80, s0, s21, $0xb8;
	[tilespmem:$0x1A7C0] =	vst v63  }
0xa0: {  	_ =	swait.ge [sflag:s19], $0x2800  }
0xa1: {  	[sflag:s19] =	ssyncset.done $0x0  }
0xa2: {  	s0 =	sadd.s32 $0xA0, s31;
	[sflag:s19] =	ssyncadd.s32 $0xFFFFD800  }
0xa3: {  	[tilespmem:s22], [sflag:$0x1] =	stream.indirect.gather [hbm4b:s4+s21], $0x80, s0, s21, $0xb8;
	[tilespmem:$0x1A7C0] =	vst v63  }
0xa4: {  	_ =	swait.ge [sflag:s25], $0x2800  }
.Ltmp6:
0xa5: {  	[sflag:s25] =	ssyncset.done $0x0;
	(pc) =	sbr.rel @p2 .LBB2_3-.Ltmp6, $4  }
0xa6: {  	s0 =	sadd.s32 $0xFF0, s31;
	[sflag:s25] =	ssyncadd.s32 $0xFFFFD800  }
0xa7: {  	[spmem:s2] =	stream.indirect.scatter.add.f32 [tilespmem:s23], [sflag:$0x3], $0x80, s0, s21, $0xb8;
	[tilespmem:$0x1A7C0] =	vst v63  }
0xa8: {  	_ =	swait.ge [sflag:s19], $0x2800  }
0xa9: {  	s31 =	sshra.s32 s11, $0x2;
	s0 =	smov.u32 s12;
	[sflag:s19] =	ssyncset.done $0x0  }
0xaa: {  	s0 =	sadd.s32 $0x50, s31;
	[sflag:s19] =	ssyncadd.s32 $0xFFFFD800  }
0xab: {  	[tilespmem:s23], [sflag:$0x2] =	stream.indirect.gather [hbm4b:s4+s21], $0x80, s0, s21, $0xb8;
	[tilespmem:$0x1A7C0] =	vst v63  }
0xac: {  	_ =	swait.ge [sflag:s24], $0x2800  }
0xad: {  	[sflag:s24] =	ssyncset.done $0x0  }
0xae: {  	s11 =	sadd.s32 $0xFA0, s31;
	[sflag:s24] =	ssyncadd.s32 $0xFFFFD800  }
0xaf: {  	[spmem:s2] =	stream.indirect.scatter.add.f32 [tilespmem:s22], [sflag:$0x3], $0x80, s11, s21, $0xb8;
	[tilespmem:$0x1A7C0] =	vst v63  }
0xb0: {  	_ =	swait.ge [sflag:s19], $0x2800  }
0xb1: {  	[sflag:s19] =	ssyncset.done $0x0  }
0xb2: {  	s12 =	sadd.s32 $0xA0, s31;
	[sflag:s19] =	ssyncadd.s32 $0xFFFFD800  }
0xb3: {  	[tilespmem:s22], [sflag:$0x1] =	stream.indirect.gather [hbm4b:s4+s21], $0x80, s12, s21, $0xb8;
	[tilespmem:$0x1A7C0] =	vst v63  }
0xb4: {  	_ =	swait.ge [sflag:s25], $0x2800  }
0xb5: {  	[sflag:s25] =	ssyncset.done $0x0  }
0xb6: {  	s31 =	sadd.s32 $0xFF0, s31;
	[sflag:s25] =	ssyncadd.s32 $0xFFFFD800  }
0xb7: {  	[spmem:s2] =	stream.indirect.scatter.add.f32 [tilespmem:s23], [sflag:$0x3], $0x80, s31, s21, $0xb8;
	[tilespmem:$0x1A7C0] =	vst v63  }
0xb8: {  	_ =	swait.ge [sflag:s19], $0x2800  }
0xb9: {  	[sflag:s19] =	ssyncset.done $0x0  }
0xba: {  	[sflag:s19] =	ssyncadd.s32 $0xFFFFD800  }
0xbb: {  	[tilespmem:s23], [sflag:$0x2] =	stream.indirect.gather [hbm4b:s4+s21], $0x80, s26, s21, $0xb8;
	[tilespmem:$0x1A7C0] =	vst v63  }
0xbc: {  	_ =	swait.ge [sflag:s24], $0x2800  }
0xbd: {  	[sflag:s24] =	ssyncset.done $0x0  }
0xbe: {  	[sflag:s24] =	ssyncadd.s32 $0xFFFFD800  }
0xbf: {  	[spmem:s2] =	stream.indirect.scatter.add.f32 [tilespmem:s22], [sflag:$0x3], $0x80, s28, s21, $0xb8;
	[tilespmem:$0x1A7C0] =	vst v63  }
0xc0: {  	_ =	swait.ge [sflag:s19], $0x2800  }
0xc1: {  	[sflag:s19] =	ssyncset.done $0x0  }
0xc2: {  	[sflag:s19] =	ssyncadd.s32 $0xFFFFD800  }
0xc3: {  	s30 =	sadd.s32 $0x1, s30;
	_ =	swait.ge [sflag:s25], $0x2800  }
0xc4: {  	p2 =	sne.s32 s30, $0x5;
	[sflag:s25] =	ssyncset.done $0x0  }
.Ltmp7:
0xc5: {  	[sflag:s25] =	ssyncadd.s32 $0xFFFFD800;
	(pc) =	sbr.rel @p2 .LBB2_2-.Ltmp7, $4  }
0xc6: {  	[spmem:s2] =	stream.indirect.scatter.add.f32 [tilespmem:s23], [sflag:$0x3], $0x80, s29, s21, $0xb8;
	[tilespmem:$0x1A7C0] =	vst v63  }
0xc7: {  	_ =	swait.ge [sflag:s19], $0x2800  }
0xc8: {  	[sflag:s19] =	ssyncset.done $0x0  }
0xc9: {  	[sflag:s19] =	ssyncadd.s32 $0xFFFFD800  }
0xca: {  	[bflag:$0x0] =	sbarrier.arrive $0xFFFF  }
0xcb: {  	s0 =	simm.s32 @p1 $0x1FC3;
	s1 =	rddreg [dreg:$0x3]  }
0xcc: {  	[hbm:s1], [sflag:s0] =	dma.local @p1 [spmem:s16], $0x2080  }
0xcd: {  	s0 =	simm.s32 @p1 $0x3  }
0xce: {  	_ =	swait.ge @p1 [sflag:s0], $0x2080  }
0xcf: {  	[sflag:s0] =	ssyncset.done @p1 $0x0  }
.Ltmp8:
0xd0: {  	[sflag:s0] =	ssyncadd.s32 @p1 $0xFFFFDF80;
	s0 =	simm.s32 @!p1 $0x3;
	(pc) =	sbr.rel .LBB2_10-.Ltmp8, $4  }
0xd1: {  	[hbm:s13], [sflag:s17] =	dma.local @!p1 [spmem:s18], $0x2780  }
0xd2: {  	_ =	swait.ge @!p1 [sflag:s0], $0x2780  }
0xd3: {  	[sflag:s0] =	ssyncset.done @!p1 $0x0  }
0xd4: {  	[sflag:s0] =	ssyncadd.s32 @!p1 $0xFFFFD880  }
.LBB2_11:
0xd5: {  	_ =	sfence.sel $0x180000  }
0xd6: {  	[bflag:$0x0] =	sbarrier.arrive $0xFFFF  }
0xd7: {  	_ =	strace $0x9000004A  }
0xd8: {  	s0 =	stileid.u32;
	[bflag:$0x2] =	sbarrier.arrive $0xFFFF  }
0xd9: {  	p0 =	sne.s32 s0, $0x0;
	s0 =	rddreg [dreg:$0x2]  }
0xda: {  	s0 =	sadd.s32 @!p0 $0x100000, s0  }
0xdb: {  	[sflag:s0] =	ssyncadd.tile.s32 @!p0 $0x1;
	_ =	shalt  }
.Lfunc_end2:
_tile_overlayer_lowered:
.L_overlay_start_2:
0xdc: {  	(tag) =	ssettag $0x2  }
0xdd: {  	s0 =	rddreg [dreg:$0x0];
	s2 =	stileid.u32  }
0xde: {  	s1 =	rddreg [dreg:$0x1];
	p0 =	sne.s32 s2, $0x0  }
0xdf: {  	s3 =	rddreg [dreg:$0x2];
	[bflag:$0x3] =	sbarrier.arrive $0xFFFF;
	s2 =	simm.s32 @!p0 $0x1C03  }
0xe0: {  	[timem:s3], [sflag:s2] =	dma.local @!p0 [hbm:s0], s1  }
0xe1: {  	s0 =	simm.s32 @!p0 $0x3  }
0xe2: {  	_ =	swait.ge @!p0 [sflag:s0], s1  }
0xe3: {  	s1 =	ssub.s32 @!p0 $0x0, s1;
	[sflag:s0] =	ssyncset.done @!p0 $0x0  }
0xe4: {  	[sflag:s0] =	ssyncadd.s32 @!p0 s1  }
0xe5: {  	[bflag:$0x3] =	sbarrier.arrive $0xFFFF  }
0xe6: {  	_ =	shalt  }

// kernel: kernel.7.cloned.1.call-start
scs
__scs_entry_jumppad:
0x0: {  	(pc) =	sbr.rel $0x88, $3  }
0x1: {  	(tag) =	ssettag $0x0;
	lr =	simm.s32 $0x1  }
0x2: {  	[smem:$0x3F96] =	sst lr;
	_ =	strace $0xD0000000  }
0x3: {  	_ = 	snop  }
0x4: {  	_ = 	snop  }
0x5: {  	_ = 	snop  }
0x6: {  	_ = 	snop  }
0x7: {  	_ = 	snop  }
__scs_overlays_trampoline_lowered:
0x8: {  	[smem:$0x3FA5] =	sst s0  }
0x9: {  	[smem:$0x3FA6] =	sst s1  }
0xa: {  	[smem:$0x3FA7] =	sst s2  }
0xb: {  	[smem:$0x3FA8] =	sst s3  }
0xc: {  	[smem:$0x3FA9] =	sst s4  }
0xd: {  	[smem:$0x3FAA] =	sst s5  }
0xe: {  	[smem:$0x3FAB] =	sst s6  }
0xf: {  	[smem:$0x3FAC] =	sst s7  }
0x10: {  	[smem:$0x3FAD] =	sst s8  }
0x11: {  	[smem:$0x3FAE] =	sst s9;
	s0 =	simm.s32 @!p0 $0x0  }
0x12: {  	s1 =	sld [smem:$0x3F94];
	s0 =	simm.s32 @p0 $0x1  }
0x13: {  	[smem:$0x3FAF] =	sst s0;
	s0 =	simm.s32 @!p1 $0x0  }
0x14: {  	s2 =	sld [smem:$0x3F93];
	s0 =	simm.s32 @p1 $0x1  }
0x15: {  	[smem:$0x3FB0] =	sst s0;
	s0 =	simm.s32 @!p2 $0x0  }
0x16: {  	s3 =	sld [smem:$0x3FDB];
	s0 =	simm.s32 @p2 $0x1  }
0x17: {  	s4 =	simm.s32 $0x1BF5;
	[smem:$0x3FB2] =	sst s0  }
0x18: {  	s0 =	sld [smem:$0x3F95];
	_ =	swait.ge [sflag:s4], $0x0  }
0x19: {  	s7 =	sld [smem:$0x3F96]  }
0x1a: {  	s8 =	sadd.s32 $0xFFFFE003, lr  }
0x1b: {  	s9 =	sadd.s32 $0xFFFFFEF7, lr;
	s5 =	simm.s32 $0xFFFFFFFF;
	p2 =	slt.u32 s8, $0xFFFFF086  }
0x1c: {  	p1 =	slt.u32 s9, $0xF7A;
	s5 =	simm.s32 @!p2 $0x0  }
0x1d: {  	s5 =	simm.s32 @p1 $0x1;
	p0 =	seq.s32 s7, s2  }
0x1e: {  	s7 =	smul.u32 @!p0 $0xF7A, s2;
	p2 =	seq.s32 @!p0 s5, $0x0  }
0x1f: {  	s9 =	smul.u32 $0xF7A, s1;
	s8 =	simm.s32 @!p0 $0x1BF5;
	p2 =	por !p2, p0  }
0x20: {  	[sflag:s8] =	ssyncset.s32 @!p0 $0xFFFFF086;
	s6 =	sadd.s32 @!p0 s3, s7;
	s7 =	simm.s32 @!p0 $0x108  }
0x21: {  	s3 =	sadd.s32 s3, s9;
	s6 =	sadd.s32 @!p0 $0x88, s6;
	s7 =	simm.s32 @p2 $0x1082  }
0x22: {  	[simem:s7], [sflag:s8] =	dma.local @!p0 [hbm:s6], $0xF7A  }
0x23: {  	s9 =	sor.u32 $0xD0000000, s2;
	s6 =	simm.s32 $0x108;
	_ =	swait.ge @!p0 [sflag:s8], $0x0  }
0x24: {  	s3 =	sadd.s32 $0x88, s3;
	s6 =	simm.s32 @!p1 $0x1082;
	[sflag:s4] =	ssyncset.s32 $0xFFFFF086  }
0x25: {  	[simem:s6], [sflag:s4] =	dma.local [hbm:s3], $0xF7A  }
0x26: {  	[smem:$0x3F96] =	sst s1;
	(tag) =	ssettag s2;
	_ =	strace s9  }
0x27: {  	s1 =	sld [smem:$0x3FA6]  }
0x28: {  	s2 =	sld [smem:$0x3FA7]  }
0x29: {  	s4 =	sld [smem:$0x3FA9]  }
0x2a: {  	p0 =	seq.s32 s5, $0x0;
	s5 =	sld [smem:$0x3FAA]  }
0x2b: {  	s6 =	sld [smem:$0x3FAB]  }
0x2c: {  	s7 =	sld [smem:$0x3FAC]  }
0x2d: {  	s3 =	simm.s32 $0x108;
	s8 =	sld [smem:$0x3FAD]  }
0x2e: {  	s3 =	simm.s32 @!p0 $0x1082;
	s9 =	sld [smem:$0x3FAE]  }
0x2f: {  	lr =	sadd.s32 s0, s3;
	s0 =	sld [smem:$0x3FA5]  }
0x30: {  	s3 =	sld [smem:$0x3FA8]  }
0x31: {  	[smem:$0x3FB1] =	sst s10  }
0x32: {  	s10 =	sld [smem:$0x3FAF];
	_ =	sdelay $0x3  }
0x33: {  	p0 =	seq.s32 s10, $0x1;
	s10 =	sld [smem:$0x3FB1];
	_ =	sdelay $0x3  }
0x34: {  	[smem:$0x3FB1] =	sst s10  }
0x35: {  	s10 =	sld [smem:$0x3FB0];
	_ =	sdelay $0x3  }
0x36: {  	p1 =	seq.s32 s10, $0x1;
	s10 =	sld [smem:$0x3FB1];
	_ =	sdelay $0x3  }
0x37: {  	[smem:$0x3FB1] =	sst s10  }
0x38: {  	s10 =	sld [smem:$0x3FB2]  }
0x39: {  	_ = 	snop;
	(pc) =	sbr.ind lr, $3  }
0x3a: {  	_ = 	snop  }
0x3b: {  	_ = 	snop  }
0x3c: {  	p2 =	seq.s32 s10, $0x1;
	s10 =	sld [smem:$0x3FB1]  }
0x3d: {  	_ =	shalt  }
0x3e: {  	_ =	shalt  }
0x3f: {  	_ =	shalt  }
0x40: {  	_ =	shalt  }
0x41: {  	_ =	shalt  }
0x42: {  	_ =	shalt  }
0x43: {  	_ =	shalt  }
0x44: {  	_ =	shalt  }
0x45: {  	_ =	shalt  }
0x46: {  	_ =	shalt  }
0x47: {  	_ =	shalt  }
0x48: {  	_ =	shalt  }
0x49: {  	_ =	shalt  }
0x4a: {  	_ =	shalt  }
0x4b: {  	_ =	shalt  }
0x4c: {  	_ =	shalt  }
0x4d: {  	_ =	shalt  }
0x4e: {  	_ =	shalt  }
0x4f: {  	_ =	shalt  }
0x50: {  	_ =	shalt  }
0x51: {  	_ =	shalt  }
0x52: {  	_ =	shalt  }
0x53: {  	_ =	shalt  }
0x54: {  	_ =	shalt  }
0x55: {  	_ =	shalt  }
0x56: {  	_ =	shalt  }
0x57: {  	_ =	shalt  }
0x58: {  	_ =	shalt  }
0x59: {  	_ =	shalt  }
0x5a: {  	_ =	shalt  }
0x5b: {  	_ =	shalt  }
0x5c: {  	_ =	shalt  }
0x5d: {  	_ =	shalt  }
0x5e: {  	_ =	shalt  }
0x5f: {  	_ =	shalt  }
0x60: {  	_ =	shalt  }
0x61: {  	_ =	shalt  }
0x62: {  	_ =	shalt  }
0x63: {  	_ =	shalt  }
0x64: {  	_ =	shalt  }
0x65: {  	_ =	shalt  }
0x66: {  	_ =	shalt  }
0x67: {  	_ =	shalt  }
0x68: {  	_ =	shalt  }
0x69: {  	_ =	shalt  }
0x6a: {  	_ =	shalt  }
0x6b: {  	_ =	shalt  }
0x6c: {  	_ =	shalt  }
0x6d: {  	_ =	shalt  }
0x6e: {  	_ =	shalt  }
0x6f: {  	_ =	shalt  }
0x70: {  	_ =	shalt  }
0x71: {  	_ =	shalt  }
0x72: {  	_ =	shalt  }
0x73: {  	_ =	shalt  }
0x74: {  	_ =	shalt  }
0x75: {  	_ =	shalt  }
0x76: {  	_ =	shalt  }
0x77: {  	_ =	shalt  }
0x78: {  	_ =	shalt  }
0x79: {  	_ =	shalt  }
0x7a: {  	_ =	shalt  }
0x7b: {  	_ =	shalt  }
0x7c: {  	_ =	shalt  }
0x7d: {  	_ =	shalt  }
0x7e: {  	_ =	shalt  }
0x7f: {  	_ =	shalt  }
0x80: {  	_ =	shalt  }
0x81: {  	_ =	shalt  }
0x82: {  	_ =	shalt  }
0x83: {  	_ =	shalt  }
0x84: {  	_ =	shalt  }
0x85: {  	_ =	shalt  }
0x86: {  	_ =	shalt  }
0x87: {  	_ =	shalt  }
.Lfunc_end0:
.L_simem_size_0:
called_computation_lowered:
.L_overlay_start_0:
0x88: {  	s2 =	sld [smem:$0x3FD9]  }
0x89: {  	s3 =	sld [smem:$0x3FFE];
	_ =	sdelay $0x1  }
0x8a: {  	s1 =	srdreg.scid  }
0x8b: {  	s0 =	sand.u32 $0x1, s1  }
0x8c: {  	s17 =	sshll.u32 s0, $0xA;
	s2 =	sadd.s32 s3, s2  }
0x8d: {  	s2 =	sadd.s32 s2, s17  }
0x8e: {  	[smem:$0x3FBD] =	sst s2  }
0x8f: {  	_ = 	snop  }
0x90: {  	s2 =	sld [smem:$0x3FD0];
	(tm) =	ssettm $0x1  }
0x91: {  	s18 =	sld [smem:$0x3FFB];
	_ =	sdelay $0x3  }
0x92: {  	_ =	strace s18  }
0x93: {  	s3 =	sld [smem:$0x3FFC];
	_ =	sdelay $0x3  }
0x94: {  	_ =	strace s3  }
0x95: {  	s3 =	sld [smem:$0x3FFD];
	_ =	sdelay $0x3  }
0x96: {  	_ =	strace s3  }
0x97: {  	_ =	strace $0x8FFFFFFF  }
0x98: {  	s19 =	sld [smem:$0x3FDB];
	_ =	sdelay $0x1  }
0x99: {  	s4 =	simm.s32 $_scs_section_size  }
0x9a: {  	s5 =	simm.s32 $_size__tile_overlayer_lowered;
	s6 =	simm.s32 $_tile_overlayer_lowered  }
0x9b: {  	s22 =	simm.s32 $0x1BFF;
	s21 =	sshll.u32 s6, $0x1;
	s3 =	sadd.s32 s4, s19  }
0x9c: {  	s7 =	simm.s32 $0x0;
	s20 =	sshll.u32 s5, $0x1;
	s5 =	sadd.s32 s21, s3  }
0x9d: {  	[timem:s7], [sflag:s22] =	dma.local [hbm:s5], s20  }
0x9e: {  	_ =	swait.ge [sflag:s22], s20  }
0x9f: {  	s4 =	ssub.s32 $0x0, s20;
	[sflag:s22] =	ssyncset.done $0x0  }
0xa0: {  	[sflag:s22] =	ssyncadd.s32 s4;
	_ =	sdelay $0x1  }
0xa1: {  	s23 =	simm.s32 $0x1B8B  }
0xa2: {  	_ =	swait.ge [sflag:s23], $0x1  }
0xa3: {  	[sflag:s23] =	ssyncset.done $0x0  }
0xa4: {  	s25 =	simm.s32 $0x1B8E;
	s24 =	sld [smem:$0x3FFE];
	[sflag:s23] =	ssyncadd.s32 $0xFFFFFFFF  }
0xa5: {  	s26 =	simm.s32 $execute0_lowered;
	[smem:$0x3FD2] =	sst s25  }
0xa6: {  	s5 =	sshll.u32 s26, $0x1;
	_ =	strace $0x80000046;
	[dreg:$0x1] =	wrdreg $0xFFFFFFFF  }
0xa7: {  	s28 =	simm.s32 $_size_execute0_lowered;
	s3 =	sadd.s32 s3, s5;
	[dreg:$0x0] =	wrdreg $0x0  }
0xa8: {  	s5 =	sshll.u32 s28, $0x1;
	[dreg:$0x2] =	wrdreg s3  }
0xa9: {  	[dreg:$0x3] =	wrdreg s5  }
0xaa: {  	[dreg:$0x4] =	wrdreg $0xC0  }
0xab: {  	_ =	task [dreg:s7], $0x5FFFF  }
0xac: {  	[dreg:$0x1] =	wrdreg $0xFFFFFFFF  }
0xad: {  	[dreg:$0x0] =	wrdreg $0x60  }
0xae: {  	[dreg:$0x2] =	wrdreg s2  }
0xaf: {  	[dreg:$0x3] =	wrdreg s24  }
0xb0: {  	[dreg:$0x4] =	wrdreg $0x74400  }
0xb1: {  	[dreg:$0x5] =	wrdreg $0x1ACC00  }
0xb2: {  	[dreg:$0x6] =	wrdreg $0x9  }
0xb3: {  	_ =	task.clear_ibuf [dreg:s7], $0x7FFFF;
	_ =	strace $0x90000046  }
0xb4: {  	s29 =	simm.s32 $0x9;
	_ =	strace $0x80000048  }
0xb5: {  	_ =	swait.ge [sflag:s29], $0x1  }
0xb6: {  	[sflag:s29] =	ssyncadd.s32 $0xFFFFFFFF  }
0xb7: {  	_ =	strace $0x90000048  }
0xb8: {  	_ =	sfence  }
0xb9: {  	s30 =	sld [smem:$0x0];
	_ =	sdelay $0x2  }
0xba: {  	s31 =	sshll.u32 s1, $0xD;
	s1 =	sshrl.u32 s1, $0x2  }
0xbb: {  	s3 =	sand.u32 $0x4000, s31;
	s1 =	sadd.s32 s1, s30  }
0xbc: {  	s0 =	sor.u32 s3, s0;
	s1 =	sshll.u32 s1, $0x11  }
0xbd: {  	s0 =	sor.u32 s1, s0  }
0xbe: {  	s0 =	sadd.s32 $0x8F2B, s0  }
0xbf: {  	[sflag:s0] =	ssyncadd.remote.s32 $0x1  }
0xc0: {  	_ =	sfence.sel $0xFFFF  }
0xc1: {  	[dreg:$0x0] =	wrdreg $0xFFFFFFFF;
	(pc) =	sbr.abs _section_cstart, $3  }
0xc2: {  	[dreg:$0x1] =	wrdreg $0xFFFFFFFF  }
0xc3: {  	_ =	task.clear_ibuf [dreg:s7], $0x2FFFF;
	_ =	strace $0x9FFFFFFF  }
0xc4: {  	(tm) =	ssettm $0x7FFFFFFF  }
0xc5: {  	_ =	shalt  }
tec
execute0_lowered:
.L_overlay_start_1:
0x0: {  	(tag) =	ssettag $0x1  }
0x1: {  	s1 =	rddreg [dreg:$0x0]  }
0x2: {  	s0 =	rddreg [dreg:$0x1]  }
0x3: {  	s2 =	rddreg [dreg:$0x2]  }
0x4: {  	s4 =	rddreg [dreg:$0x3]  }
0x5: {  	s3 =	simm.s32 $0x0;
	s14 =	stileid.u32;
	s9 =	srdreg.scid  }
0x6: {  	s29 =	simm.s32 $0x6F40;
	s30 =	simm.s32 $0x3;
	s31 =	simm.s32 $0xFA0  }
0x7: {  	[smem:$0x7FF] =	sst s3;
	s6 =	sadd.s32 $0x2C000, s0;
	s24 =	smul.u32 $0x13C00, s14  }
0x8: {  	s7 =	sadd.s32 $0x4C00, s0;
	s5 =	smul.u32 $0x2780, s14;
	s10 =	sadd.s32 $0x53200, s0  }
0x9: {  	s16 =	sadd.s32 $0x128400, s2;
	_ =	strace $0x80000047;
	[dreg:$0x5] =	wrdreg s10  }
0xa: {  	s8 =	sadd.s32 $0x18600, s0;
	s17 =	sadd.s32 $0x7D480, s0;
	[dreg:$0xa] =	wrdreg s16  }
0xb: {  	s9 =	sand.u32 $0x1, s9;
	s18 =	sadd.s32 $0x57E10, s0;
	[dreg:$0xb] =	wrdreg s17  }
0xc: {  	s21 =	sadd.s32 $0xAE680, s0;
	s22 =	sadd.s32 $0x84010, s0;
	[dreg:$0xc] =	wrdreg s18  }
0xd: {  	p1 =	seq.s32 s14, $0xF;
	s28 =	smul.u32 $0x4E20, s14;
	[dreg:$0xf] =	wrdreg s21  }
0xe: {  	s12 =	ssub.s32 $0x2, s9;
	[dreg:$0x10] =	wrdreg s22;
	s25 =	sshrl.u32 s24, $0x3  }
0xf: {  	s11 =	sshrl.u32 s5, $0x3;
	s13 =	sshrl.u32 s12, $0x1;
	s3 =	sadd.s32 s24, s2  }
0x10: {  	s12 =	ssub.s32 s12, s13;
	[dreg:$0x6] =	wrdreg s3;
	s13 =	sadd.s32 s5, s4  }
0x11: {  	s10 =	sadd.s32 s25, s0;
	s25 =	sadd.s32 $0xD5880, s0;
	[dreg:$0x8] =	wrdreg s13  }
0x12: {  	s11 =	sadd.s32 s11, s0;
	s0 =	sadd.s32 $0x89010, s0;
	[dreg:$0x13] =	wrdreg s25  }
0x13: {  	p0 =	seq.s32 s9, $0x1;
	s26 =	sadd.s32 $0x58400, s10;
	[dreg:$0x14] =	wrdreg s0  }
0x14: {  	s17 =	simm.s32 $0x4740;
	s15 =	sadd.s32 $0x53400, s11;
	[dreg:$0x7] =	wrdreg s26  }
0x15: {  	s18 =	simm.s32 $0x1;
	s19 =	sadd.s32 $0x89600, s10;
	[dreg:$0x9] =	wrdreg s15  }
0x16: {  	s21 =	simm.s32 $0x1EA0;
	s20 =	sadd.s32 $0x7F600, s11;
	[dreg:$0xd] =	wrdreg s19  }
.Ltmp0:
0x17: {  	s23 =	sadd.s32 $0xB0800, s10;
	[dreg:$0xe] =	wrdreg s20;
	(pc) =	sbr.rel .LBB2_1-.Ltmp0, $4  }
0x18: {  	s22 =	simm.s32 $0x1EF0;
	s24 =	sadd.s32 $0x84600, s11;
	[dreg:$0x11] =	wrdreg s23  }
0x19: {  	s5 =	simm.s32 $0x1F40;
	s0 =	simm.s32 $0x50;
	[dreg:$0x12] =	wrdreg s24  }
0x1a: {  	s26 =	smax.u32 s12, $0x1;
	s19 =	simm.s32 $0x2;
	s20 =	simm.s32 $0xF50  }
0x1b: {  	s23 =	simm.s32 $0x0;
	[dreg:$0x15] =	wrdreg s26;
	s26 =	sadd.s32 $0x25080, s4  }
.LBB2_10:
0x1c: {  	s23 =	sadd.s32 $0x1, s23;
	s3 =	rddreg [dreg:$0x15]  }
0x1d: {  	p2 =	sne.s32 s23, s3  }
.Ltmp1:
0x1e: {  	_ = 	snop;
	(pc) =	sbr.rel @!p2 .LBB2_11-.Ltmp1, $1  }
0x1f: {  	_ =	sdelay $0x3  }
.LBB2_1:
0x20: {  	s3 =	rddreg [dreg:$0xa]  }
0x21: {  	s9 =	rddreg [dreg:$0xb];
	s11 =	sshrl.u32 @p1 s3, $0x3;
	s3 =	simm.s32 @p1 $0x1FC3  }
0x22: {  	[spmem:s11], [sflag:s3] =	dma.local @p1 [hbm:s9], $0x2080  }
0x23: {  	s9 =	simm.s32 @p1 $0x3  }
0x24: {  	_ =	swait.ge @p1 [sflag:s9], $0x2080  }
0x25: {  	[sflag:s9] =	ssyncset.done @p1 $0x0  }
0x26: {  	s10 =	sshrl.u32 @p1 s26, $0x3;
	s12 =	rddreg [dreg:$0xc];
	[sflag:s9] =	ssyncadd.s32 @p1 $0xFFFFDF80  }
0x27: {  	[spmem:s10], [sflag:s3] =	dma.local @p1 [hbm:s12], $0x410  }
0x28: {  	s3 =	stileid.u32  }
0x29: {  	s12 =	simm.s32 @!p1 $0x3;
	_ =	swait.ge @p1 [sflag:s9], $0x410;
	s3 =	sshll.u32 @!p1 s3, $0x6  }
0x2a: {  	[sflag:s9] =	ssyncset.done @p1 $0x0;
	s24 =	sor.u32 @!p1 $0x1C03, s3;
	s3 =	rddreg [dreg:$0x6]  }
0x2b: {  	[sflag:s9] =	ssyncadd.s32 @p1 $0xFFFFFBF0;
	s9 =	sshrl.u32 @!p1 s3, $0x3;
	s3 =	rddreg [dreg:$0x7]  }
0x2c: {  	[spmem:s9], [sflag:s24] =	dma.local @!p1 [hbm:s3], $0x2780  }
0x2d: {  	_ =	swait.ge @!p1 [sflag:s12], $0x2780  }
0x2e: {  	[sflag:s12] =	ssyncset.done @!p1 $0x0;
	s3 =	rddreg [dreg:$0x8]  }
0x2f: {  	s13 =	rddreg [dreg:$0x9];
	[sflag:s12] =	ssyncadd.s32 @!p1 $0xFFFFD880;
	s3 =	sshrl.u32 @!p1 s3, $0x3  }
0x30: {  	[spmem:s3], [sflag:s24] =	dma.local @!p1 [hbm:s13], $0x4F0  }
0x31: {  	_ =	swait.ge @!p1 [sflag:s12], $0x4F0  }
0x32: {  	[sflag:s12] =	ssyncset.done @!p1 $0x0  }
0x33: {  	s16 =	simm.s32 $0x0;
	s25 =	rddreg [dreg:$0x5];
	[sflag:s12] =	ssyncadd.s32 @!p1 $0xFFFFFB10  }
0x34: {  	[tilespmem:s29], [sflag:$0x3] =	stream.linear.gather [hbm4b:s25+s16], $0x500, $0x38;
	[tilespmem:$0x1D3D0] =	vst v63  }
.Ltmp2:
0x35: {  	_ =	swait.ge [sflag:s30], $0x500;
	(pc) =	sbr.rel @!p0 .LBB2_2-.Ltmp2, $4  }
0x36: {  	[sflag:s30] =	ssyncset.done $0x0  }
0x37: {  	[sflag:s30] =	ssyncadd.s32 $0xFFFFFB00  }
0x38: {  	[bflag:$0x0] =	sbarrier.arrive $0xFFFF  }
0x39: {  	s13 =	simm.s32 $0x0;
	s12 =	simm.s32 $0x0  }
.LBB2_6:
0x3a: {  	s12 =	smul.u32 $0xFA0, s13;
	_ =	sdelay $0x1  }
0x3b: {  	s12 =	sadd.s32 s28, s12  }
0x3c: {  	s12 =	sshrl.u32 s12, $0x3  }
0x3d: {  	s14 =	simm.s32 $0x0;
	s12 =	sadd.s32 s8, s12  }
0x3e: {  	[tilespmem:s14], [sflag:$0x3] =	stream.linear.gather [hbm4b:s12+s14], $0xFA0, $0x38;
	[tilespmem:$0x1D3D0] =	vst v63  }
0x3f: {  	_ =	swait.ge [sflag:s30], $0xFA0  }
0x40: {  	[sflag:s30] =	ssyncset.done $0x0  }
0x41: {  	s12 =	sadd.s32 $0x9C40, s12;
	[sflag:s30] =	ssyncadd.s32 $0xFFFFF060  }
0x42: {  	[tilespmem:s31], [sflag:$0x3] =	stream.linear.gather [hbm4b:s12+s14], $0xFA0, $0x38;
	[tilespmem:$0x1D3D0] =	vst v63  }
0x43: {  	_ =	swait.ge [sflag:s30], $0xFA0  }
0x44: {  	[sflag:s30] =	ssyncset.done $0x0  }
0x45: {  	[sflag:s30] =	ssyncadd.s32 $0xFFFFF060  }
0x46: {  	[tilespmem:s5], [sflag:$0x1] =	stream.indirect.gather [hbm4b:s6+s0], $0x80, s14, s0, $0xb8;
	[tilespmem:$0x1D3D0] =	vst v63  }
0x47: {  	s14 =	simm.s32 $0x50  }
0x48: {  	[tilespmem:s17], [sflag:$0x2] =	stream.indirect.gather [hbm4b:s6+s0], $0x80, s14, s0, $0xb8;
	[tilespmem:$0x1D3D0] =	vst v63  }
0x49: {  	_ =	swait.ge [sflag:s18], $0x2800  }
0x4a: {  	[sflag:s18] =	ssyncset.done $0x0  }
0x4b: {  	s15 =	simm.s32 $0xFA0;
	[sflag:s18] =	ssyncadd.s32 $0xFFFFD800  }
0x4c: {  	[spmem:s2] =	stream.indirect.scatter.add.f32 [tilespmem:s5], [sflag:$0x3], $0x80, s15, s0, $0xb8;
	[tilespmem:$0x1D3D0] =	vst v63  }
0x4d: {  	_ =	swait.ge [sflag:s30], $0x2800  }
0x4e: {  	[sflag:s30] =	ssyncset.done $0x0  }
0x4f: {  	[sflag:s30] =	ssyncadd.s32 $0xFFFFD800  }
0x50: {  	[spmem:s4] =	stream.indirect.scatter.add.f32 [tilespmem:s29], [sflag:$0x3], $0x10, s15, s0, $0xb8;
	[tilespmem:$0x1D3D0] =	vst v63  }
0x51: {  	_ =	swait.ge [sflag:s30], $0x500  }
0x52: {  	[sflag:s30] =	ssyncset.done $0x0  }
0x53: {  	s16 =	simm.s32 $0xA0;
	[sflag:s30] =	ssyncadd.s32 $0xFFFFFB00  }
0x54: {  	[tilespmem:s5], [sflag:$0x1] =	stream.indirect.gather [hbm4b:s6+s0], $0x80, s16, s0, $0xb8;
	[tilespmem:$0x1D3D0] =	vst v63  }
0x55: {  	_ =	swait.ge [sflag:s19], $0x2800  }
0x56: {  	[sflag:s19] =	ssyncset.done $0x0  }
0x57: {  	s25 =	simm.s32 $0xFF0;
	[sflag:s19] =	ssyncadd.s32 $0xFFFFD800  }
0x58: {  	[spmem:s2] =	stream.indirect.scatter.add.f32 [tilespmem:s17], [sflag:$0x3], $0x80, s25, s0, $0xb8;
	[tilespmem:$0x1D3D0] =	vst v63  }
0x59: {  	_ =	swait.ge [sflag:s30], $0x2800  }
0x5a: {  	[sflag:s30] =	ssyncset.done $0x0  }
0x5b: {  	[sflag:s30] =	ssyncadd.s32 $0xFFFFD800  }
0x5c: {  	[spmem:s4] =	stream.indirect.scatter.add.f32 [tilespmem:s29], [sflag:$0x3], $0x10, s25, s0, $0xb8;
	[tilespmem:$0x1D3D0] =	vst v63  }
0x5d: {  	_ =	swait.ge [sflag:s30], $0x500  }
0x5e: {  	s12 =	simm.s32 $0xA0;
	s14 =	simm.s32 $0x500;
	[sflag:s30] =	ssyncset.done $0x0  }
.LBB2_7:
0x5f: {  	s15 =	sadd.s32 $0x50, s12  }
0x60: {  	[sflag:s30] =	ssyncadd.s32 $0xFFFFFB00;
	s16 =	smov.u32 s14;
	s25 =	sadd.s32 $0x280, s14  }
0x61: {  	[tilespmem:s17], [sflag:$0x2] =	stream.indirect.gather [hbm4b:s6+s0], $0x80, s15, s0, $0xb8;
	[tilespmem:$0x1D3D0] =	vst v63  }
0x62: {  	p2 =	sne.s32 s14, $0x3980;
	_ =	swait.ge [sflag:s18], $0x2800  }
0x63: {  	[sflag:s18] =	ssyncset.done $0x0  }
0x64: {  	s14 =	sadd.s32 $0xFA0, s12;
	[sflag:s18] =	ssyncadd.s32 $0xFFFFD800  }
0x65: {  	[spmem:s2] =	stream.indirect.scatter.add.f32 [tilespmem:s5], [sflag:$0x3], $0x80, s14, s0, $0xb8;
	[tilespmem:$0x1D3D0] =	vst v63  }
0x66: {  	_ =	swait.ge [sflag:s30], $0x2800  }
0x67: {  	[sflag:s30] =	ssyncset.done $0x0  }
0x68: {  	[sflag:s30] =	ssyncadd.s32 $0xFFFFD800  }
0x69: {  	[spmem:s4] =	stream.indirect.scatter.add.f32 [tilespmem:s29], [sflag:$0x3], $0x10, s14, s0, $0xb8;
	[tilespmem:$0x1D3D0] =	vst v63  }
0x6a: {  	_ =	swait.ge [sflag:s30], $0x500  }
0x6b: {  	[sflag:s30] =	ssyncset.done $0x0  }
0x6c: {  	s14 =	sadd.s32 $0xA0, s12;
	[sflag:s30] =	ssyncadd.s32 $0xFFFFFB00  }
0x6d: {  	[tilespmem:s5], [sflag:$0x1] =	stream.indirect.gather [hbm4b:s6+s0], $0x80, s14, s0, $0xb8;
	[tilespmem:$0x1D3D0] =	vst v63  }
0x6e: {  	_ =	swait.ge [sflag:s19], $0x2800  }
0x6f: {  	[sflag:s19] =	ssyncset.done $0x0  }
0x70: {  	s12 =	sadd.s32 $0xFF0, s12;
	[sflag:s19] =	ssyncadd.s32 $0xFFFFD800  }
0x71: {  	[spmem:s2] =	stream.indirect.scatter.add.f32 [tilespmem:s17], [sflag:$0x3], $0x80, s12, s0, $0xb8;
	[tilespmem:$0x1D3D0] =	vst v63  }
0x72: {  	_ =	swait.ge [sflag:s30], $0x2800  }
.Ltmp3:
0x73: {  	[sflag:s30] =	ssyncset.done $0x0;
	(pc) =	sbr.rel @p2 .LBB2_7-.Ltmp3, $4  }
0x74: {  	[sflag:s30] =	ssyncadd.s32 $0xFFFFD800  }
0x75: {  	[spmem:s4] =	stream.indirect.scatter.add.f32 [tilespmem:s29], [sflag:$0x3], $0x10, s12, s0, $0xb8;
	[tilespmem:$0x1D3D0] =	vst v63  }
0x76: {  	_ =	swait.ge [sflag:s30], $0x500  }
0x77: {  	s14 =	smov.u32 s25;
	s12 =	sshra.s32 s16, $0x2;
	[sflag:s30] =	ssyncset.done $0x0  }
0x78: {  	s14 =	sadd.s32 $0x50, s12;
	[sflag:s30] =	ssyncadd.s32 $0xFFFFFB00  }
0x79: {  	[tilespmem:s17], [sflag:$0x2] =	stream.indirect.gather [hbm4b:s6+s0], $0x80, s14, s0, $0xb8;
	[tilespmem:$0x1D3D0] =	vst v63  }
0x7a: {  	_ =	swait.ge [sflag:s18], $0x2800  }
0x7b: {  	[sflag:s18] =	ssyncset.done $0x0  }
0x7c: {  	s15 =	sadd.s32 $0xFA0, s12;
	[sflag:s18] =	ssyncadd.s32 $0xFFFFD800  }
0x7d: {  	[spmem:s2] =	stream.indirect.scatter.add.f32 [tilespmem:s5], [sflag:$0x3], $0x80, s15, s0, $0xb8;
	[tilespmem:$0x1D3D0] =	vst v63  }
0x7e: {  	_ =	swait.ge [sflag:s30], $0x2800  }
0x7f: {  	[sflag:s30] =	ssyncset.done $0x0  }
0x80: {  	[sflag:s30] =	ssyncadd.s32 $0xFFFFD800  }
0x81: {  	[spmem:s4] =	stream.indirect.scatter.add.f32 [tilespmem:s29], [sflag:$0x3], $0x10, s15, s0, $0xb8;
	[tilespmem:$0x1D3D0] =	vst v63  }
0x82: {  	_ =	swait.ge [sflag:s30], $0x500  }
0x83: {  	[sflag:s30] =	ssyncset.done $0x0  }
0x84: {  	s16 =	sadd.s32 $0xA0, s12;
	[sflag:s30] =	ssyncadd.s32 $0xFFFFFB00  }
0x85: {  	[tilespmem:s5], [sflag:$0x1] =	stream.indirect.gather [hbm4b:s6+s0], $0x80, s16, s0, $0xb8;
	[tilespmem:$0x1D3D0] =	vst v63  }
0x86: {  	_ =	swait.ge [sflag:s19], $0x2800  }
0x87: {  	[sflag:s19] =	ssyncset.done $0x0  }
0x88: {  	s25 =	sadd.s32 $0xFF0, s12;
	[sflag:s19] =	ssyncadd.s32 $0xFFFFD800  }
0x89: {  	[spmem:s2] =	stream.indirect.scatter.add.f32 [tilespmem:s17], [sflag:$0x3], $0x80, s25, s0, $0xb8;
	[tilespmem:$0x1D3D0] =	vst v63  }
0x8a: {  	_ =	swait.ge [sflag:s30], $0x2800  }
0x8b: {  	[sflag:s30] =	ssyncset.done $0x0  }
0x8c: {  	[sflag:s30] =	ssyncadd.s32 $0xFFFFD800  }
0x8d: {  	[spmem:s4] =	stream.indirect.scatter.add.f32 [tilespmem:s29], [sflag:$0x3], $0x10, s25, s0, $0xb8;
	[tilespmem:$0x1D3D0] =	vst v63  }
0x8e: {  	_ =	swait.ge [sflag:s30], $0x500  }
0x8f: {  	[sflag:s30] =	ssyncset.done $0x0  }
0x90: {  	[sflag:s30] =	ssyncadd.s32 $0xFFFFFB00  }
0x91: {  	[tilespmem:s17], [sflag:$0x2] =	stream.indirect.gather [hbm4b:s6+s0], $0x80, s20, s0, $0xb8;
	[tilespmem:$0x1D3D0] =	vst v63  }
0x92: {  	_ =	swait.ge [sflag:s18], $0x2800  }
0x93: {  	[sflag:s18] =	ssyncset.done $0x0  }
0x94: {  	[sflag:s18] =	ssyncadd.s32 $0xFFFFD800  }
0x95: {  	[spmem:s2] =	stream.indirect.scatter.add.f32 [tilespmem:s5], [sflag:$0x3], $0x80, s21, s0, $0xb8;
	[tilespmem:$0x1D3D0] =	vst v63  }
0x96: {  	_ =	swait.ge [sflag:s30], $0x2800  }
0x97: {  	[sflag:s30] =	ssyncset.done $0x0  }
0x98: {  	[sflag:s30] =	ssyncadd.s32 $0xFFFFD800  }
0x99: {  	[spmem:s4] =	stream.indirect.scatter.add.f32 [tilespmem:s29], [sflag:$0x3], $0x10, s21, s0, $0xb8;
	[tilespmem:$0x1D3D0] =	vst v63  }
0x9a: {  	_ =	swait.ge [sflag:s30], $0x500  }
0x9b: {  	[sflag:s30] =	ssyncset.done $0x0  }
0x9c: {  	[sflag:s30] =	ssyncadd.s32 $0xFFFFFB00  }
0x9d: {  	_ =	swait.ge [sflag:s19], $0x2800  }
0x9e: {  	[sflag:s19] =	ssyncset.done $0x0  }
0x9f: {  	[sflag:s19] =	ssyncadd.s32 $0xFFFFD800  }
0xa0: {  	[spmem:s2] =	stream.indirect.scatter.add.f32 [tilespmem:s17], [sflag:$0x3], $0x80, s22, s0, $0xb8;
	[tilespmem:$0x1D3D0] =	vst v63  }
0xa1: {  	s13 =	sadd.s32 $0x1, s13;
	_ =	swait.ge [sflag:s30], $0x2800  }
0xa2: {  	p2 =	sne.s32 s13, $0x5;
	[sflag:s30] =	ssyncset.done $0x0  }
.Ltmp4:
0xa3: {  	[sflag:s30] =	ssyncadd.s32 $0xFFFFD800;
	(pc) =	sbr.rel @p2 .LBB2_6-.Ltmp4, $4  }
0xa4: {  	[spmem:s4] =	stream.indirect.scatter.add.f32 [tilespmem:s29], [sflag:$0x3], $0x10, s22, s0, $0xb8;
	[tilespmem:$0x1D3D0] =	vst v63  }
0xa5: {  	_ =	swait.ge [sflag:s30], $0x500  }
0xa6: {  	[sflag:s30] =	ssyncset.done $0x0  }
0xa7: {  	[sflag:s30] =	ssyncadd.s32 $0xFFFFFB00  }
0xa8: {  	[bflag:$0x0] =	sbarrier.arrive $0xFFFF  }
0xa9: {  	s12 =	simm.s32 @p1 $0x1FC3;
	s13 =	rddreg [dreg:$0x13]  }
0xaa: {  	[hbm:s13], [sflag:s12] =	dma.local @p1 [spmem:s11], $0x2080  }
0xab: {  	s11 =	simm.s32 @p1 $0x3  }
0xac: {  	_ =	swait.ge @p1 [sflag:s11], $0x2080  }
0xad: {  	[sflag:s11] =	ssyncset.done @p1 $0x0  }
0xae: {  	s13 =	rddreg [dreg:$0x14];
	[sflag:s11] =	ssyncadd.s32 @p1 $0xFFFFDF80  }
0xaf: {  	[hbm:s13], [sflag:s12] =	dma.local @p1 [spmem:s10], $0x410  }
0xb0: {  	_ =	swait.ge @p1 [sflag:s11], $0x410  }
0xb1: {  	[sflag:s11] =	ssyncset.done @p1 $0x0  }
0xb2: {  	s10 =	rddreg [dreg:$0x11];
	[sflag:s11] =	ssyncadd.s32 @p1 $0xFFFFFBF0  }
0xb3: {  	[hbm:s10], [sflag:s24] =	dma.local @!p1 [spmem:s9], $0x2780  }
0xb4: {  	s9 =	simm.s32 @!p1 $0x3  }
0xb5: {  	_ =	swait.ge @!p1 [sflag:s9], $0x2780  }
0xb6: {  	[sflag:s9] =	ssyncset.done @!p1 $0x0  }
.Ltmp5:
0xb7: {  	s10 =	rddreg [dreg:$0x12];
	[sflag:s9] =	ssyncadd.s32 @!p1 $0xFFFFD880;
	(pc) =	sbr.rel .LBB2_10-.Ltmp5, $4  }
0xb8: {  	[hbm:s10], [sflag:s24] =	dma.local @!p1 [spmem:s3], $0x4F0  }
0xb9: {  	_ =	swait.ge @!p1 [sflag:s9], $0x4F0  }
0xba: {  	[sflag:s9] =	ssyncset.done @!p1 $0x0  }
0xbb: {  	[sflag:s9] =	ssyncadd.s32 @!p1 $0xFFFFFB10  }
.LBB2_2:
0xbc: {  	s13 =	smul.u32 $0xFA0, s12;
	_ =	sdelay $0x1  }
0xbd: {  	s13 =	sadd.s32 s28, s13  }
0xbe: {  	s13 =	sshrl.u32 s13, $0x3  }
0xbf: {  	s14 =	simm.s32 $0x0;
	s13 =	sadd.s32 s7, s13  }
0xc0: {  	[tilespmem:s14], [sflag:$0x3] =	stream.linear.gather [hbm4b:s13+s14], $0xFA0, $0x38;
	[tilespmem:$0x1D3D0] =	vst v63  }
0xc1: {  	_ =	swait.ge [sflag:s30], $0xFA0  }
0xc2: {  	[sflag:s30] =	ssyncset.done $0x0  }
0xc3: {  	s13 =	sadd.s32 $0x9C40, s13;
	[sflag:s30] =	ssyncadd.s32 $0xFFFFF060  }
0xc4: {  	[tilespmem:s31], [sflag:$0x3] =	stream.linear.gather [hbm4b:s13+s14], $0xFA0, $0x38;
	[tilespmem:$0x1D3D0] =	vst v63  }
0xc5: {  	_ =	swait.ge [sflag:s30], $0xFA0  }
0xc6: {  	[sflag:s30] =	ssyncset.done $0x0  }
0xc7: {  	[sflag:s30] =	ssyncadd.s32 $0xFFFFF060  }
0xc8: {  	[tilespmem:s5], [sflag:$0x1] =	stream.indirect.gather [hbm4b:s1+s0], $0x80, s14, s0, $0xb8;
	[tilespmem:$0x1D3D0] =	vst v63  }
0xc9: {  	s14 =	simm.s32 $0x50  }
0xca: {  	[tilespmem:s17], [sflag:$0x2] =	stream.indirect.gather [hbm4b:s1+s0], $0x80, s14, s0, $0xb8;
	[tilespmem:$0x1D3D0] =	vst v63  }
0xcb: {  	_ =	swait.ge [sflag:s18], $0x2800  }
0xcc: {  	[sflag:s18] =	ssyncset.done $0x0  }
0xcd: {  	s15 =	simm.s32 $0xFA0;
	[sflag:s18] =	ssyncadd.s32 $0xFFFFD800  }
0xce: {  	[spmem:s2] =	stream.indirect.scatter.add.f32 [tilespmem:s5], [sflag:$0x3], $0x80, s15, s0, $0xb8;
	[tilespmem:$0x1D3D0] =	vst v63  }
0xcf: {  	_ =	swait.ge [sflag:s30], $0x2800  }
0xd0: {  	[sflag:s30] =	ssyncset.done $0x0  }
0xd1: {  	[sflag:s30] =	ssyncadd.s32 $0xFFFFD800  }
0xd2: {  	[spmem:s4] =	stream.indirect.scatter.add.f32 [tilespmem:s29], [sflag:$0x3], $0x10, s15, s0, $0xb8;
	[tilespmem:$0x1D3D0] =	vst v63  }
0xd3: {  	_ =	swait.ge [sflag:s30], $0x500  }
0xd4: {  	[sflag:s30] =	ssyncset.done $0x0  }
0xd5: {  	s16 =	simm.s32 $0xA0;
	[sflag:s30] =	ssyncadd.s32 $0xFFFFFB00  }
0xd6: {  	[tilespmem:s5], [sflag:$0x1] =	stream.indirect.gather [hbm4b:s1+s0], $0x80, s16, s0, $0xb8;
	[tilespmem:$0x1D3D0] =	vst v63  }
0xd7: {  	_ =	swait.ge [sflag:s19], $0x2800  }
0xd8: {  	[sflag:s19] =	ssyncset.done $0x0  }
0xd9: {  	s25 =	simm.s32 $0xFF0;
	[sflag:s19] =	ssyncadd.s32 $0xFFFFD800  }
0xda: {  	[spmem:s2] =	stream.indirect.scatter.add.f32 [tilespmem:s17], [sflag:$0x3], $0x80, s25, s0, $0xb8;
	[tilespmem:$0x1D3D0] =	vst v63  }
0xdb: {  	_ =	swait.ge [sflag:s30], $0x2800  }
0xdc: {  	[sflag:s30] =	ssyncset.done $0x0  }
0xdd: {  	[sflag:s30] =	ssyncadd.s32 $0xFFFFD800  }
0xde: {  	[spmem:s4] =	stream.indirect.scatter.add.f32 [tilespmem:s29], [sflag:$0x3], $0x10, s25, s0, $0xb8;
	[tilespmem:$0x1D3D0] =	vst v63  }
0xdf: {  	_ =	swait.ge [sflag:s30], $0x500  }
0xe0: {  	s13 =	simm.s32 $0xA0;
	s14 =	simm.s32 $0x500;
	[sflag:s30] =	ssyncset.done $0x0  }
.LBB2_3:
0xe1: {  	s15 =	sadd.s32 $0x50, s13  }
0xe2: {  	[sflag:s30] =	ssyncadd.s32 $0xFFFFFB00;
	s16 =	smov.u32 s14;
	s25 =	sadd.s32 $0x280, s14  }
0xe3: {  	[tilespmem:s17], [sflag:$0x2] =	stream.indirect.gather [hbm4b:s1+s0], $0x80, s15, s0, $0xb8;
	[tilespmem:$0x1D3D0] =	vst v63  }
0xe4: {  	p2 =	sne.s32 s14, $0x3980;
	_ =	swait.ge [sflag:s18], $0x2800  }
0xe5: {  	[sflag:s18] =	ssyncset.done $0x0  }
0xe6: {  	s14 =	sadd.s32 $0xFA0, s13;
	[sflag:s18] =	ssyncadd.s32 $0xFFFFD800  }
0xe7: {  	[spmem:s2] =	stream.indirect.scatter.add.f32 [tilespmem:s5], [sflag:$0x3], $0x80, s14, s0, $0xb8;
	[tilespmem:$0x1D3D0] =	vst v63  }
0xe8: {  	_ =	swait.ge [sflag:s30], $0x2800  }
0xe9: {  	[sflag:s30] =	ssyncset.done $0x0  }
0xea: {  	[sflag:s30] =	ssyncadd.s32 $0xFFFFD800  }
0xeb: {  	[spmem:s4] =	stream.indirect.scatter.add.f32 [tilespmem:s29], [sflag:$0x3], $0x10, s14, s0, $0xb8;
	[tilespmem:$0x1D3D0] =	vst v63  }
0xec: {  	_ =	swait.ge [sflag:s30], $0x500  }
0xed: {  	[sflag:s30] =	ssyncset.done $0x0  }
0xee: {  	s14 =	sadd.s32 $0xA0, s13;
	[sflag:s30] =	ssyncadd.s32 $0xFFFFFB00  }
0xef: {  	[tilespmem:s5], [sflag:$0x1] =	stream.indirect.gather [hbm4b:s1+s0], $0x80, s14, s0, $0xb8;
	[tilespmem:$0x1D3D0] =	vst v63  }
0xf0: {  	_ =	swait.ge [sflag:s19], $0x2800  }
0xf1: {  	[sflag:s19] =	ssyncset.done $0x0  }
0xf2: {  	s13 =	sadd.s32 $0xFF0, s13;
	[sflag:s19] =	ssyncadd.s32 $0xFFFFD800  }
0xf3: {  	[spmem:s2] =	stream.indirect.scatter.add.f32 [tilespmem:s17], [sflag:$0x3], $0x80, s13, s0, $0xb8;
	[tilespmem:$0x1D3D0] =	vst v63  }
0xf4: {  	_ =	swait.ge [sflag:s30], $0x2800  }
.Ltmp6:
0xf5: {  	[sflag:s30] =	ssyncset.done $0x0;
	(pc) =	sbr.rel @p2 .LBB2_3-.Ltmp6, $4  }
0xf6: {  	[sflag:s30] =	ssyncadd.s32 $0xFFFFD800  }
0xf7: {  	[spmem:s4] =	stream.indirect.scatter.add.f32 [tilespmem:s29], [sflag:$0x3], $0x10, s13, s0, $0xb8;
	[tilespmem:$0x1D3D0] =	vst v63  }
0xf8: {  	_ =	swait.ge [sflag:s30], $0x500  }
0xf9: {  	s14 =	smov.u32 s25;
	s13 =	sshra.s32 s16, $0x2;
	[sflag:s30] =	ssyncset.done $0x0  }
0xfa: {  	s14 =	sadd.s32 $0x50, s13;
	[sflag:s30] =	ssyncadd.s32 $0xFFFFFB00  }
0xfb: {  	[tilespmem:s17], [sflag:$0x2] =	stream.indirect.gather [hbm4b:s1+s0], $0x80, s14, s0, $0xb8;
	[tilespmem:$0x1D3D0] =	vst v63  }
0xfc: {  	_ =	swait.ge [sflag:s18], $0x2800  }
0xfd: {  	[sflag:s18] =	ssyncset.done $0x0  }
0xfe: {  	s15 =	sadd.s32 $0xFA0, s13;
	[sflag:s18] =	ssyncadd.s32 $0xFFFFD800  }
0xff: {  	[spmem:s2] =	stream.indirect.scatter.add.f32 [tilespmem:s5], [sflag:$0x3], $0x80, s15, s0, $0xb8;
	[tilespmem:$0x1D3D0] =	vst v63  }
0x100: {  	_ =	swait.ge [sflag:s30], $0x2800  }
0x101: {  	[sflag:s30] =	ssyncset.done $0x0  }
0x102: {  	[sflag:s30] =	ssyncadd.s32 $0xFFFFD800  }
0x103: {  	[spmem:s4] =	stream.indirect.scatter.add.f32 [tilespmem:s29], [sflag:$0x3], $0x10, s15, s0, $0xb8;
	[tilespmem:$0x1D3D0] =	vst v63  }
0x104: {  	_ =	swait.ge [sflag:s30], $0x500  }
0x105: {  	[sflag:s30] =	ssyncset.done $0x0  }
0x106: {  	s16 =	sadd.s32 $0xA0, s13;
	[sflag:s30] =	ssyncadd.s32 $0xFFFFFB00  }
0x107: {  	[tilespmem:s5], [sflag:$0x1] =	stream.indirect.gather [hbm4b:s1+s0], $0x80, s16, s0, $0xb8;
	[tilespmem:$0x1D3D0] =	vst v63  }
0x108: {  	_ =	swait.ge [sflag:s19], $0x2800  }
0x109: {  	[sflag:s19] =	ssyncset.done $0x0  }
0x10a: {  	s25 =	sadd.s32 $0xFF0, s13;
	[sflag:s19] =	ssyncadd.s32 $0xFFFFD800  }
0x10b: {  	[spmem:s2] =	stream.indirect.scatter.add.f32 [tilespmem:s17], [sflag:$0x3], $0x80, s25, s0, $0xb8;
	[tilespmem:$0x1D3D0] =	vst v63  }
0x10c: {  	_ =	swait.ge [sflag:s30], $0x2800  }
0x10d: {  	[sflag:s30] =	ssyncset.done $0x0  }
0x10e: {  	[sflag:s30] =	ssyncadd.s32 $0xFFFFD800  }
0x10f: {  	[spmem:s4] =	stream.indirect.scatter.add.f32 [tilespmem:s29], [sflag:$0x3], $0x10, s25, s0, $0xb8;
	[tilespmem:$0x1D3D0] =	vst v63  }
0x110: {  	_ =	swait.ge [sflag:s30], $0x500  }
0x111: {  	[sflag:s30] =	ssyncset.done $0x0  }
0x112: {  	[sflag:s30] =	ssyncadd.s32 $0xFFFFFB00  }
0x113: {  	[tilespmem:s17], [sflag:$0x2] =	stream.indirect.gather [hbm4b:s1+s0], $0x80, s20, s0, $0xb8;
	[tilespmem:$0x1D3D0] =	vst v63  }
0x114: {  	_ =	swait.ge [sflag:s18], $0x2800  }
0x115: {  	[sflag:s18] =	ssyncset.done $0x0  }
0x116: {  	[sflag:s18] =	ssyncadd.s32 $0xFFFFD800  }
0x117: {  	[spmem:s2] =	stream.indirect.scatter.add.f32 [tilespmem:s5], [sflag:$0x3], $0x80, s21, s0, $0xb8;
	[tilespmem:$0x1D3D0] =	vst v63  }
0x118: {  	_ =	swait.ge [sflag:s30], $0x2800  }
0x119: {  	[sflag:s30] =	ssyncset.done $0x0  }
0x11a: {  	[sflag:s30] =	ssyncadd.s32 $0xFFFFD800  }
0x11b: {  	[spmem:s4] =	stream.indirect.scatter.add.f32 [tilespmem:s29], [sflag:$0x3], $0x10, s21, s0, $0xb8;
	[tilespmem:$0x1D3D0] =	vst v63  }
0x11c: {  	_ =	swait.ge [sflag:s30], $0x500  }
0x11d: {  	[sflag:s30] =	ssyncset.done $0x0  }
0x11e: {  	[sflag:s30] =	ssyncadd.s32 $0xFFFFFB00  }
0x11f: {  	_ =	swait.ge [sflag:s19], $0x2800  }
0x120: {  	[sflag:s19] =	ssyncset.done $0x0  }
0x121: {  	[sflag:s19] =	ssyncadd.s32 $0xFFFFD800  }
0x122: {  	[spmem:s2] =	stream.indirect.scatter.add.f32 [tilespmem:s17], [sflag:$0x3], $0x80, s22, s0, $0xb8;
	[tilespmem:$0x1D3D0] =	vst v63  }
0x123: {  	s12 =	sadd.s32 $0x1, s12;
	_ =	swait.ge [sflag:s30], $0x2800  }
0x124: {  	p2 =	sne.s32 s12, $0x5;
	[sflag:s30] =	ssyncset.done $0x0  }
.Ltmp7:
0x125: {  	[sflag:s30] =	ssyncadd.s32 $0xFFFFD800;
	(pc) =	sbr.rel @p2 .LBB2_2-.Ltmp7, $4  }
0x126: {  	[spmem:s4] =	stream.indirect.scatter.add.f32 [tilespmem:s29], [sflag:$0x3], $0x10, s22, s0, $0xb8;
	[tilespmem:$0x1D3D0] =	vst v63  }
0x127: {  	_ =	swait.ge [sflag:s30], $0x500  }
0x128: {  	[sflag:s30] =	ssyncset.done $0x0  }
0x129: {  	[sflag:s30] =	ssyncadd.s32 $0xFFFFFB00  }
0x12a: {  	[bflag:$0x0] =	sbarrier.arrive $0xFFFF  }
0x12b: {  	s12 =	simm.s32 @p1 $0x1FC3;
	s13 =	rddreg [dreg:$0xf]  }
0x12c: {  	[hbm:s13], [sflag:s12] =	dma.local @p1 [spmem:s11], $0x2080  }
0x12d: {  	s11 =	simm.s32 @p1 $0x3  }
0x12e: {  	_ =	swait.ge @p1 [sflag:s11], $0x2080  }
0x12f: {  	[sflag:s11] =	ssyncset.done @p1 $0x0  }
0x130: {  	s13 =	rddreg [dreg:$0x10];
	[sflag:s11] =	ssyncadd.s32 @p1 $0xFFFFDF80  }
0x131: {  	[hbm:s13], [sflag:s12] =	dma.local @p1 [spmem:s10], $0x410  }
0x132: {  	_ =	swait.ge @p1 [sflag:s11], $0x410  }
0x133: {  	[sflag:s11] =	ssyncset.done @p1 $0x0  }
0x134: {  	s10 =	rddreg [dreg:$0xd];
	[sflag:s11] =	ssyncadd.s32 @p1 $0xFFFFFBF0  }
0x135: {  	[hbm:s10], [sflag:s24] =	dma.local @!p1 [spmem:s9], $0x2780  }
0x136: {  	s9 =	simm.s32 @!p1 $0x3  }
0x137: {  	_ =	swait.ge @!p1 [sflag:s9], $0x2780  }
0x138: {  	[sflag:s9] =	ssyncset.done @!p1 $0x0  }
.Ltmp8:
0x139: {  	s10 =	rddreg [dreg:$0xe];
	[sflag:s9] =	ssyncadd.s32 @!p1 $0xFFFFD880;
	(pc) =	sbr.rel .LBB2_10-.Ltmp8, $4  }
0x13a: {  	[hbm:s10], [sflag:s24] =	dma.local @!p1 [spmem:s3], $0x4F0  }
0x13b: {  	_ =	swait.ge @!p1 [sflag:s9], $0x4F0  }
0x13c: {  	[sflag:s9] =	ssyncset.done @!p1 $0x0  }
0x13d: {  	[sflag:s9] =	ssyncadd.s32 @!p1 $0xFFFFFB10  }
.LBB2_11:
0x13e: {  	_ =	sfence.sel $0x180000  }
0x13f: {  	[bflag:$0x0] =	sbarrier.arrive $0xFFFF  }
0x140: {  	_ =	strace $0x90000047  }
0x141: {  	s0 =	stileid.u32;
	[bflag:$0x2] =	sbarrier.arrive $0xFFFF  }
0x142: {  	p0 =	sne.s32 s0, $0x0;
	s0 =	rddreg [dreg:$0x4]  }
0x143: {  	s0 =	sadd.s32 @!p0 $0x100000, s0  }
0x144: {  	[sflag:s0] =	ssyncadd.tile.s32 @!p0 $0x1;
	_ =	shalt  }
.Lfunc_end2:
_tile_overlayer_lowered:
.L_overlay_start_2:
0x145: {  	(tag) =	ssettag $0x2  }
0x146: {  	s0 =	rddreg [dreg:$0x0];
	s2 =	stileid.u32  }
0x147: {  	s1 =	rddreg [dreg:$0x1];
	p0 =	sne.s32 s2, $0x0  }
0x148: {  	s3 =	rddreg [dreg:$0x2];
	[bflag:$0x3] =	sbarrier.arrive $0xFFFF;
	s2 =	simm.s32 @!p0 $0x1C03  }
0x149: {  	[timem:s3], [sflag:s2] =	dma.local @!p0 [hbm:s0], s1  }
0x14a: {  	s0 =	simm.s32 @!p0 $0x3  }
0x14b: {  	_ =	swait.ge @!p0 [sflag:s0], s1  }
0x14c: {  	s1 =	ssub.s32 @!p0 $0x0, s1;
	[sflag:s0] =	ssyncset.done @!p0 $0x0  }
0x14d: {  	[sflag:s0] =	ssyncadd.s32 @!p0 s1  }
0x14e: {  	[bflag:$0x3] =	sbarrier.arrive $0xFFFF  }
0x14f: {  	_ =	shalt  }

</sc_bundles>
